<compile_context>
chip_gen: v7x
topology: tpu7x:2x2x1
jax: 0.10.2.dev20260603
libtpu: 0.0.44.dev20260713+nightly
codegen_flags: <defaults>
</compile_context>

<pallas_src>
import functools

import jax
import jax.numpy as jnp
import numpy as np
from jax import lax
from jax.experimental import pallas as pl
from jax.experimental.pallas import tpu as pltpu
from jax.experimental.pallas import tpu_sc as plsc

STEPS = 250
SPLIT = 70
STEPS_TC = STEPS - SPLIT
BETA = 0.02
NVAL = 10000
NITEMS = 4
SIZE = 3 * 128 * 128
NTILES = 32
BLOCKS_PER_ITEM = NTILES // NITEMS
BLK = SIZE // BLOCKS_PER_ITEM
NVEC = BLK // 16
ROWS, COLS = 384, 128
SUBROWS = ROWS // BLOCKS_PER_ITEM

_A = np.float32(np.sqrt(1.0 - BETA))
_B = np.float32(np.sqrt(BETA))
_MULT = np.uint32((1 << 32) % NVAL)


def _derive_keys():
    base = jax.random.key(42)
    item_keys = jax.vmap(lambda i: jax.random.fold_in(base, i))(jnp.arange(NITEMS))
    step_keys = jax.vmap(lambda k: jax.random.split(k, STEPS))(item_keys)
    sub = jax.vmap(jax.vmap(lambda k: jax.random.split(k)))(step_keys)
    kd = jax.random.key_data(sub)
    return kd.reshape(NITEMS, STEPS, 4)


def _tf_hash(k1, k2, ctr):
    kx = k1 ^ k2 ^ jnp.uint32(0x1BD11BDA)
    x0 = jnp.broadcast_to(k1, ctr.shape)
    x1 = ctr + k2

    def four(x0, x1, rots):
        for r in rots:
            x0 = x0 + x1
            x1 = (x1 << jnp.uint32(r)) | (x1 >> jnp.uint32(32 - r))
            x1 = x0 ^ x1
        return x0, x1

    ra = (13, 15, 26, 6)
    rb = (17, 29, 16, 24)
    x0, x1 = four(x0, x1, ra)
    x0 = x0 + k2
    x1 = x1 + kx + jnp.uint32(1)
    x0, x1 = four(x0, x1, rb)
    x0 = x0 + kx
    x1 = x1 + k1 + jnp.uint32(2)
    x0, x1 = four(x0, x1, ra)
    x0 = x0 + k1
    x1 = x1 + k2 + jnp.uint32(3)
    x0, x1 = four(x0, x1, rb)
    x0 = x0 + k2
    x1 = x1 + kx + jnp.uint32(4)
    x0, x1 = four(x0, x1, ra)
    x0 = x0 + kx
    x1 = x1 + k1 + jnp.uint32(5)
    return x0 ^ x1



def _rand_index_sc(hi_bits, lo_bits):
    s = jnp.uint32(NVAL)
    hi_m = hi_bits % s
    lo_m = lo_bits % s
    return plsc.bitcast((hi_m * _MULT + lo_m) % s, jnp.int32)


def _hash_body(x_hbm, dist_hbm, keys_hbm, out_hbm, table_v, keys_v, acc_v):
    wid = lax.axis_index("s") * 2 + lax.axis_index("c")
    item = wid // BLOCKS_PER_ITEM
    blk = wid % BLOCKS_PER_ITEM
    pltpu.sync_copy(dist_hbm.at[item], table_v)
    pltpu.sync_copy(keys_hbm.at[item], keys_v)
    pltpu.sync_copy(x_hbm.at[item, blk], acc_v)
    base_e = blk * BLK
    lane = lax.iota(jnp.int32, 16)

    def step_body(t, carry):
        kbase = t * 64
        k1a = keys_v[pl.ds(kbase, 16)]
        k1b = keys_v[pl.ds(kbase + 16, 16)]
        k2a = keys_v[pl.ds(kbase + 32, 16)]
        k2b = keys_v[pl.ds(kbase + 48, 16)]

        def inner(v, c):
            off = v * 16
            ctr = plsc.bitcast(base_e + off + lane, jnp.uint32)
            hi = _tf_hash(k1a, k1b, ctr)
            lo = _tf_hash(k2a, k2b, ctr)
            idx = _rand_index_sc(hi, lo)
            sample = plsc.load_gather(table_v, [idx])
            acc_v[pl.ds(off, 16)] = _A * acc_v[pl.ds(off, 16)] + _B * sample
            return c

        return lax.fori_loop(0, NVEC, inner, carry)

    lax.fori_loop(0, SPLIT, step_body, 0)
    pltpu.sync_copy(acc_v, out_hbm.at[item, blk])



def _approx_rem(x):
    r = (x >> jnp.uint32(16)) * jnp.uint32(5536) + (x & jnp.uint32(0xFFFF))
    ri = lax.bitcast_convert_type(r, jnp.int32)
    f = ri.astype(jnp.float32)
    q = (f * np.float32(1.0 / NVAL)).astype(jnp.int32)
    return ri - q * np.int32(NVAL)


def _final_mod(v):
    v2 = v + np.int32(330000)
    f = v2.astype(jnp.float32)
    q = (f * np.float32(1.0 / NVAL) + np.float32(0.5)).astype(jnp.int32)
    rem = v2 - q * np.int32(NVAL)
    return jnp.where(rem < 0, rem + np.int32(NVAL), rem)


TC_UNROLL = 2


def _idx_body(keys_ref, out_ref):
    e = (lax.broadcasted_iota(jnp.int32, (ROWS, COLS), 0) * COLS
         + lax.broadcasted_iota(jnp.int32, (ROWS, COLS), 1))
    ctr = lax.bitcast_convert_type(e, jnp.uint32)
    for u in range(TC_UNROLL):
        k1a, k1b, k2a, k2b = (jnp.uint32(keys_ref[u, 0, 0]),
                              jnp.uint32(keys_ref[u, 0, 1]),
                              jnp.uint32(keys_ref[u, 0, 2]),
                              jnp.uint32(keys_ref[u, 0, 3]))
        hi = _tf_hash(k1a, k1b, ctr)
        lo = _tf_hash(k2a, k2b, ctr)
        v = _approx_rem(hi) * np.int32(_MULT) + _approx_rem(lo)
        out_ref[u] = _final_mod(v)


def _make_idx_kernel():
    return pl.pallas_call(
        _idx_body,
        grid=(NITEMS * STEPS_TC // TC_UNROLL,),
        in_specs=[pl.BlockSpec((TC_UNROLL, 1, 4), lambda g: (g, 0, 0),
                               memory_space=pltpu.SMEM)],
        out_specs=pl.BlockSpec((TC_UNROLL, ROWS, COLS), lambda g: (g, 0, 0)),
        out_shape=jax.ShapeDtypeStruct((NITEMS * STEPS_TC, ROWS, COLS),
                                       jnp.int32),
    )



def _gather_body(xmid_hbm, dist_hbm, idx_hbm, out_hbm,
                 table_v, idx_v, acc_v, sem0, sem1, sem2, sem3):
    wid = lax.axis_index("s") * 2 + lax.axis_index("c")
    item = wid // BLOCKS_PER_ITEM
    blk = wid % BLOCKS_PER_ITEM
    row0 = item * STEPS_TC
    sems = (sem0, sem1, sem2, sem3)
    pltpu.sync_copy(dist_hbm.at[item], table_v)
    pltpu.sync_copy(xmid_hbm.at[item, blk], acc_v)

    def copy_in(t, buf):
        row = jnp.minimum(row0 + t, NITEMS * STEPS_TC - 1)
        return pltpu.make_async_copy(
            idx_hbm.at[row, pl.ds(blk * SUBROWS, SUBROWS)],
            idx_v.at[buf], sems[buf])

    for b in range(3):
        copy_in(b, b).start()

    def compute(buf):
        @plsc.parallel_loop(0, NVEC, 1, unroll=8)
        def _body(v):
            r = v >> 3
            cc = (v & 7) * 16
            iv = idx_v[buf, r, pl.ds(cc, 16)]
            sample = plsc.load_gather(table_v, [iv])
            off = v * 16
            acc_v[pl.ds(off, 16)] = _A * acc_v[pl.ds(off, 16)] + _B * sample

    def step4(tt, carry):
        t0 = tt * 4
        for b in range(4):
            copy_in(t0 + b, b).wait()
            copy_in(t0 + b + 3, (b + 3) % 4).start()
            compute(b)
        return carry

    lax.fori_loop(0, STEPS_TC // 4, step4, 0)
    for b in range(3):
        copy_in(0, b).wait()
    pltpu.sync_copy(acc_v, out_hbm.at[item, blk])


@jax.jit
def _run(x, dist, keys_sc, keys_tc):
    mesh = plsc.VectorSubcoreMesh(core_axis_name="c", subcore_axis_name="s")
    hash_k = pl.kernel(
        _hash_body,
        out_type=jax.ShapeDtypeStruct((NITEMS, BLOCKS_PER_ITEM, BLK),
                                      jnp.float32),
        mesh=mesh,
        scratch_types=[
            pltpu.VMEM((NVAL,), jnp.float32),
            pltpu.VMEM((SPLIT * 64,), jnp.uint32),
            pltpu.VMEM((BLK,), jnp.float32),
        ],
        compiler_params=pltpu.CompilerParams(needs_layout_passes=False),
    )
    xmid = hash_k(x, dist, keys_sc)
    idx = _make_idx_kernel()(keys_tc)
    gather_k = pl.kernel(
        _gather_body,
        out_type=jax.ShapeDtypeStruct((NITEMS, BLOCKS_PER_ITEM, BLK),
                                      jnp.float32),
        mesh=mesh,
        scratch_types=[
            pltpu.VMEM((NVAL,), jnp.float32),
            pltpu.VMEM((4, SUBROWS, COLS), jnp.int32),
            pltpu.VMEM((BLK,), jnp.float32),
            pltpu.SemaphoreType.DMA,
            pltpu.SemaphoreType.DMA,
            pltpu.SemaphoreType.DMA,
            pltpu.SemaphoreType.DMA,
        ],
        compiler_params=pltpu.CompilerParams(needs_layout_passes=False),
    )
    return gather_k(xmid, dist, idx)


def kernel(reflectance_normal, distribution):
    kd = _derive_keys()
    keys_sc = jnp.broadcast_to(
        kd[:, :SPLIT, :, None], (NITEMS, SPLIT, 4, 16)
    ).reshape(NITEMS, SPLIT * 64)
    keys_tc = lax.bitcast_convert_type(
        kd[:, SPLIT:].reshape(NITEMS * STEPS_TC, 1, 4), jnp.int32)
    x = reflectance_normal.reshape(NITEMS, BLOCKS_PER_ITEM, BLK)
    out = _run(x, distribution, keys_sc, keys_tc)
    return out.reshape(reflectance_normal.shape)

# --- scband reference (transcript-rebuilt; emitter-appended) ---
"""Pipeline reference for scband-forward-diffusion-model-26895085207689 (READ-ONLY COPY).

The authoritative reference and input builder live on the scoring server;
editing this copy changes nothing except your own understanding.
"""

import jax, jax.numpy as jnp
import numpy as np

STEPS = 250
BETA = 0.02


def setup_inputs(seed: int = 0) -> dict:
    key = jax.random.key(seed)
    k1, k2 = jax.random.split(key)
    reflectance_normal = jax.random.normal(k1, (4, 3, 128, 128), dtype=jnp.float32)
    distribution = jax.random.normal(k2, (4, 10000), dtype=jnp.float32)
    return {"reflectance_normal": reflectance_normal, "distribution": distribution}


def _diffuse_one(x0, dist, key):
    # Faithful translation of ForwardDiffusionModel.diffuse:
    #   xt = sqrt(1-beta)*xt + sqrt(beta)*sample, sample drawn i.i.d. with
    #   replacement from the empirical distribution (flattened values of `dist`).
    dist_flat = dist.reshape(-1)
    n = dist_flat.shape[0]
    a = jnp.sqrt(1.0 - BETA).astype(jnp.float32)
    b = jnp.sqrt(BETA).astype(jnp.float32)

    def step(xt, k):
        idx = jax.random.randint(k, x0.shape, 0, n)
        sample = jnp.take(dist_flat, idx, axis=0)
        xt = a * xt + b * sample
        return xt, None

    keys = jax.random.split(key, STEPS)
    xt, _ = jax.lax.scan(step, x0, keys)
    return xt


def reference(reflectance_normal, distribution):
    B = reflectance_normal.shape[0]
    base = jax.random.key(42)
    outs = []
    for i in range(B):
        outs.append(_diffuse_one(reflectance_normal[i], distribution[i], jax.random.fold_in(base, i)))
    return jnp.stack(outs)

if __name__ == "__main__":
    import jax
    _d = setup_inputs()
    print(jax.jit(kernel)(*tuple(_d.values())))

</pallas_src>

<mosaic_0001>
#map = affine_map<(d0, d1) -> (0, 0, 0)>
#map1 = affine_map<(d0, d1) -> (0, 0)>
module attributes {stable_mosaic.version = 14 : i64} {
  func.func @_hash_body(%arg0: i32, %arg1: i32, %arg2: memref<4x8x6144xf32, #tpu.memory_space<hbm>>, %arg3: memref<4x10000xf32, #tpu.memory_space<hbm>>, %arg4: memref<4x4480xi32, #tpu.memory_space<hbm>>, %arg5: memref<4x8x6144xf32, #tpu.memory_space<hbm>>, %arg6: memref<10000xf32, #tpu.memory_space<vmem>>, %arg7: memref<4480xi32, #tpu.memory_space<vmem>>, %arg8: memref<6144xf32, #tpu.memory_space<vmem>>) attributes {dimension_semantics = [#tpu.dimension_semantics<core_parallel>, #tpu.dimension_semantics<subcore_parallel>], iteration_bounds = array<i64: 2, 16>, scalar_prefetch = 0 : i64, scratch_operands = 3 : i64, tpu.core_type = #tpu.core_type<sc_vector_subcore>, window_params = [{transform_indices = #map}, {transform_indices = #map1}, {transform_indices = #map1}, {transform_indices = #map}]} {
    %mul3A = arith.constant 2 : i32
    %mul3A_0 = arith.muli %arg1, %mul3A : i32
    %add3A = arith.addi %mul3A_0, %arg0 : i32
    %jit3A = arith.constant 8 : i32
    %div3A = arith.divsi %add3A, %jit3A : i32
    %sign3A = arith.constant 0 : i32
    %sign3A_1 = arith.cmpi sgt, %add3A, %sign3A : i32
    %sign3A_2 = arith.extui %sign3A_1 : i1 to i32
    %sign3A_3 = arith.constant 0 : i32
    %sign3A_4 = arith.cmpi slt, %add3A, %sign3A_3 : i32
    %sign3A_5 = arith.extui %sign3A_4 : i1 to i32
    %sign3A_6 = arith.subi %sign3A_2, %sign3A_5 : i32
    %sign3A_7 = arith.constant 0 : i32
    %sign3A_8 = arith.cmpi sgt, %jit3A, %sign3A_7 : i32
    %sign3A_9 = arith.extui %sign3A_8 : i1 to i32
    %sign3A_10 = arith.constant 0 : i32
    %sign3A_11 = arith.cmpi slt, %jit3A, %sign3A_10 : i32
    %sign3A_12 = arith.extui %sign3A_11 : i1 to i32
    %sign3A_13 = arith.subi %sign3A_9, %sign3A_12 : i32
    %ne3A = arith.cmpi ne, %sign3A_6, %sign3A_13 : i32
    %rem3A = arith.remsi %add3A, %jit3A : i32
    %ne3A_14 = arith.constant 0 : i32
    %ne3A_15 = arith.cmpi ne, %rem3A, %ne3A_14 : i32
    %and3A = arith.andi %ne3A, %ne3A_15 : i1
    %sub3A = arith.constant 1 : i32
    %sub3A_16 = arith.subi %div3A, %sub3A : i32
    %select_n3A = arith.select %and3A, %sub3A_16, %div3A : i32
    %jit3A_17 = arith.constant 8 : i32
    %eq3A = arith.constant 0 : i32
    %eq3A_18 = arith.cmpi eq, %jit3A_17, %eq3A : i32
    %jit3A_19 = arith.constant 1 : i32
    %select_n3A_20 = arith.select %eq3A_18, %jit3A_19, %jit3A_17 : i32
    %rem3A_21 = arith.remsi %add3A, %select_n3A_20 : i32
    %ne3A_22 = arith.constant 0 : i32
    %ne3A_23 = arith.cmpi ne, %rem3A_21, %ne3A_22 : i32
    %lt3A = arith.constant 0 : i32
    %lt3A_24 = arith.cmpi slt, %rem3A_21, %lt3A : i32
    %lt3A_25 = arith.constant 0 : i32
    %lt3A_26 = arith.cmpi slt, %select_n3A_20, %lt3A_25 : i32
    %ne3A_27 = arith.xori %lt3A_24, %lt3A_26 : i1
    %and3A_28 = arith.andi %ne3A_27, %ne3A_23 : i1
    %add3A_29 = arith.addi %rem3A_21, %select_n3A_20 : i32
    %select_n3A_30 = arith.select %and3A_28, %add3A_29, %rem3A_21 : i32
    "tpu.region"() ({
      %run_scoped3A = tpu.sem_alloc : memref<!tpu.dma_semaphore, #tpu.memory_space<semaphore_mem>>
      %dma_start3A = arith.constant 0 : i32
      %dma_start3A_38 = tpu.memref_slice %arg3[%select_n3A, %dma_start3A] : memref<4x10000xf32, #tpu.memory_space<hbm>> -> memref<1x10000xf32, #tpu.memory_space<hbm>>
      %dma_start3A_39 = tpu.memref_squeeze %dma_start3A_38 : memref<1x10000xf32, #tpu.memory_space<hbm>> -> memref<10000xf32, #tpu.memory_space<hbm>>
      %dma_start3A_40 = arith.constant 0 : i32
      %dma_start3A_41 = tpu.memref_slice %arg3[%select_n3A, %dma_start3A_40] : memref<4x10000xf32, #tpu.memory_space<hbm>> -> memref<1x10000xf32, #tpu.memory_space<hbm>>
      %dma_start3A_42 = tpu.memref_squeeze %dma_start3A_41 : memref<1x10000xf32, #tpu.memory_space<hbm>> -> memref<10000xf32, #tpu.memory_space<hbm>>
      tpu.enqueue_dma source(%dma_start3A_42 : memref<10000xf32, #tpu.memory_space<hbm>>) target(%arg6 : memref<10000xf32, #tpu.memory_space<vmem>>) target_semaphore(%run_scoped3A : memref<!tpu.dma_semaphore, #tpu.memory_space<semaphore_mem>>)
      %dma_wait3A = arith.constant 0 : i32
      %dma_wait3A_43 = tpu.memref_slice %arg3[%select_n3A, %dma_wait3A] : memref<4x10000xf32, #tpu.memory_space<hbm>> -> memref<1x10000xf32, #tpu.memory_space<hbm>>
      %dma_wait3A_44 = tpu.memref_squeeze %dma_wait3A_43 : memref<1x10000xf32, #tpu.memory_space<hbm>> -> memref<10000xf32, #tpu.memory_space<hbm>>
      %dma_wait3A_45 = arith.constant 0 : i32
      %dma_wait3A_46 = tpu.memref_slice %arg3[%select_n3A, %dma_wait3A_45] : memref<4x10000xf32, #tpu.memory_space<hbm>> -> memref<1x10000xf32, #tpu.memory_space<hbm>>
      %dma_wait3A_47 = tpu.memref_squeeze %dma_wait3A_46 : memref<1x10000xf32, #tpu.memory_space<hbm>> -> memref<10000xf32, #tpu.memory_space<hbm>>
      tpu.wait_dma2 semaphore(%run_scoped3A : memref<!tpu.dma_semaphore, #tpu.memory_space<semaphore_mem>>) src(%dma_wait3A_47 : memref<10000xf32, #tpu.memory_space<hbm>>) dst(%arg6 : memref<10000xf32, #tpu.memory_space<vmem>>)
      tpu.yield
    }) : () -> ()
    "tpu.region"() ({
      %run_scoped3A = tpu.sem_alloc : memref<!tpu.dma_semaphore, #tpu.memory_space<semaphore_mem>>
      %dma_start3A = arith.constant 0 : i32
      %dma_start3A_38 = tpu.memref_slice %arg4[%select_n3A, %dma_start3A] : memref<4x4480xi32, #tpu.memory_space<hbm>> -> memref<1x4480xi32, #tpu.memory_space<hbm>>
      %dma_start3A_39 = tpu.memref_squeeze %dma_start3A_38 : memref<1x4480xi32, #tpu.memory_space<hbm>> -> memref<4480xi32, #tpu.memory_space<hbm>>
      %dma_start3A_40 = arith.constant 0 : i32
      %dma_start3A_41 = tpu.memref_slice %arg4[%select_n3A, %dma_start3A_40] : memref<4x4480xi32, #tpu.memory_space<hbm>> -> memref<1x4480xi32, #tpu.memory_space<hbm>>
      %dma_start3A_42 = tpu.memref_squeeze %dma_start3A_41 : memref<1x4480xi32, #tpu.memory_space<hbm>> -> memref<4480xi32, #tpu.memory_space<hbm>>
      tpu.enqueue_dma source(%dma_start3A_42 : memref<4480xi32, #tpu.memory_space<hbm>>) target(%arg7 : memref<4480xi32, #tpu.memory_space<vmem>>) target_semaphore(%run_scoped3A : memref<!tpu.dma_semaphore, #tpu.memory_space<semaphore_mem>>)
      %dma_wait3A = arith.constant 0 : i32
      %dma_wait3A_43 = tpu.memref_slice %arg4[%select_n3A, %dma_wait3A] : memref<4x4480xi32, #tpu.memory_space<hbm>> -> memref<1x4480xi32, #tpu.memory_space<hbm>>
      %dma_wait3A_44 = tpu.memref_squeeze %dma_wait3A_43 : memref<1x4480xi32, #tpu.memory_space<hbm>> -> memref<4480xi32, #tpu.memory_space<hbm>>
      %dma_wait3A_45 = arith.constant 0 : i32
      %dma_wait3A_46 = tpu.memref_slice %arg4[%select_n3A, %dma_wait3A_45] : memref<4x4480xi32, #tpu.memory_space<hbm>> -> memref<1x4480xi32, #tpu.memory_space<hbm>>
      %dma_wait3A_47 = tpu.memref_squeeze %dma_wait3A_46 : memref<1x4480xi32, #tpu.memory_space<hbm>> -> memref<4480xi32, #tpu.memory_space<hbm>>
      tpu.wait_dma2 semaphore(%run_scoped3A : memref<!tpu.dma_semaphore, #tpu.memory_space<semaphore_mem>>) src(%dma_wait3A_47 : memref<4480xi32, #tpu.memory_space<hbm>>) dst(%arg7 : memref<4480xi32, #tpu.memory_space<vmem>>)
      tpu.yield
    }) : () -> ()
    "tpu.region"() ({
      %run_scoped3A = tpu.sem_alloc : memref<!tpu.dma_semaphore, #tpu.memory_space<semaphore_mem>>
      %dma_start3A = arith.constant 0 : i32
      %dma_start3A_38 = tpu.memref_slice %arg2[%select_n3A, %select_n3A_30, %dma_start3A] : memref<4x8x6144xf32, #tpu.memory_space<hbm>> -> memref<1x1x6144xf32, #tpu.memory_space<hbm>>
      %dma_start3A_39 = tpu.memref_squeeze %dma_start3A_38 : memref<1x1x6144xf32, #tpu.memory_space<hbm>> -> memref<6144xf32, #tpu.memory_space<hbm>>
      %dma_start3A_40 = arith.constant 0 : i32
      %dma_start3A_41 = tpu.memref_slice %arg2[%select_n3A, %select_n3A_30, %dma_start3A_40] : memref<4x8x6144xf32, #tpu.memory_space<hbm>> -> memref<1x1x6144xf32, #tpu.memory_space<hbm>>
      %dma_start3A_42 = tpu.memref_squeeze %dma_start3A_41 : memref<1x1x6144xf32, #tpu.memory_space<hbm>> -> memref<6144xf32, #tpu.memory_space<hbm>>
      tpu.enqueue_dma source(%dma_start3A_42 : memref<6144xf32, #tpu.memory_space<hbm>>) target(%arg8 : memref<6144xf32, #tpu.memory_space<vmem>>) target_semaphore(%run_scoped3A : memref<!tpu.dma_semaphore, #tpu.memory_space<semaphore_mem>>)
      %dma_wait3A = arith.constant 0 : i32
      %dma_wait3A_43 = tpu.memref_slice %arg2[%select_n3A, %select_n3A_30, %dma_wait3A] : memref<4x8x6144xf32, #tpu.memory_space<hbm>> -> memref<1x1x6144xf32, #tpu.memory_space<hbm>>
      %dma_wait3A_44 = tpu.memref_squeeze %dma_wait3A_43 : memref<1x1x6144xf32, #tpu.memory_space<hbm>> -> memref<6144xf32, #tpu.memory_space<hbm>>
      %dma_wait3A_45 = arith.constant 0 : i32
      %dma_wait3A_46 = tpu.memref_slice %arg2[%select_n3A, %select_n3A_30, %dma_wait3A_45] : memref<4x8x6144xf32, #tpu.memory_space<hbm>> -> memref<1x1x6144xf32, #tpu.memory_space<hbm>>
      %dma_wait3A_47 = tpu.memref_squeeze %dma_wait3A_46 : memref<1x1x6144xf32, #tpu.memory_space<hbm>> -> memref<6144xf32, #tpu.memory_space<hbm>>
      tpu.wait_dma2 semaphore(%run_scoped3A : memref<!tpu.dma_semaphore, #tpu.memory_space<semaphore_mem>>) src(%dma_wait3A_47 : memref<6144xf32, #tpu.memory_space<hbm>>) dst(%arg8 : memref<6144xf32, #tpu.memory_space<vmem>>)
      tpu.yield
    }) : () -> ()
    %mul3A_31 = arith.constant 6144 : i32
    %mul3A_32 = arith.muli %select_n3A_30, %mul3A_31 : i32
    %iota3A = tpu.iota {dimensions = array<i32: 0>} : vector<16xi32>
    %scan3A = arith.constant 0 : i32
    %scan3A_33 = arith.constant 0 : i32
    %scan3A_34 = arith.constant 70 : i32
    %scan3A_35 = arith.addi %scan3A_33, %scan3A_34 : i32
    %scan3A_36 = arith.constant 1 : i32
    scf.for %scan3A_38 = %scan3A_33 to %scan3A_35 step %scan3A_36  : i32 {
      %mul3A_39 = arith.constant 64 : i32
      %mul3A_40 = arith.muli %scan3A_38, %mul3A_39 : i32
      %get3A = arith.index_cast %mul3A_40 : i32 to index
      %get3A_41 = tpu.vector_load %arg7[%get3A] {strides = array<i32>} : memref<4480xi32, #tpu.memory_space<vmem>>, vector<16xi32>,
      %add3A_42 = arith.constant 16 : i32
      %add3A_43 = arith.addi %mul3A_40, %add3A_42 : i32
      %get3A_44 = arith.index_cast %add3A_43 : i32 to index
      %get3A_45 = tpu.vector_load %arg7[%get3A_44] {strides = array<i32>} : memref<4480xi32, #tpu.memory_space<vmem>>, vector<16xi32>,
      %add3A_46 = arith.constant 32 : i32
      %add3A_47 = arith.addi %mul3A_40, %add3A_46 : i32
      %get3A_48 = arith.index_cast %add3A_47 : i32 to index
      %get3A_49 = tpu.vector_load %arg7[%get3A_48] {strides = array<i32>} : memref<4480xi32, #tpu.memory_space<vmem>>, vector<16xi32>,
      %add3A_50 = arith.constant 48 : i32
      %add3A_51 = arith.addi %mul3A_40, %add3A_50 : i32
      %get3A_52 = arith.index_cast %add3A_51 : i32 to index
      %get3A_53 = tpu.vector_load %arg7[%get3A_52] {strides = array<i32>} : memref<4480xi32, #tpu.memory_space<vmem>>, vector<16xi32>,
      %scan3A_54 = arith.constant 0 : i32
      %scan3A_55 = arith.constant 384 : i32
      %scan3A_56 = arith.addi %scan3A_54, %scan3A_55 : i32
      %scan3A_57 = arith.constant 1 : i32
      scf.for %scan3A_59 = %scan3A_54 to %scan3A_56 step %scan3A_57  : i32 {
        %mul3A_60 = arith.constant 16 : i32
        %mul3A_61 = arith.muli %scan3A_59, %mul3A_60 : i32
        %add3A_62 = arith.addi %mul3A_32, %mul3A_61 : i32
        %add3A_63 = vector.broadcast %add3A_62 : i32 to vector<16xi32>
        %add3A_64 = arith.addi %add3A_63, %iota3A : vector<16xi32>
        %bitcast3A = vector.bitcast %add3A_64 : vector<16xi32> to vector<16xi32>
        %xor3A = arith.xori %get3A_41, %get3A_45 : vector<16xi32>
        %xor3A_65 = arith.constant 466688986 : i32
        %xor3A_66 = vector.broadcast %xor3A_65 : i32 to vector<16xi32>
        %xor3A_67 = arith.xori %xor3A, %xor3A_66 : vector<16xi32>
        %add3A_68 = arith.addi %bitcast3A, %get3A_45 : vector<16xi32>
        %add3A_69 = arith.addi %get3A_41, %add3A_68 : vector<16xi32>
        %shift_left3A = arith.constant 13 : i32
        %shift_left3A_70 = vector.broadcast %shift_left3A : i32 to vector<16xi32>
        %shift_left3A_71 = arith.shli %add3A_68, %shift_left3A_70 : vector<16xi32>
        %shift_right_logical3A = arith.constant 19 : i32
        %shift_right_logical3A_72 = vector.broadcast %shift_right_logical3A : i32 to vector<16xi32>
        %shift_right_logical3A_73 = arith.shrui %add3A_68, %shift_right_logical3A_72 : vector<16xi32>
        %or3A = arith.ori %shift_left3A_71, %shift_right_logical3A_73 : vector<16xi32>
        %xor3A_74 = arith.xori %add3A_69, %or3A : vector<16xi32>
        %add3A_75 = arith.addi %add3A_69, %xor3A_74 : vector<16xi32>
        %shift_left3A_76 = arith.constant 15 : i32
        %shift_left3A_77 = vector.broadcast %shift_left3A_76 : i32 to vector<16xi32>
        %shift_left3A_78 = arith.shli %xor3A_74, %shift_left3A_77 : vector<16xi32>
        %shift_right_logical3A_79 = arith.constant 17 : i32
        %shift_right_logical3A_80 = vector.broadcast %shift_right_logical3A_79 : i32 to vector<16xi32>
        %shift_right_logical3A_81 = arith.shrui %xor3A_74, %shift_right_logical3A_80 : vector<16xi32>
        %or3A_82 = arith.ori %shift_left3A_78, %shift_right_logical3A_81 : vector<16xi32>
        %xor3A_83 = arith.xori %add3A_75, %or3A_82 : vector<16xi32>
        %add3A_84 = arith.addi %add3A_75, %xor3A_83 : vector<16xi32>
        %shift_left3A_85 = arith.constant 26 : i32
        %shift_left3A_86 = vector.broadcast %shift_left3A_85 : i32 to vector<16xi32>
        %shift_left3A_87 = arith.shli %xor3A_83, %shift_left3A_86 : vector<16xi32>
        %shift_right_logical3A_88 = arith.constant 6 : i32
        %shift_right_logical3A_89 = vector.broadcast %shift_right_logical3A_88 : i32 to vector<16xi32>
        %shift_right_logical3A_90 = arith.shrui %xor3A_83, %shift_right_logical3A_89 : vector<16xi32>
        %or3A_91 = arith.ori %shift_left3A_87, %shift_right_logical3A_90 : vector<16xi32>
        %xor3A_92 = arith.xori %add3A_84, %or3A_91 : vector<16xi32>
        %add3A_93 = arith.addi %add3A_84, %xor3A_92 : vector<16xi32>
        %shift_left3A_94 = arith.constant 6 : i32
        %shift_left3A_95 = vector.broadcast %shift_left3A_94 : i32 to vector<16xi32>
        %shift_left3A_96 = arith.shli %xor3A_92, %shift_left3A_95 : vector<16xi32>
        %shift_right_logical3A_97 = arith.constant 26 : i32
        %shift_right_logical3A_98 = vector.broadcast %shift_right_logical3A_97 : i32 to vector<16xi32>
        %shift_right_logical3A_99 = arith.shrui %xor3A_92, %shift_right_logical3A_98 : vector<16xi32>
        %or3A_100 = arith.ori %shift_left3A_96, %shift_right_logical3A_99 : vector<16xi32>
        %xor3A_101 = arith.xori %add3A_93, %or3A_100 : vector<16xi32>
        %add3A_102 = arith.addi %add3A_93, %get3A_45 : vector<16xi32>
        %add3A_103 = arith.addi %xor3A_101, %xor3A_67 : vector<16xi32>
        %add3A_104 = arith.constant 1 : i32
        %add3A_105 = vector.broadcast %add3A_104 : i32 to vector<16xi32>
        %add3A_106 = arith.addi %add3A_103, %add3A_105 : vector<16xi32>
        %add3A_107 = arith.addi %add3A_102, %add3A_106 : vector<16xi32>
        %shift_left3A_108 = arith.constant 17 : i32
        %shift_left3A_109 = vector.broadcast %shift_left3A_108 : i32 to vector<16xi32>
        %shift_left3A_110 = arith.shli %add3A_106, %shift_left3A_109 : vector<16xi32>
        %shift_right_logical3A_111 = arith.constant 15 : i32
        %shift_right_logical3A_112 = vector.broadcast %shift_right_logical3A_111 : i32 to vector<16xi32>
        %shift_right_logical3A_113 = arith.shrui %add3A_106, %shift_right_logical3A_112 : vector<16xi32>
        %or3A_114 = arith.ori %shift_left3A_110, %shift_right_logical3A_113 : vector<16xi32>
        %xor3A_115 = arith.xori %add3A_107, %or3A_114 : vector<16xi32>
        %add3A_116 = arith.addi %add3A_107, %xor3A_115 : vector<16xi32>
        %shift_left3A_117 = arith.constant 29 : i32
        %shift_left3A_118 = vector.broadcast %shift_left3A_117 : i32 to vector<16xi32>
        %shift_left3A_119 = arith.shli %xor3A_115, %shift_left3A_118 : vector<16xi32>
        %shift_right_logical3A_120 = arith.constant 3 : i32
        %shift_right_logical3A_121 = vector.broadcast %shift_right_logical3A_120 : i32 to vector<16xi32>
        %shift_right_logical3A_122 = arith.shrui %xor3A_115, %shift_right_logical3A_121 : vector<16xi32>
        %or3A_123 = arith.ori %shift_left3A_119, %shift_right_logical3A_122 : vector<16xi32>
        %xor3A_124 = arith.xori %add3A_116, %or3A_123 : vector<16xi32>
        %add3A_125 = arith.addi %add3A_116, %xor3A_124 : vector<16xi32>
        %shift_left3A_126 = arith.constant 16 : i32
        %shift_left3A_127 = vector.broadcast %shift_left3A_126 : i32 to vector<16xi32>
        %shift_left3A_128 = arith.shli %xor3A_124, %shift_left3A_127 : vector<16xi32>
        %shift_right_logical3A_129 = arith.constant 16 : i32
        %shift_right_logical3A_130 = vector.broadcast %shift_right_logical3A_129 : i32 to vector<16xi32>
        %shift_right_logical3A_131 = arith.shrui %xor3A_124, %shift_right_logical3A_130 : vector<16xi32>
        %or3A_132 = arith.ori %shift_left3A_128, %shift_right_logical3A_131 : vector<16xi32>
        %xor3A_133 = arith.xori %add3A_125, %or3A_132 : vector<16xi32>
        %add3A_134 = arith.addi %add3A_125, %xor3A_133 : vector<16xi32>
        %shift_left3A_135 = arith.constant 24 : i32
        %shift_left3A_136 = vector.broadcast %shift_left3A_135 : i32 to vector<16xi32>
        %shift_left3A_137 = arith.shli %xor3A_133, %shift_left3A_136 : vector<16xi32>
        %shift_right_logical3A_138 = arith.constant 8 : i32
        %shift_right_logical3A_139 = vector.broadcast %shift_right_logical3A_138 : i32 to vector<16xi32>
        %shift_right_logical3A_140 = arith.shrui %xor3A_133, %shift_right_logical3A_139 : vector<16xi32>
        %or3A_141 = arith.ori %shift_left3A_137, %shift_right_logical3A_140 : vector<16xi32>
        %xor3A_142 = arith.xori %add3A_134, %or3A_141 : vector<16xi32>
        %add3A_143 = arith.addi %add3A_134, %xor3A_67 : vector<16xi32>
        %add3A_144 = arith.addi %xor3A_142, %get3A_41 : vector<16xi32>
        %add3A_145 = arith.constant 2 : i32
        %add3A_146 = vector.broadcast %add3A_145 : i32 to vector<16xi32>
        %add3A_147 = arith.addi %add3A_144, %add3A_146 : vector<16xi32>
        %add3A_148 = arith.addi %add3A_143, %add3A_147 : vector<16xi32>
        %shift_left3A_149 = arith.constant 13 : i32
        %shift_left3A_150 = vector.broadcast %shift_left3A_149 : i32 to vector<16xi32>
        %shift_left3A_151 = arith.shli %add3A_147, %shift_left3A_150 : vector<16xi32>
        %shift_right_logical3A_152 = arith.constant 19 : i32
        %shift_right_logical3A_153 = vector.broadcast %shift_right_logical3A_152 : i32 to vector<16xi32>
        %shift_right_logical3A_154 = arith.shrui %add3A_147, %shift_right_logical3A_153 : vector<16xi32>
        %or3A_155 = arith.ori %shift_left3A_151, %shift_right_logical3A_154 : vector<16xi32>
        %xor3A_156 = arith.xori %add3A_148, %or3A_155 : vector<16xi32>
        %add3A_157 = arith.addi %add3A_148, %xor3A_156 : vector<16xi32>
        %shift_left3A_158 = arith.constant 15 : i32
        %shift_left3A_159 = vector.broadcast %shift_left3A_158 : i32 to vector<16xi32>
        %shift_left3A_160 = arith.shli %xor3A_156, %shift_left3A_159 : vector<16xi32>
        %shift_right_logical3A_161 = arith.constant 17 : i32
        %shift_right_logical3A_162 = vector.broadcast %shift_right_logical3A_161 : i32 to vector<16xi32>
        %shift_right_logical3A_163 = arith.shrui %xor3A_156, %shift_right_logical3A_162 : vector<16xi32>
        %or3A_164 = arith.ori %shift_left3A_160, %shift_right_logical3A_163 : vector<16xi32>
        %xor3A_165 = arith.xori %add3A_157, %or3A_164 : vector<16xi32>
        %add3A_166 = arith.addi %add3A_157, %xor3A_165 : vector<16xi32>
        %shift_left3A_167 = arith.constant 26 : i32
        %shift_left3A_168 = vector.broadcast %shift_left3A_167 : i32 to vector<16xi32>
        %shift_left3A_169 = arith.shli %xor3A_165, %shift_left3A_168 : vector<16xi32>
        %shift_right_logical3A_170 = arith.constant 6 : i32
        %shift_right_logical3A_171 = vector.broadcast %shift_right_logical3A_170 : i32 to vector<16xi32>
        %shift_right_logical3A_172 = arith.shrui %xor3A_165, %shift_right_logical3A_171 : vector<16xi32>
        %or3A_173 = arith.ori %shift_left3A_169, %shift_right_logical3A_172 : vector<16xi32>
        %xor3A_174 = arith.xori %add3A_166, %or3A_173 : vector<16xi32>
        %add3A_175 = arith.addi %add3A_166, %xor3A_174 : vector<16xi32>
        %shift_left3A_176 = arith.constant 6 : i32
        %shift_left3A_177 = vector.broadcast %shift_left3A_176 : i32 to vector<16xi32>
        %shift_left3A_178 = arith.shli %xor3A_174, %shift_left3A_177 : vector<16xi32>
        %shift_right_logical3A_179 = arith.constant 26 : i32
        %shift_right_logical3A_180 = vector.broadcast %shift_right_logical3A_179 : i32 to vector<16xi32>
        %shift_right_logical3A_181 = arith.shrui %xor3A_174, %shift_right_logical3A_180 : vector<16xi32>
        %or3A_182 = arith.ori %shift_left3A_178, %shift_right_logical3A_181 : vector<16xi32>
        %xor3A_183 = arith.xori %add3A_175, %or3A_182 : vector<16xi32>
        %add3A_184 = arith.addi %add3A_175, %get3A_41 : vector<16xi32>
        %add3A_185 = arith.addi %xor3A_183, %get3A_45 : vector<16xi32>
        %add3A_186 = arith.constant 3 : i32
        %add3A_187 = vector.broadcast %add3A_186 : i32 to vector<16xi32>
        %add3A_188 = arith.addi %add3A_185, %add3A_187 : vector<16xi32>
        %add3A_189 = arith.addi %add3A_184, %add3A_188 : vector<16xi32>
        %shift_left3A_190 = arith.constant 17 : i32
        %shift_left3A_191 = vector.broadcast %shift_left3A_190 : i32 to vector<16xi32>
        %shift_left3A_192 = arith.shli %add3A_188, %shift_left3A_191 : vector<16xi32>
        %shift_right_logical3A_193 = arith.constant 15 : i32
        %shift_right_logical3A_194 = vector.broadcast %shift_right_logical3A_193 : i32 to vector<16xi32>
        %shift_right_logical3A_195 = arith.shrui %add3A_188, %shift_right_logical3A_194 : vector<16xi32>
        %or3A_196 = arith.ori %shift_left3A_192, %shift_right_logical3A_195 : vector<16xi32>
        %xor3A_197 = arith.xori %add3A_189, %or3A_196 : vector<16xi32>
        %add3A_198 = arith.addi %add3A_189, %xor3A_197 : vector<16xi32>
        %shift_left3A_199 = arith.constant 29 : i32
        %shift_left3A_200 = vector.broadcast %shift_left3A_199 : i32 to vector<16xi32>
        %shift_left3A_201 = arith.shli %xor3A_197, %shift_left3A_200 : vector<16xi32>
        %shift_right_logical3A_202 = arith.constant 3 : i32
        %shift_right_logical3A_203 = vector.broadcast %shift_right_logical3A_202 : i32 to vector<16xi32>
        %shift_right_logical3A_204 = arith.shrui %xor3A_197, %shift_right_logical3A_203 : vector<16xi32>
        %or3A_205 = arith.ori %shift_left3A_201, %shift_right_logical3A_204 : vector<16xi32>
        %xor3A_206 = arith.xori %add3A_198, %or3A_205 : vector<16xi32>
        %add3A_207 = arith.addi %add3A_198, %xor3A_206 : vector<16xi32>
        %shift_left3A_208 = arith.constant 16 : i32
        %shift_left3A_209 = vector.broadcast %shift_left3A_208 : i32 to vector<16xi32>
        %shift_left3A_210 = arith.shli %xor3A_206, %shift_left3A_209 : vector<16xi32>
        %shift_right_logical3A_211 = arith.constant 16 : i32
        %shift_right_logical3A_212 = vector.broadcast %shift_right_logical3A_211 : i32 to vector<16xi32>
        %shift_right_logical3A_213 = arith.shrui %xor3A_206, %shift_right_logical3A_212 : vector<16xi32>
        %or3A_214 = arith.ori %shift_left3A_210, %shift_right_logical3A_213 : vector<16xi32>
        %xor3A_215 = arith.xori %add3A_207, %or3A_214 : vector<16xi32>
        %add3A_216 = arith.addi %add3A_207, %xor3A_215 : vector<16xi32>
        %shift_left3A_217 = arith.constant 24 : i32
        %shift_left3A_218 = vector.broadcast %shift_left3A_217 : i32 to vector<16xi32>
        %shift_left3A_219 = arith.shli %xor3A_215, %shift_left3A_218 : vector<16xi32>
        %shift_right_logical3A_220 = arith.constant 8 : i32
        %shift_right_logical3A_221 = vector.broadcast %shift_right_logical3A_220 : i32 to vector<16xi32>
        %shift_right_logical3A_222 = arith.shrui %xor3A_215, %shift_right_logical3A_221 : vector<16xi32>
        %or3A_223 = arith.ori %shift_left3A_219, %shift_right_logical3A_222 : vector<16xi32>
        %xor3A_224 = arith.xori %add3A_216, %or3A_223 : vector<16xi32>
        %add3A_225 = arith.addi %add3A_216, %get3A_45 : vector<16xi32>
        %add3A_226 = arith.addi %xor3A_224, %xor3A_67 : vector<16xi32>
        %add3A_227 = arith.constant 4 : i32
        %add3A_228 = vector.broadcast %add3A_227 : i32 to vector<16xi32>
        %add3A_229 = arith.addi %add3A_226, %add3A_228 : vector<16xi32>
        %add3A_230 = arith.addi %add3A_225, %add3A_229 : vector<16xi32>
        %shift_left3A_231 = arith.constant 13 : i32
        %shift_left3A_232 = vector.broadcast %shift_left3A_231 : i32 to vector<16xi32>
        %shift_left3A_233 = arith.shli %add3A_229, %shift_left3A_232 : vector<16xi32>
        %shift_right_logical3A_234 = arith.constant 19 : i32
        %shift_right_logical3A_235 = vector.broadcast %shift_right_logical3A_234 : i32 to vector<16xi32>
        %shift_right_logical3A_236 = arith.shrui %add3A_229, %shift_right_logical3A_235 : vector<16xi32>
        %or3A_237 = arith.ori %shift_left3A_233, %shift_right_logical3A_236 : vector<16xi32>
        %xor3A_238 = arith.xori %add3A_230, %or3A_237 : vector<16xi32>
        %add3A_239 = arith.addi %add3A_230, %xor3A_238 : vector<16xi32>
        %shift_left3A_240 = arith.constant 15 : i32
        %shift_left3A_241 = vector.broadcast %shift_left3A_240 : i32 to vector<16xi32>
        %shift_left3A_242 = arith.shli %xor3A_238, %shift_left3A_241 : vector<16xi32>
        %shift_right_logical3A_243 = arith.constant 17 : i32
        %shift_right_logical3A_244 = vector.broadcast %shift_right_logical3A_243 : i32 to vector<16xi32>
        %shift_right_logical3A_245 = arith.shrui %xor3A_238, %shift_right_logical3A_244 : vector<16xi32>
        %or3A_246 = arith.ori %shift_left3A_242, %shift_right_logical3A_245 : vector<16xi32>
        %xor3A_247 = arith.xori %add3A_239, %or3A_246 : vector<16xi32>
        %add3A_248 = arith.addi %add3A_239, %xor3A_247 : vector<16xi32>
        %shift_left3A_249 = arith.constant 26 : i32
        %shift_left3A_250 = vector.broadcast %shift_left3A_249 : i32 to vector<16xi32>
        %shift_left3A_251 = arith.shli %xor3A_247, %shift_left3A_250 : vector<16xi32>
        %shift_right_logical3A_252 = arith.constant 6 : i32
        %shift_right_logical3A_253 = vector.broadcast %shift_right_logical3A_252 : i32 to vector<16xi32>
        %shift_right_logical3A_254 = arith.shrui %xor3A_247, %shift_right_logical3A_253 : vector<16xi32>
        %or3A_255 = arith.ori %shift_left3A_251, %shift_right_logical3A_254 : vector<16xi32>
        %xor3A_256 = arith.xori %add3A_248, %or3A_255 : vector<16xi32>
        %add3A_257 = arith.addi %add3A_248, %xor3A_256 : vector<16xi32>
        %shift_left3A_258 = arith.constant 6 : i32
        %shift_left3A_259 = vector.broadcast %shift_left3A_258 : i32 to vector<16xi32>
        %shift_left3A_260 = arith.shli %xor3A_256, %shift_left3A_259 : vector<16xi32>
        %shift_right_logical3A_261 = arith.constant 26 : i32
        %shift_right_logical3A_262 = vector.broadcast %shift_right_logical3A_261 : i32 to vector<16xi32>
        %shift_right_logical3A_263 = arith.shrui %xor3A_256, %shift_right_logical3A_262 : vector<16xi32>
        %or3A_264 = arith.ori %shift_left3A_260, %shift_right_logical3A_263 : vector<16xi32>
        %xor3A_265 = arith.xori %add3A_257, %or3A_264 : vector<16xi32>
        %add3A_266 = arith.addi %add3A_257, %xor3A_67 : vector<16xi32>
        %add3A_267 = arith.addi %xor3A_265, %get3A_41 : vector<16xi32>
        %add3A_268 = arith.constant 5 : i32
        %add3A_269 = vector.broadcast %add3A_268 : i32 to vector<16xi32>
        %add3A_270 = arith.addi %add3A_267, %add3A_269 : vector<16xi32>
        %xor3A_271 = arith.xori %add3A_266, %add3A_270 : vector<16xi32>
        %xor3A_272 = arith.xori %get3A_49, %get3A_53 : vector<16xi32>
        %xor3A_273 = arith.constant 466688986 : i32
        %xor3A_274 = vector.broadcast %xor3A_273 : i32 to vector<16xi32>
        %xor3A_275 = arith.xori %xor3A_272, %xor3A_274 : vector<16xi32>
        %add3A_276 = arith.addi %bitcast3A, %get3A_53 : vector<16xi32>
        %add3A_277 = arith.addi %get3A_49, %add3A_276 : vector<16xi32>
        %shift_left3A_278 = arith.constant 13 : i32
        %shift_left3A_279 = vector.broadcast %shift_left3A_278 : i32 to vector<16xi32>
        %shift_left3A_280 = arith.shli %add3A_276, %shift_left3A_279 : vector<16xi32>
        %shift_right_logical3A_281 = arith.constant 19 : i32
        %shift_right_logical3A_282 = vector.broadcast %shift_right_logical3A_281 : i32 to vector<16xi32>
        %shift_right_logical3A_283 = arith.shrui %add3A_276, %shift_right_logical3A_282 : vector<16xi32>
        %or3A_284 = arith.ori %shift_left3A_280, %shift_right_logical3A_283 : vector<16xi32>
        %xor3A_285 = arith.xori %add3A_277, %or3A_284 : vector<16xi32>
        %add3A_286 = arith.addi %add3A_277, %xor3A_285 : vector<16xi32>
        %shift_left3A_287 = arith.constant 15 : i32
        %shift_left3A_288 = vector.broadcast %shift_left3A_287 : i32 to vector<16xi32>
        %shift_left3A_289 = arith.shli %xor3A_285, %shift_left3A_288 : vector<16xi32>
        %shift_right_logical3A_290 = arith.constant 17 : i32
        %shift_right_logical3A_291 = vector.broadcast %shift_right_logical3A_290 : i32 to vector<16xi32>
        %shift_right_logical3A_292 = arith.shrui %xor3A_285, %shift_right_logical3A_291 : vector<16xi32>
        %or3A_293 = arith.ori %shift_left3A_289, %shift_right_logical3A_292 : vector<16xi32>
        %xor3A_294 = arith.xori %add3A_286, %or3A_293 : vector<16xi32>
        %add3A_295 = arith.addi %add3A_286, %xor3A_294 : vector<16xi32>
        %shift_left3A_296 = arith.constant 26 : i32
        %shift_left3A_297 = vector.broadcast %shift_left3A_296 : i32 to vector<16xi32>
        %shift_left3A_298 = arith.shli %xor3A_294, %shift_left3A_297 : vector<16xi32>
        %shift_right_logical3A_299 = arith.constant 6 : i32
        %shift_right_logical3A_300 = vector.broadcast %shift_right_logical3A_299 : i32 to vector<16xi32>
        %shift_right_logical3A_301 = arith.shrui %xor3A_294, %shift_right_logical3A_300 : vector<16xi32>
        %or3A_302 = arith.ori %shift_left3A_298, %shift_right_logical3A_301 : vector<16xi32>
        %xor3A_303 = arith.xori %add3A_295, %or3A_302 : vector<16xi32>
        %add3A_304 = arith.addi %add3A_295, %xor3A_303 : vector<16xi32>
        %shift_left3A_305 = arith.constant 6 : i32
        %shift_left3A_306 = vector.broadcast %shift_left3A_305 : i32 to vector<16xi32>
        %shift_left3A_307 = arith.shli %xor3A_303, %shift_left3A_306 : vector<16xi32>
        %shift_right_logical3A_308 = arith.constant 26 : i32
        %shift_right_logical3A_309 = vector.broadcast %shift_right_logical3A_308 : i32 to vector<16xi32>
        %shift_right_logical3A_310 = arith.shrui %xor3A_303, %shift_right_logical3A_309 : vector<16xi32>
        %or3A_311 = arith.ori %shift_left3A_307, %shift_right_logical3A_310 : vector<16xi32>
        %xor3A_312 = arith.xori %add3A_304, %or3A_311 : vector<16xi32>
        %add3A_313 = arith.addi %add3A_304, %get3A_53 : vector<16xi32>
        %add3A_314 = arith.addi %xor3A_312, %xor3A_275 : vector<16xi32>
        %add3A_315 = arith.constant 1 : i32
        %add3A_316 = vector.broadcast %add3A_315 : i32 to vector<16xi32>
        %add3A_317 = arith.addi %add3A_314, %add3A_316 : vector<16xi32>
        %add3A_318 = arith.addi %add3A_313, %add3A_317 : vector<16xi32>
        %shift_left3A_319 = arith.constant 17 : i32
        %shift_left3A_320 = vector.broadcast %shift_left3A_319 : i32 to vector<16xi32>
        %shift_left3A_321 = arith.shli %add3A_317, %shift_left3A_320 : vector<16xi32>
        %shift_right_logical3A_322 = arith.constant 15 : i32
        %shift_right_logical3A_323 = vector.broadcast %shift_right_logical3A_322 : i32 to vector<16xi32>
        %shift_right_logical3A_324 = arith.shrui %add3A_317, %shift_right_logical3A_323 : vector<16xi32>
        %or3A_325 = arith.ori %shift_left3A_321, %shift_right_logical3A_324 : vector<16xi32>
        %xor3A_326 = arith.xori %add3A_318, %or3A_325 : vector<16xi32>
        %add3A_327 = arith.addi %add3A_318, %xor3A_326 : vector<16xi32>
        %shift_left3A_328 = arith.constant 29 : i32
        %shift_left3A_329 = vector.broadcast %shift_left3A_328 : i32 to vector<16xi32>
        %shift_left3A_330 = arith.shli %xor3A_326, %shift_left3A_329 : vector<16xi32>
        %shift_right_logical3A_331 = arith.constant 3 : i32
        %shift_right_logical3A_332 = vector.broadcast %shift_right_logical3A_331 : i32 to vector<16xi32>
        %shift_right_logical3A_333 = arith.shrui %xor3A_326, %shift_right_logical3A_332 : vector<16xi32>
        %or3A_334 = arith.ori %shift_left3A_330, %shift_right_logical3A_333 : vector<16xi32>
        %xor3A_335 = arith.xori %add3A_327, %or3A_334 : vector<16xi32>
        %add3A_336 = arith.addi %add3A_327, %xor3A_335 : vector<16xi32>
        %shift_left3A_337 = arith.constant 16 : i32
        %shift_left3A_338 = vector.broadcast %shift_left3A_337 : i32 to vector<16xi32>
        %shift_left3A_339 = arith.shli %xor3A_335, %shift_left3A_338 : vector<16xi32>
        %shift_right_logical3A_340 = arith.constant 16 : i32
        %shift_right_logical3A_341 = vector.broadcast %shift_right_logical3A_340 : i32 to vector<16xi32>
        %shift_right_logical3A_342 = arith.shrui %xor3A_335, %shift_right_logical3A_341 : vector<16xi32>
        %or3A_343 = arith.ori %shift_left3A_339, %shift_right_logical3A_342 : vector<16xi32>
        %xor3A_344 = arith.xori %add3A_336, %or3A_343 : vector<16xi32>
        %add3A_345 = arith.addi %add3A_336, %xor3A_344 : vector<16xi32>
        %shift_left3A_346 = arith.constant 24 : i32
        %shift_left3A_347 = vector.broadcast %shift_left3A_346 : i32 to vector<16xi32>
        %shift_left3A_348 = arith.shli %xor3A_344, %shift_left3A_347 : vector<16xi32>
        %shift_right_logical3A_349 = arith.constant 8 : i32
        %shift_right_logical3A_350 = vector.broadcast %shift_right_logical3A_349 : i32 to vector<16xi32>
        %shift_right_logical3A_351 = arith.shrui %xor3A_344, %shift_right_logical3A_350 : vector<16xi32>
        %or3A_352 = arith.ori %shift_left3A_348, %shift_right_logical3A_351 : vector<16xi32>
        %xor3A_353 = arith.xori %add3A_345, %or3A_352 : vector<16xi32>
        %add3A_354 = arith.addi %add3A_345, %xor3A_275 : vector<16xi32>
        %add3A_355 = arith.addi %xor3A_353, %get3A_49 : vector<16xi32>
        %add3A_356 = arith.constant 2 : i32
        %add3A_357 = vector.broadcast %add3A_356 : i32 to vector<16xi32>
        %add3A_358 = arith.addi %add3A_355, %add3A_357 : vector<16xi32>
        %add3A_359 = arith.addi %add3A_354, %add3A_358 : vector<16xi32>
        %shift_left3A_360 = arith.constant 13 : i32
        %shift_left3A_361 = vector.broadcast %shift_left3A_360 : i32 to vector<16xi32>
        %shift_left3A_362 = arith.shli %add3A_358, %shift_left3A_361 : vector<16xi32>
        %shift_right_logical3A_363 = arith.constant 19 : i32
        %shift_right_logical3A_364 = vector.broadcast %shift_right_logical3A_363 : i32 to vector<16xi32>
        %shift_right_logical3A_365 = arith.shrui %add3A_358, %shift_right_logical3A_364 : vector<16xi32>
        %or3A_366 = arith.ori %shift_left3A_362, %shift_right_logical3A_365 : vector<16xi32>
        %xor3A_367 = arith.xori %add3A_359, %or3A_366 : vector<16xi32>
        %add3A_368 = arith.addi %add3A_359, %xor3A_367 : vector<16xi32>
        %shift_left3A_369 = arith.constant 15 : i32
        %shift_left3A_370 = vector.broadcast %shift_left3A_369 : i32 to vector<16xi32>
        %shift_left3A_371 = arith.shli %xor3A_367, %shift_left3A_370 : vector<16xi32>
        %shift_right_logical3A_372 = arith.constant 17 : i32
        %shift_right_logical3A_373 = vector.broadcast %shift_right_logical3A_372 : i32 to vector<16xi32>
        %shift_right_logical3A_374 = arith.shrui %xor3A_367, %shift_right_logical3A_373 : vector<16xi32>
        %or3A_375 = arith.ori %shift_left3A_371, %shift_right_logical3A_374 : vector<16xi32>
        %xor3A_376 = arith.xori %add3A_368, %or3A_375 : vector<16xi32>
        %add3A_377 = arith.addi %add3A_368, %xor3A_376 : vector<16xi32>
        %shift_left3A_378 = arith.constant 26 : i32
        %shift_left3A_379 = vector.broadcast %shift_left3A_378 : i32 to vector<16xi32>
        %shift_left3A_380 = arith.shli %xor3A_376, %shift_left3A_379 : vector<16xi32>
        %shift_right_logical3A_381 = arith.constant 6 : i32
        %shift_right_logical3A_382 = vector.broadcast %shift_right_logical3A_381 : i32 to vector<16xi32>
        %shift_right_logical3A_383 = arith.shrui %xor3A_376, %shift_right_logical3A_382 : vector<16xi32>
        %or3A_384 = arith.ori %shift_left3A_380, %shift_right_logical3A_383 : vector<16xi32>
        %xor3A_385 = arith.xori %add3A_377, %or3A_384 : vector<16xi32>
        %add3A_386 = arith.addi %add3A_377, %xor3A_385 : vector<16xi32>
        %shift_left3A_387 = arith.constant 6 : i32
        %shift_left3A_388 = vector.broadcast %shift_left3A_387 : i32 to vector<16xi32>
        %shift_left3A_389 = arith.shli %xor3A_385, %shift_left3A_388 : vector<16xi32>
        %shift_right_logical3A_390 = arith.constant 26 : i32
        %shift_right_logical3A_391 = vector.broadcast %shift_right_logical3A_390 : i32 to vector<16xi32>
        %shift_right_logical3A_392 = arith.shrui %xor3A_385, %shift_right_logical3A_391 : vector<16xi32>
        %or3A_393 = arith.ori %shift_left3A_389, %shift_right_logical3A_392 : vector<16xi32>
        %xor3A_394 = arith.xori %add3A_386, %or3A_393 : vector<16xi32>
        %add3A_395 = arith.addi %add3A_386, %get3A_49 : vector<16xi32>
        %add3A_396 = arith.addi %xor3A_394, %get3A_53 : vector<16xi32>
        %add3A_397 = arith.constant 3 : i32
        %add3A_398 = vector.broadcast %add3A_397 : i32 to vector<16xi32>
        %add3A_399 = arith.addi %add3A_396, %add3A_398 : vector<16xi32>
        %add3A_400 = arith.addi %add3A_395, %add3A_399 : vector<16xi32>
        %shift_left3A_401 = arith.constant 17 : i32
        %shift_left3A_402 = vector.broadcast %shift_left3A_401 : i32 to vector<16xi32>
        %shift_left3A_403 = arith.shli %add3A_399, %shift_left3A_402 : vector<16xi32>
        %shift_right_logical3A_404 = arith.constant 15 : i32
        %shift_right_logical3A_405 = vector.broadcast %shift_right_logical3A_404 : i32 to vector<16xi32>
        %shift_right_logical3A_406 = arith.shrui %add3A_399, %shift_right_logical3A_405 : vector<16xi32>
        %or3A_407 = arith.ori %shift_left3A_403, %shift_right_logical3A_406 : vector<16xi32>
        %xor3A_408 = arith.xori %add3A_400, %or3A_407 : vector<16xi32>
        %add3A_409 = arith.addi %add3A_400, %xor3A_408 : vector<16xi32>
        %shift_left3A_410 = arith.constant 29 : i32
        %shift_left3A_411 = vector.broadcast %shift_left3A_410 : i32 to vector<16xi32>
        %shift_left3A_412 = arith.shli %xor3A_408, %shift_left3A_411 : vector<16xi32>
        %shift_right_logical3A_413 = arith.constant 3 : i32
        %shift_right_logical3A_414 = vector.broadcast %shift_right_logical3A_413 : i32 to vector<16xi32>
        %shift_right_logical3A_415 = arith.shrui %xor3A_408, %shift_right_logical3A_414 : vector<16xi32>
        %or3A_416 = arith.ori %shift_left3A_412, %shift_right_logical3A_415 : vector<16xi32>
        %xor3A_417 = arith.xori %add3A_409, %or3A_416 : vector<16xi32>
        %add3A_418 = arith.addi %add3A_409, %xor3A_417 : vector<16xi32>
        %shift_left3A_419 = arith.constant 16 : i32
        %shift_left3A_420 = vector.broadcast %shift_left3A_419 : i32 to vector<16xi32>
        %shift_left3A_421 = arith.shli %xor3A_417, %shift_left3A_420 : vector<16xi32>
        %shift_right_logical3A_422 = arith.constant 16 : i32
        %shift_right_logical3A_423 = vector.broadcast %shift_right_logical3A_422 : i32 to vector<16xi32>
        %shift_right_logical3A_424 = arith.shrui %xor3A_417, %shift_right_logical3A_423 : vector<16xi32>
        %or3A_425 = arith.ori %shift_left3A_421, %shift_right_logical3A_424 : vector<16xi32>
        %xor3A_426 = arith.xori %add3A_418, %or3A_425 : vector<16xi32>
        %add3A_427 = arith.addi %add3A_418, %xor3A_426 : vector<16xi32>
        %shift_left3A_428 = arith.constant 24 : i32
        %shift_left3A_429 = vector.broadcast %shift_left3A_428 : i32 to vector<16xi32>
        %shift_left3A_430 = arith.shli %xor3A_426, %shift_left3A_429 : vector<16xi32>
        %shift_right_logical3A_431 = arith.constant 8 : i32
        %shift_right_logical3A_432 = vector.broadcast %shift_right_logical3A_431 : i32 to vector<16xi32>
        %shift_right_logical3A_433 = arith.shrui %xor3A_426, %shift_right_logical3A_432 : vector<16xi32>
        %or3A_434 = arith.ori %shift_left3A_430, %shift_right_logical3A_433 : vector<16xi32>
        %xor3A_435 = arith.xori %add3A_427, %or3A_434 : vector<16xi32>
        %add3A_436 = arith.addi %add3A_427, %get3A_53 : vector<16xi32>
        %add3A_437 = arith.addi %xor3A_435, %xor3A_275 : vector<16xi32>
        %add3A_438 = arith.constant 4 : i32
        %add3A_439 = vector.broadcast %add3A_438 : i32 to vector<16xi32>
        %add3A_440 = arith.addi %add3A_437, %add3A_439 : vector<16xi32>
        %add3A_441 = arith.addi %add3A_436, %add3A_440 : vector<16xi32>
        %shift_left3A_442 = arith.constant 13 : i32
        %shift_left3A_443 = vector.broadcast %shift_left3A_442 : i32 to vector<16xi32>
        %shift_left3A_444 = arith.shli %add3A_440, %shift_left3A_443 : vector<16xi32>
        %shift_right_logical3A_445 = arith.constant 19 : i32
        %shift_right_logical3A_446 = vector.broadcast %shift_right_logical3A_445 : i32 to vector<16xi32>
        %shift_right_logical3A_447 = arith.shrui %add3A_440, %shift_right_logical3A_446 : vector<16xi32>
        %or3A_448 = arith.ori %shift_left3A_444, %shift_right_logical3A_447 : vector<16xi32>
        %xor3A_449 = arith.xori %add3A_441, %or3A_448 : vector<16xi32>
        %add3A_450 = arith.addi %add3A_441, %xor3A_449 : vector<16xi32>
        %shift_left3A_451 = arith.constant 15 : i32
        %shift_left3A_452 = vector.broadcast %shift_left3A_451 : i32 to vector<16xi32>
        %shift_left3A_453 = arith.shli %xor3A_449, %shift_left3A_452 : vector<16xi32>
        %shift_right_logical3A_454 = arith.constant 17 : i32
        %shift_right_logical3A_455 = vector.broadcast %shift_right_logical3A_454 : i32 to vector<16xi32>
        %shift_right_logical3A_456 = arith.shrui %xor3A_449, %shift_right_logical3A_455 : vector<16xi32>
        %or3A_457 = arith.ori %shift_left3A_453, %shift_right_logical3A_456 : vector<16xi32>
        %xor3A_458 = arith.xori %add3A_450, %or3A_457 : vector<16xi32>
        %add3A_459 = arith.addi %add3A_450, %xor3A_458 : vector<16xi32>
        %shift_left3A_460 = arith.constant 26 : i32
        %shift_left3A_461 = vector.broadcast %shift_left3A_460 : i32 to vector<16xi32>
        %shift_left3A_462 = arith.shli %xor3A_458, %shift_left3A_461 : vector<16xi32>
        %shift_right_logical3A_463 = arith.constant 6 : i32
        %shift_right_logical3A_464 = vector.broadcast %shift_right_logical3A_463 : i32 to vector<16xi32>
        %shift_right_logical3A_465 = arith.shrui %xor3A_458, %shift_right_logical3A_464 : vector<16xi32>
        %or3A_466 = arith.ori %shift_left3A_462, %shift_right_logical3A_465 : vector<16xi32>
        %xor3A_467 = arith.xori %add3A_459, %or3A_466 : vector<16xi32>
        %add3A_468 = arith.addi %add3A_459, %xor3A_467 : vector<16xi32>
        %shift_left3A_469 = arith.constant 6 : i32
        %shift_left3A_470 = vector.broadcast %shift_left3A_469 : i32 to vector<16xi32>
        %shift_left3A_471 = arith.shli %xor3A_467, %shift_left3A_470 : vector<16xi32>
        %shift_right_logical3A_472 = arith.constant 26 : i32
        %shift_right_logical3A_473 = vector.broadcast %shift_right_logical3A_472 : i32 to vector<16xi32>
        %shift_right_logical3A_474 = arith.shrui %xor3A_467, %shift_right_logical3A_473 : vector<16xi32>
        %or3A_475 = arith.ori %shift_left3A_471, %shift_right_logical3A_474 : vector<16xi32>
        %xor3A_476 = arith.xori %add3A_468, %or3A_475 : vector<16xi32>
        %add3A_477 = arith.addi %add3A_468, %xor3A_275 : vector<16xi32>
        %add3A_478 = arith.addi %xor3A_476, %get3A_49 : vector<16xi32>
        %add3A_479 = arith.constant 5 : i32
        %add3A_480 = vector.broadcast %add3A_479 : i32 to vector<16xi32>
        %add3A_481 = arith.addi %add3A_478, %add3A_480 : vector<16xi32>
        %xor3A_482 = arith.xori %add3A_477, %add3A_481 : vector<16xi32>
        %jit3A_483 = arith.constant 10000 : i32
        %eq3A_484 = arith.constant 0 : i32
        %eq3A_485 = arith.cmpi eq, %jit3A_483, %eq3A_484 : i32
        %jit3A_486 = arith.constant 1 : i32
        %select_n3A_487 = arith.select %eq3A_485, %jit3A_486, %jit3A_483 : i32
        %rem3A_488 = vector.broadcast %select_n3A_487 : i32 to vector<16xi32>
        %rem3A_489 = arith.remui %xor3A_271, %rem3A_488 : vector<16xi32>
        %ne3A_490 = arith.constant 0 : i32
        %ne3A_491 = vector.broadcast %ne3A_490 : i32 to vector<16xi32>
        %ne3A_492 = arith.cmpi ne, %rem3A_489, %ne3A_491 : vector<16xi32>
        %lt3A_493 = arith.constant 0 : i32
        %lt3A_494 = vector.broadcast %lt3A_493 : i32 to vector<16xi32>
        %lt3A_495 = arith.cmpi ult, %rem3A_489, %lt3A_494 : vector<16xi32>
        %lt3A_496 = arith.constant 0 : i32
        %lt3A_497 = arith.cmpi ult, %select_n3A_487, %lt3A_496 : i32
        %ne3A_498 = vector.broadcast %lt3A_497 : i1 to vector<16xi1>
        %ne3A_499 = vector.broadcast %ne3A_498 : vector<16xi1> to vector<16xi1>
        %ne3A_500 = arith.xori %lt3A_495, %ne3A_499 : vector<16xi1>
        %and3A_501 = arith.andi %ne3A_500, %ne3A_492 : vector<16xi1>
        %add3A_502 = vector.broadcast %select_n3A_487 : i32 to vector<16xi32>
        %add3A_503 = arith.addi %rem3A_489, %add3A_502 : vector<16xi32>
        %select_n3A_504 = arith.select %and3A_501, %add3A_503, %rem3A_489 : vector<16xi1>, vector<16xi32>
        %jit3A_505 = arith.constant 10000 : i32
        %eq3A_506 = arith.constant 0 : i32
        %eq3A_507 = arith.cmpi eq, %jit3A_505, %eq3A_506 : i32
        %jit3A_508 = arith.constant 1 : i32
        %select_n3A_509 = arith.select %eq3A_507, %jit3A_508, %jit3A_505 : i32
        %rem3A_510 = vector.broadcast %select_n3A_509 : i32 to vector<16xi32>
        %rem3A_511 = arith.remui %xor3A_482, %rem3A_510 : vector<16xi32>
        %ne3A_512 = arith.constant 0 : i32
        %ne3A_513 = vector.broadcast %ne3A_512 : i32 to vector<16xi32>
        %ne3A_514 = arith.cmpi ne, %rem3A_511, %ne3A_513 : vector<16xi32>
        %lt3A_515 = arith.constant 0 : i32
        %lt3A_516 = vector.broadcast %lt3A_515 : i32 to vector<16xi32>
        %lt3A_517 = arith.cmpi ult, %rem3A_511, %lt3A_516 : vector<16xi32>
        %lt3A_518 = arith.constant 0 : i32
        %lt3A_519 = arith.cmpi ult, %select_n3A_509, %lt3A_518 : i32
        %ne3A_520 = vector.broadcast %lt3A_519 : i1 to vector<16xi1>
        %ne3A_521 = vector.broadcast %ne3A_520 : vector<16xi1> to vector<16xi1>
        %ne3A_522 = arith.xori %lt3A_517, %ne3A_521 : vector<16xi1>
        %and3A_523 = arith.andi %ne3A_522, %ne3A_514 : vector<16xi1>
        %add3A_524 = vector.broadcast %select_n3A_509 : i32 to vector<16xi32>
        %add3A_525 = arith.addi %rem3A_511, %add3A_524 : vector<16xi32>
        %select_n3A_526 = arith.select %and3A_523, %add3A_525, %rem3A_511 : vector<16xi1>, vector<16xi32>
        %mul3A_527 = arith.constant 7296 : i32
        %mul3A_528 = vector.broadcast %mul3A_527 : i32 to vector<16xi32>
        %mul3A_529 = arith.muli %select_n3A_504, %mul3A_528 : vector<16xi32>
        %add3A_530 = arith.addi %mul3A_529, %select_n3A_526 : vector<16xi32>
        %jit3A_531 = arith.constant 10000 : i32
        %eq3A_532 = arith.constant 0 : i32
        %eq3A_533 = arith.cmpi eq, %jit3A_531, %eq3A_532 : i32
        %jit3A_534 = arith.constant 1 : i32
        %select_n3A_535 = arith.select %eq3A_533, %jit3A_534, %jit3A_531 : i32
        %rem3A_536 = vector.broadcast %select_n3A_535 : i32 to vector<16xi32>
        %rem3A_537 = arith.remui %add3A_530, %rem3A_536 : vector<16xi32>
        %ne3A_538 = arith.constant 0 : i32
        %ne3A_539 = vector.broadcast %ne3A_538 : i32 to vector<16xi32>
        %ne3A_540 = arith.cmpi ne, %rem3A_537, %ne3A_539 : vector<16xi32>
        %lt3A_541 = arith.constant 0 : i32
        %lt3A_542 = vector.broadcast %lt3A_541 : i32 to vector<16xi32>
        %lt3A_543 = arith.cmpi ult, %rem3A_537, %lt3A_542 : vector<16xi32>
        %lt3A_544 = arith.constant 0 : i32
        %lt3A_545 = arith.cmpi ult, %select_n3A_535, %lt3A_544 : i32
        %ne3A_546 = vector.broadcast %lt3A_545 : i1 to vector<16xi1>
        %ne3A_547 = vector.broadcast %ne3A_546 : vector<16xi1> to vector<16xi1>
        %ne3A_548 = arith.xori %lt3A_543, %ne3A_547 : vector<16xi1>
        %and3A_549 = arith.andi %ne3A_548, %ne3A_540 : vector<16xi1>
        %add3A_550 = vector.broadcast %select_n3A_535 : i32 to vector<16xi32>
        %add3A_551 = arith.addi %rem3A_537, %add3A_550 : vector<16xi32>
        %select_n3A_552 = arith.select %and3A_549, %add3A_551, %rem3A_537 : vector<16xi1>, vector<16xi32>
        %bitcast3A_553 = vector.bitcast %select_n3A_552 : vector<16xi32> to vector<16xi32>
        %gather3A = tpu.vector_load_idx %arg6[%bitcast3A_553] : memref<10000xf32, #tpu.memory_space<vmem>>[vector<16xi32>], vector<16xf32>,
        %get3A_554 = arith.index_cast %mul3A_61 : i32 to index
        %get3A_555 = tpu.vector_load %arg8[%get3A_554] {strides = array<i32>} : memref<6144xf32, #tpu.memory_space<vmem>>, vector<16xf32>,
        %mul3A_556 = arith.constant 0.989949464 : f32
        %mul3A_557 = vector.broadcast %mul3A_556 : f32 to vector<16xf32>
        %mul3A_558 = arith.mulf %mul3A_557, %get3A_555 : vector<16xf32>
        %mul3A_559 = arith.constant 0.141421363 : f32
        %mul3A_560 = vector.broadcast %mul3A_559 : f32 to vector<16xf32>
        %mul3A_561 = arith.mulf %mul3A_560, %gather3A : vector<16xf32>
        %add3A_562 = arith.addf %mul3A_558, %mul3A_561 : vector<16xf32>
        %swap3A = arith.index_cast %mul3A_61 : i32 to index
        %swap3A_563 = tpu.vector_load %arg8[%swap3A] {strides = array<i32>} : memref<6144xf32, #tpu.memory_space<vmem>>, vector<16xf32>,
        tpu.vector_store %arg8[%swap3A], %add3A_562 {strides = array<i32>} : memref<6144xf32, #tpu.memory_space<vmem>>, vector<16xf32>,
      }
      %scan3A_58 = arith.constant 384 : i32
    }
    %scan3A_37 = arith.constant 70 : i32
    "tpu.region"() ({
      %run_scoped3A = tpu.sem_alloc : memref<!tpu.dma_semaphore, #tpu.memory_space<semaphore_mem>>
      %dma_start3A = arith.constant 0 : i32
      %dma_start3A_38 = tpu.memref_slice %arg5[%select_n3A, %select_n3A_30, %dma_start3A] : memref<4x8x6144xf32, #tpu.memory_space<hbm>> -> memref<1x1x6144xf32, #tpu.memory_space<hbm>>
      %dma_start3A_39 = tpu.memref_squeeze %dma_start3A_38 : memref<1x1x6144xf32, #tpu.memory_space<hbm>> -> memref<6144xf32, #tpu.memory_space<hbm>>
      %dma_start3A_40 = arith.constant 0 : i32
      %dma_start3A_41 = tpu.memref_slice %arg5[%select_n3A, %select_n3A_30, %dma_start3A_40] : memref<4x8x6144xf32, #tpu.memory_space<hbm>> -> memref<1x1x6144xf32, #tpu.memory_space<hbm>>
      %dma_start3A_42 = tpu.memref_squeeze %dma_start3A_41 : memref<1x1x6144xf32, #tpu.memory_space<hbm>> -> memref<6144xf32, #tpu.memory_space<hbm>>
      tpu.enqueue_dma source(%arg8 : memref<6144xf32, #tpu.memory_space<vmem>>) target(%dma_start3A_42 : memref<6144xf32, #tpu.memory_space<hbm>>) target_semaphore(%run_scoped3A : memref<!tpu.dma_semaphore, #tpu.memory_space<semaphore_mem>>)
      %dma_wait3A = arith.constant 0 : i32
      %dma_wait3A_43 = tpu.memref_slice %arg5[%select_n3A, %select_n3A_30, %dma_wait3A] : memref<4x8x6144xf32, #tpu.memory_space<hbm>> -> memref<1x1x6144xf32, #tpu.memory_space<hbm>>
      %dma_wait3A_44 = tpu.memref_squeeze %dma_wait3A_43 : memref<1x1x6144xf32, #tpu.memory_space<hbm>> -> memref<6144xf32, #tpu.memory_space<hbm>>
      %dma_wait3A_45 = arith.constant 0 : i32
      %dma_wait3A_46 = tpu.memref_slice %arg5[%select_n3A, %select_n3A_30, %dma_wait3A_45] : memref<4x8x6144xf32, #tpu.memory_space<hbm>> -> memref<1x1x6144xf32, #tpu.memory_space<hbm>>
      %dma_wait3A_47 = tpu.memref_squeeze %dma_wait3A_46 : memref<1x1x6144xf32, #tpu.memory_space<hbm>> -> memref<6144xf32, #tpu.memory_space<hbm>>
      tpu.wait_dma2 semaphore(%run_scoped3A : memref<!tpu.dma_semaphore, #tpu.memory_space<semaphore_mem>>) src(%arg8 : memref<6144xf32, #tpu.memory_space<vmem>>) dst(%dma_wait3A_47 : memref<6144xf32, #tpu.memory_space<hbm>>)
      tpu.yield
    }) : () -> ()
    return
  }
}

#map = affine_map<(d0, d1) -> (0, 0, 0)>
#map1 = affine_map<(d0, d1) -> (0, 0)>
module attributes {stable_mosaic.version = 14 : i64} {
  func.func @_gather_body(%arg0: i32, %arg1: i32, %arg2: memref<4x8x6144xf32, #tpu.memory_space<hbm>>, %arg3: memref<4x10000xf32, #tpu.memory_space<hbm>>, %arg4: memref<720x384x128xi32, #tpu.memory_space<hbm>>, %arg5: memref<4x8x6144xf32, #tpu.memory_space<hbm>>, %arg6: memref<10000xf32, #tpu.memory_space<vmem>>, %arg7: memref<4x48x128xi32, #tpu.memory_space<vmem>>, %arg8: memref<6144xf32, #tpu.memory_space<vmem>>, %arg9: memref<!tpu.dma_semaphore, #tpu.memory_space<semaphore_mem>>, %arg10: memref<!tpu.dma_semaphore, #tpu.memory_space<semaphore_mem>>, %arg11: memref<!tpu.dma_semaphore, #tpu.memory_space<semaphore_mem>>, %arg12: memref<!tpu.dma_semaphore, #tpu.memory_space<semaphore_mem>>) attributes {dimension_semantics = [#tpu.dimension_semantics<core_parallel>, #tpu.dimension_semantics<subcore_parallel>], iteration_bounds = array<i64: 2, 16>, scalar_prefetch = 0 : i64, scratch_operands = 7 : i64, tpu.core_type = #tpu.core_type<sc_vector_subcore>, window_params = [{transform_indices = #map}, {transform_indices = #map1}, {transform_indices = #map}, {transform_indices = #map}]} {
    %mul3A = arith.constant 2 : i32
    %mul3A_0 = arith.muli %arg1, %mul3A : i32
    %add3A = arith.addi %mul3A_0, %arg0 : i32
    %jit3A = arith.constant 8 : i32
    %div3A = arith.divsi %add3A, %jit3A : i32
    %sign3A = arith.constant 0 : i32
    %sign3A_1 = arith.cmpi sgt, %add3A, %sign3A : i32
    %sign3A_2 = arith.extui %sign3A_1 : i1 to i32
    %sign3A_3 = arith.constant 0 : i32
    %sign3A_4 = arith.cmpi slt, %add3A, %sign3A_3 : i32
    %sign3A_5 = arith.extui %sign3A_4 : i1 to i32
    %sign3A_6 = arith.subi %sign3A_2, %sign3A_5 : i32
    %sign3A_7 = arith.constant 0 : i32
    %sign3A_8 = arith.cmpi sgt, %jit3A, %sign3A_7 : i32
    %sign3A_9 = arith.extui %sign3A_8 : i1 to i32
    %sign3A_10 = arith.constant 0 : i32
    %sign3A_11 = arith.cmpi slt, %jit3A, %sign3A_10 : i32
    %sign3A_12 = arith.extui %sign3A_11 : i1 to i32
    %sign3A_13 = arith.subi %sign3A_9, %sign3A_12 : i32
    %ne3A = arith.cmpi ne, %sign3A_6, %sign3A_13 : i32
    %rem3A = arith.remsi %add3A, %jit3A : i32
    %ne3A_14 = arith.constant 0 : i32
    %ne3A_15 = arith.cmpi ne, %rem3A, %ne3A_14 : i32
    %and3A = arith.andi %ne3A, %ne3A_15 : i1
    %sub3A = arith.constant 1 : i32
    %sub3A_16 = arith.subi %div3A, %sub3A : i32
    %select_n3A = arith.select %and3A, %sub3A_16, %div3A : i32
    %jit3A_17 = arith.constant 8 : i32
    %eq3A = arith.constant 0 : i32
    %eq3A_18 = arith.cmpi eq, %jit3A_17, %eq3A : i32
    %jit3A_19 = arith.constant 1 : i32
    %select_n3A_20 = arith.select %eq3A_18, %jit3A_19, %jit3A_17 : i32
    %rem3A_21 = arith.remsi %add3A, %select_n3A_20 : i32
    %ne3A_22 = arith.constant 0 : i32
    %ne3A_23 = arith.cmpi ne, %rem3A_21, %ne3A_22 : i32
    %lt3A = arith.constant 0 : i32
    %lt3A_24 = arith.cmpi slt, %rem3A_21, %lt3A : i32
    %lt3A_25 = arith.constant 0 : i32
    %lt3A_26 = arith.cmpi slt, %select_n3A_20, %lt3A_25 : i32
    %ne3A_27 = arith.xori %lt3A_24, %lt3A_26 : i1
    %and3A_28 = arith.andi %ne3A_27, %ne3A_23 : i1
    %add3A_29 = arith.addi %rem3A_21, %select_n3A_20 : i32
    %select_n3A_30 = arith.select %and3A_28, %add3A_29, %rem3A_21 : i32
    %mul3A_31 = arith.constant 180 : i32
    %mul3A_32 = arith.muli %select_n3A, %mul3A_31 : i32
    "tpu.region"() ({
      %run_scoped3A = tpu.sem_alloc : memref<!tpu.dma_semaphore, #tpu.memory_space<semaphore_mem>>
      %dma_start3A_161 = arith.constant 0 : i32
      %dma_start3A_162 = tpu.memref_slice %arg3[%select_n3A, %dma_start3A_161] : memref<4x10000xf32, #tpu.memory_space<hbm>> -> memref<1x10000xf32, #tpu.memory_space<hbm>>
      %dma_start3A_163 = tpu.memref_squeeze %dma_start3A_162 : memref<1x10000xf32, #tpu.memory_space<hbm>> -> memref<10000xf32, #tpu.memory_space<hbm>>
      %dma_start3A_164 = arith.constant 0 : i32
      %dma_start3A_165 = tpu.memref_slice %arg3[%select_n3A, %dma_start3A_164] : memref<4x10000xf32, #tpu.memory_space<hbm>> -> memref<1x10000xf32, #tpu.memory_space<hbm>>
      %dma_start3A_166 = tpu.memref_squeeze %dma_start3A_165 : memref<1x10000xf32, #tpu.memory_space<hbm>> -> memref<10000xf32, #tpu.memory_space<hbm>>
      tpu.enqueue_dma source(%dma_start3A_166 : memref<10000xf32, #tpu.memory_space<hbm>>) target(%arg6 : memref<10000xf32, #tpu.memory_space<vmem>>) target_semaphore(%run_scoped3A : memref<!tpu.dma_semaphore, #tpu.memory_space<semaphore_mem>>)
      %dma_wait3A_167 = arith.constant 0 : i32
      %dma_wait3A_168 = tpu.memref_slice %arg3[%select_n3A, %dma_wait3A_167] : memref<4x10000xf32, #tpu.memory_space<hbm>> -> memref<1x10000xf32, #tpu.memory_space<hbm>>
      %dma_wait3A_169 = tpu.memref_squeeze %dma_wait3A_168 : memref<1x10000xf32, #tpu.memory_space<hbm>> -> memref<10000xf32, #tpu.memory_space<hbm>>
      %dma_wait3A_170 = arith.constant 0 : i32
      %dma_wait3A_171 = tpu.memref_slice %arg3[%select_n3A, %dma_wait3A_170] : memref<4x10000xf32, #tpu.memory_space<hbm>> -> memref<1x10000xf32, #tpu.memory_space<hbm>>
      %dma_wait3A_172 = tpu.memref_squeeze %dma_wait3A_171 : memref<1x10000xf32, #tpu.memory_space<hbm>> -> memref<10000xf32, #tpu.memory_space<hbm>>
      tpu.wait_dma2 semaphore(%run_scoped3A : memref<!tpu.dma_semaphore, #tpu.memory_space<semaphore_mem>>) src(%dma_wait3A_172 : memref<10000xf32, #tpu.memory_space<hbm>>) dst(%arg6 : memref<10000xf32, #tpu.memory_space<vmem>>)
      tpu.yield
    }) : () -> ()
    "tpu.region"() ({
      %run_scoped3A = tpu.sem_alloc : memref<!tpu.dma_semaphore, #tpu.memory_space<semaphore_mem>>
      %dma_start3A_161 = arith.constant 0 : i32
      %dma_start3A_162 = tpu.memref_slice %arg2[%select_n3A, %select_n3A_30, %dma_start3A_161] : memref<4x8x6144xf32, #tpu.memory_space<hbm>> -> memref<1x1x6144xf32, #tpu.memory_space<hbm>>
      %dma_start3A_163 = tpu.memref_squeeze %dma_start3A_162 : memref<1x1x6144xf32, #tpu.memory_space<hbm>> -> memref<6144xf32, #tpu.memory_space<hbm>>
      %dma_start3A_164 = arith.constant 0 : i32
      %dma_start3A_165 = tpu.memref_slice %arg2[%select_n3A, %select_n3A_30, %dma_start3A_164] : memref<4x8x6144xf32, #tpu.memory_space<hbm>> -> memref<1x1x6144xf32, #tpu.memory_space<hbm>>
      %dma_start3A_166 = tpu.memref_squeeze %dma_start3A_165 : memref<1x1x6144xf32, #tpu.memory_space<hbm>> -> memref<6144xf32, #tpu.memory_space<hbm>>
      tpu.enqueue_dma source(%dma_start3A_166 : memref<6144xf32, #tpu.memory_space<hbm>>) target(%arg8 : memref<6144xf32, #tpu.memory_space<vmem>>) target_semaphore(%run_scoped3A : memref<!tpu.dma_semaphore, #tpu.memory_space<semaphore_mem>>)
      %dma_wait3A_167 = arith.constant 0 : i32
      %dma_wait3A_168 = tpu.memref_slice %arg2[%select_n3A, %select_n3A_30, %dma_wait3A_167] : memref<4x8x6144xf32, #tpu.memory_space<hbm>> -> memref<1x1x6144xf32, #tpu.memory_space<hbm>>
      %dma_wait3A_169 = tpu.memref_squeeze %dma_wait3A_168 : memref<1x1x6144xf32, #tpu.memory_space<hbm>> -> memref<6144xf32, #tpu.memory_space<hbm>>
      %dma_wait3A_170 = arith.constant 0 : i32
      %dma_wait3A_171 = tpu.memref_slice %arg2[%select_n3A, %select_n3A_30, %dma_wait3A_170] : memref<4x8x6144xf32, #tpu.memory_space<hbm>> -> memref<1x1x6144xf32, #tpu.memory_space<hbm>>
      %dma_wait3A_172 = tpu.memref_squeeze %dma_wait3A_171 : memref<1x1x6144xf32, #tpu.memory_space<hbm>> -> memref<6144xf32, #tpu.memory_space<hbm>>
      tpu.wait_dma2 semaphore(%run_scoped3A : memref<!tpu.dma_semaphore, #tpu.memory_space<semaphore_mem>>) src(%dma_wait3A_172 : memref<6144xf32, #tpu.memory_space<hbm>>) dst(%arg8 : memref<6144xf32, #tpu.memory_space<vmem>>)
      tpu.yield
    }) : () -> ()
    %add3A_33 = arith.constant 0 : i32
    %add3A_34 = arith.addi %mul3A_32, %add3A_33 : i32
    %min3A = arith.constant 719 : i32
    %min3A_35 = arith.minsi %add3A_34, %min3A : i32
    %mul3A_36 = arith.constant 48 : i32
    %mul3A_37 = arith.muli %select_n3A_30, %mul3A_36 : i32
    %dma_start3A = arith.constant 0 : i32
    %dma_start3A_38 = arith.constant 0 : i32
    %dma_start3A_39 = arith.constant 0 : i32
    %dma_start3A_40 = tpu.memref_slice %arg7[%dma_start3A, %dma_start3A_38, %dma_start3A_39] : memref<4x48x128xi32, #tpu.memory_space<vmem>> -> memref<1x48x128xi32, #tpu.memory_space<vmem>>
    %dma_start3A_41 = tpu.memref_squeeze %dma_start3A_40 : memref<1x48x128xi32, #tpu.memory_space<vmem>> -> memref<48x128xi32, #tpu.memory_space<vmem>>
    %dma_start3A_42 = arith.constant 0 : i32
    %dma_start3A_43 = tpu.memref_slice %arg4[%min3A_35, %mul3A_37, %dma_start3A_42] : memref<720x384x128xi32, #tpu.memory_space<hbm>> -> memref<1x48x128xi32, #tpu.memory_space<hbm>>
    %dma_start3A_44 = tpu.memref_squeeze %dma_start3A_43 : memref<1x48x128xi32, #tpu.memory_space<hbm>> -> memref<48x128xi32, #tpu.memory_space<hbm>>
    %dma_start3A_45 = arith.constant 0 : i32
    %dma_start3A_46 = arith.constant 0 : i32
    %dma_start3A_47 = tpu.memref_slice %arg7[%dma_start3A, %dma_start3A_45, %dma_start3A_46] : memref<4x48x128xi32, #tpu.memory_space<vmem>> -> memref<1x48x128xi32, #tpu.memory_space<vmem>>
    %dma_start3A_48 = tpu.memref_squeeze %dma_start3A_47 : memref<1x48x128xi32, #tpu.memory_space<vmem>> -> memref<48x128xi32, #tpu.memory_space<vmem>>
    %dma_start3A_49 = arith.constant 0 : i32
    %dma_start3A_50 = tpu.memref_slice %arg4[%min3A_35, %mul3A_37, %dma_start3A_49] : memref<720x384x128xi32, #tpu.memory_space<hbm>> -> memref<1x48x128xi32, #tpu.memory_space<hbm>>
    %dma_start3A_51 = tpu.memref_squeeze %dma_start3A_50 : memref<1x48x128xi32, #tpu.memory_space<hbm>> -> memref<48x128xi32, #tpu.memory_space<hbm>>
    tpu.enqueue_dma source(%dma_start3A_51 : memref<48x128xi32, #tpu.memory_space<hbm>>) target(%dma_start3A_48 : memref<48x128xi32, #tpu.memory_space<vmem>>) target_semaphore(%arg9 : memref<!tpu.dma_semaphore, #tpu.memory_space<semaphore_mem>>)
    %add3A_52 = arith.constant 1 : i32
    %add3A_53 = arith.addi %mul3A_32, %add3A_52 : i32
    %min3A_54 = arith.constant 719 : i32
    %min3A_55 = arith.minsi %add3A_53, %min3A_54 : i32
    %mul3A_56 = arith.constant 48 : i32
    %mul3A_57 = arith.muli %select_n3A_30, %mul3A_56 : i32
    %dma_start3A_58 = arith.constant 1 : i32
    %dma_start3A_59 = arith.constant 0 : i32
    %dma_start3A_60 = arith.constant 0 : i32
    %dma_start3A_61 = tpu.memref_slice %arg7[%dma_start3A_58, %dma_start3A_59, %dma_start3A_60] : memref<4x48x128xi32, #tpu.memory_space<vmem>> -> memref<1x48x128xi32, #tpu.memory_space<vmem>>
    %dma_start3A_62 = tpu.memref_squeeze %dma_start3A_61 : memref<1x48x128xi32, #tpu.memory_space<vmem>> -> memref<48x128xi32, #tpu.memory_space<vmem>>
    %dma_start3A_63 = arith.constant 0 : i32
    %dma_start3A_64 = tpu.memref_slice %arg4[%min3A_55, %mul3A_57, %dma_start3A_63] : memref<720x384x128xi32, #tpu.memory_space<hbm>> -> memref<1x48x128xi32, #tpu.memory_space<hbm>>
    %dma_start3A_65 = tpu.memref_squeeze %dma_start3A_64 : memref<1x48x128xi32, #tpu.memory_space<hbm>> -> memref<48x128xi32, #tpu.memory_space<hbm>>
    %dma_start3A_66 = arith.constant 0 : i32
    %dma_start3A_67 = arith.constant 0 : i32
    %dma_start3A_68 = tpu.memref_slice %arg7[%dma_start3A_58, %dma_start3A_66, %dma_start3A_67] : memref<4x48x128xi32, #tpu.memory_space<vmem>> -> memref<1x48x128xi32, #tpu.memory_space<vmem>>
    %dma_start3A_69 = tpu.memref_squeeze %dma_start3A_68 : memref<1x48x128xi32, #tpu.memory_space<vmem>> -> memref<48x128xi32, #tpu.memory_space<vmem>>
    %dma_start3A_70 = arith.constant 0 : i32
    %dma_start3A_71 = tpu.memref_slice %arg4[%min3A_55, %mul3A_57, %dma_start3A_70] : memref<720x384x128xi32, #tpu.memory_space<hbm>> -> memref<1x48x128xi32, #tpu.memory_space<hbm>>
    %dma_start3A_72 = tpu.memref_squeeze %dma_start3A_71 : memref<1x48x128xi32, #tpu.memory_space<hbm>> -> memref<48x128xi32, #tpu.memory_space<hbm>>
    tpu.enqueue_dma source(%dma_start3A_72 : memref<48x128xi32, #tpu.memory_space<hbm>>) target(%dma_start3A_69 : memref<48x128xi32, #tpu.memory_space<vmem>>) target_semaphore(%arg10 : memref<!tpu.dma_semaphore, #tpu.memory_space<semaphore_mem>>)
    %add3A_73 = arith.constant 2 : i32
    %add3A_74 = arith.addi %mul3A_32, %add3A_73 : i32
    %min3A_75 = arith.constant 719 : i32
    %min3A_76 = arith.minsi %add3A_74, %min3A_75 : i32
    %mul3A_77 = arith.constant 48 : i32
    %mul3A_78 = arith.muli %select_n3A_30, %mul3A_77 : i32
    %dma_start3A_79 = arith.constant 2 : i32
    %dma_start3A_80 = arith.constant 0 : i32
    %dma_start3A_81 = arith.constant 0 : i32
    %dma_start3A_82 = tpu.memref_slice %arg7[%dma_start3A_79, %dma_start3A_80, %dma_start3A_81] : memref<4x48x128xi32, #tpu.memory_space<vmem>> -> memref<1x48x128xi32, #tpu.memory_space<vmem>>
    %dma_start3A_83 = tpu.memref_squeeze %dma_start3A_82 : memref<1x48x128xi32, #tpu.memory_space<vmem>> -> memref<48x128xi32, #tpu.memory_space<vmem>>
    %dma_start3A_84 = arith.constant 0 : i32
    %dma_start3A_85 = tpu.memref_slice %arg4[%min3A_76, %mul3A_78, %dma_start3A_84] : memref<720x384x128xi32, #tpu.memory_space<hbm>> -> memref<1x48x128xi32, #tpu.memory_space<hbm>>
    %dma_start3A_86 = tpu.memref_squeeze %dma_start3A_85 : memref<1x48x128xi32, #tpu.memory_space<hbm>> -> memref<48x128xi32, #tpu.memory_space<hbm>>
    %dma_start3A_87 = arith.constant 0 : i32
    %dma_start3A_88 = arith.constant 0 : i32
    %dma_start3A_89 = tpu.memref_slice %arg7[%dma_start3A_79, %dma_start3A_87, %dma_start3A_88] : memref<4x48x128xi32, #tpu.memory_space<vmem>> -> memref<1x48x128xi32, #tpu.memory_space<vmem>>
    %dma_start3A_90 = tpu.memref_squeeze %dma_start3A_89 : memref<1x48x128xi32, #tpu.memory_space<vmem>> -> memref<48x128xi32, #tpu.memory_space<vmem>>
    %dma_start3A_91 = arith.constant 0 : i32
    %dma_start3A_92 = tpu.memref_slice %arg4[%min3A_76, %mul3A_78, %dma_start3A_91] : memref<720x384x128xi32, #tpu.memory_space<hbm>> -> memref<1x48x128xi32, #tpu.memory_space<hbm>>
    %dma_start3A_93 = tpu.memref_squeeze %dma_start3A_92 : memref<1x48x128xi32, #tpu.memory_space<hbm>> -> memref<48x128xi32, #tpu.memory_space<hbm>>
    tpu.enqueue_dma source(%dma_start3A_93 : memref<48x128xi32, #tpu.memory_space<hbm>>) target(%dma_start3A_90 : memref<48x128xi32, #tpu.memory_space<vmem>>) target_semaphore(%arg11 : memref<!tpu.dma_semaphore, #tpu.memory_space<semaphore_mem>>)
    %scan3A = arith.constant 0 : i32
    %scan3A_94 = arith.constant 0 : i32
    %scan3A_95 = arith.constant 45 : i32
    %scan3A_96 = arith.addi %scan3A_94, %scan3A_95 : i32
    %scan3A_97 = arith.constant 1 : i32
    scf.for %scan3A_161 = %scan3A_94 to %scan3A_96 step %scan3A_97  : i32 {
      %mul3A_162 = arith.constant 4 : i32
      %mul3A_163 = arith.muli %scan3A_161, %mul3A_162 : i32
      %add3A_164 = arith.constant 0 : i32
      %add3A_165 = arith.addi %mul3A_163, %add3A_164 : i32
      %add3A_166 = arith.addi %mul3A_32, %add3A_165 : i32
      %min3A_167 = arith.constant 719 : i32
      %min3A_168 = arith.minsi %add3A_166, %min3A_167 : i32
      %mul3A_169 = arith.constant 48 : i32
      %mul3A_170 = arith.muli %select_n3A_30, %mul3A_169 : i32
      %dma_wait3A_171 = arith.constant 0 : i32
      %dma_wait3A_172 = arith.constant 0 : i32
      %dma_wait3A_173 = arith.constant 0 : i32
      %dma_wait3A_174 = tpu.memref_slice %arg7[%dma_wait3A_171, %dma_wait3A_172, %dma_wait3A_173] : memref<4x48x128xi32, #tpu.memory_space<vmem>> -> memref<1x48x128xi32, #tpu.memory_space<vmem>>
      %dma_wait3A_175 = tpu.memref_squeeze %dma_wait3A_174 : memref<1x48x128xi32, #tpu.memory_space<vmem>> -> memref<48x128xi32, #tpu.memory_space<vmem>>
      %dma_wait3A_176 = arith.constant 0 : i32
      %dma_wait3A_177 = tpu.memref_slice %arg4[%min3A_168, %mul3A_170, %dma_wait3A_176] : memref<720x384x128xi32, #tpu.memory_space<hbm>> -> memref<1x48x128xi32, #tpu.memory_space<hbm>>
      %dma_wait3A_178 = tpu.memref_squeeze %dma_wait3A_177 : memref<1x48x128xi32, #tpu.memory_space<hbm>> -> memref<48x128xi32, #tpu.memory_space<hbm>>
      %dma_wait3A_179 = arith.constant 0 : i32
      %dma_wait3A_180 = arith.constant 0 : i32
      %dma_wait3A_181 = tpu.memref_slice %arg7[%dma_wait3A_171, %dma_wait3A_179, %dma_wait3A_180] : memref<4x48x128xi32, #tpu.memory_space<vmem>> -> memref<1x48x128xi32, #tpu.memory_space<vmem>>
      %dma_wait3A_182 = tpu.memref_squeeze %dma_wait3A_181 : memref<1x48x128xi32, #tpu.memory_space<vmem>> -> memref<48x128xi32, #tpu.memory_space<vmem>>
      %dma_wait3A_183 = arith.constant 0 : i32
      %dma_wait3A_184 = tpu.memref_slice %arg4[%min3A_168, %mul3A_170, %dma_wait3A_183] : memref<720x384x128xi32, #tpu.memory_space<hbm>> -> memref<1x48x128xi32, #tpu.memory_space<hbm>>
      %dma_wait3A_185 = tpu.memref_squeeze %dma_wait3A_184 : memref<1x48x128xi32, #tpu.memory_space<hbm>> -> memref<48x128xi32, #tpu.memory_space<hbm>>
      tpu.wait_dma2 semaphore(%arg9 : memref<!tpu.dma_semaphore, #tpu.memory_space<semaphore_mem>>) src(%dma_wait3A_185 : memref<48x128xi32, #tpu.memory_space<hbm>>) dst(%dma_wait3A_182 : memref<48x128xi32, #tpu.memory_space<vmem>>)
      %add3A_186 = arith.constant 0 : i32
      %add3A_187 = arith.addi %mul3A_163, %add3A_186 : i32
      %add3A_188 = arith.constant 3 : i32
      %add3A_189 = arith.addi %add3A_187, %add3A_188 : i32
      %add3A_190 = arith.addi %mul3A_32, %add3A_189 : i32
      %min3A_191 = arith.constant 719 : i32
      %min3A_192 = arith.minsi %add3A_190, %min3A_191 : i32
      %mul3A_193 = arith.constant 48 : i32
      %mul3A_194 = arith.muli %select_n3A_30, %mul3A_193 : i32
      %dma_start3A_195 = arith.constant 3 : i32
      %dma_start3A_196 = arith.constant 0 : i32
      %dma_start3A_197 = arith.constant 0 : i32
      %dma_start3A_198 = tpu.memref_slice %arg7[%dma_start3A_195, %dma_start3A_196, %dma_start3A_197] : memref<4x48x128xi32, #tpu.memory_space<vmem>> -> memref<1x48x128xi32, #tpu.memory_space<vmem>>
      %dma_start3A_199 = tpu.memref_squeeze %dma_start3A_198 : memref<1x48x128xi32, #tpu.memory_space<vmem>> -> memref<48x128xi32, #tpu.memory_space<vmem>>
      %dma_start3A_200 = arith.constant 0 : i32
      %dma_start3A_201 = tpu.memref_slice %arg4[%min3A_192, %mul3A_194, %dma_start3A_200] : memref<720x384x128xi32, #tpu.memory_space<hbm>> -> memref<1x48x128xi32, #tpu.memory_space<hbm>>
      %dma_start3A_202 = tpu.memref_squeeze %dma_start3A_201 : memref<1x48x128xi32, #tpu.memory_space<hbm>> -> memref<48x128xi32, #tpu.memory_space<hbm>>
      %dma_start3A_203 = arith.constant 0 : i32
      %dma_start3A_204 = arith.constant 0 : i32
      %dma_start3A_205 = tpu.memref_slice %arg7[%dma_start3A_195, %dma_start3A_203, %dma_start3A_204] : memref<4x48x128xi32, #tpu.memory_space<vmem>> -> memref<1x48x128xi32, #tpu.memory_space<vmem>>
      %dma_start3A_206 = tpu.memref_squeeze %dma_start3A_205 : memref<1x48x128xi32, #tpu.memory_space<vmem>> -> memref<48x128xi32, #tpu.memory_space<vmem>>
      %dma_start3A_207 = arith.constant 0 : i32
      %dma_start3A_208 = tpu.memref_slice %arg4[%min3A_192, %mul3A_194, %dma_start3A_207] : memref<720x384x128xi32, #tpu.memory_space<hbm>> -> memref<1x48x128xi32, #tpu.memory_space<hbm>>
      %dma_start3A_209 = tpu.memref_squeeze %dma_start3A_208 : memref<1x48x128xi32, #tpu.memory_space<hbm>> -> memref<48x128xi32, #tpu.memory_space<hbm>>
      tpu.enqueue_dma source(%dma_start3A_209 : memref<48x128xi32, #tpu.memory_space<hbm>>) target(%dma_start3A_206 : memref<48x128xi32, #tpu.memory_space<vmem>>) target_semaphore(%arg12 : memref<!tpu.dma_semaphore, #tpu.memory_space<semaphore_mem>>)
      %parallel_loop3A = arith.constant 0 : i32
      %parallel_loop3A_210 = arith.constant 384 : i32
      %parallel_loop3A_211 = arith.constant 1 : i32
      scf.for %parallel_loop3A_359 = %parallel_loop3A to %parallel_loop3A_210 step %parallel_loop3A_211  : i32 {
        %parallel_loop3A_360 = arith.constant 3 : i32
        %parallel_loop3A_361 = arith.shrsi %parallel_loop3A_359, %parallel_loop3A_360 : i32
        %parallel_loop3A_362 = arith.constant 7 : i32
        %parallel_loop3A_363 = arith.andi %parallel_loop3A_359, %parallel_loop3A_362 : i32
        %parallel_loop3A_364 = arith.constant 16 : i32
        %parallel_loop3A_365 = arith.muli %parallel_loop3A_363, %parallel_loop3A_364 : i32
        %parallel_loop3A_366 = arith.constant 0 : i32
        %parallel_loop3A_367 = arith.index_cast %parallel_loop3A_366 : i32 to index
        %parallel_loop3A_368 = arith.index_cast %parallel_loop3A_361 : i32 to index
        %parallel_loop3A_369 = arith.index_cast %parallel_loop3A_365 : i32 to index
        %parallel_loop3A_370 = tpu.vector_load %arg7[%parallel_loop3A_367, %parallel_loop3A_368, %parallel_loop3A_369] {strides = array<i32>} : memref<4x48x128xi32, #tpu.memory_space<vmem>>, vector<16xi32>,
        %parallel_loop3A_371 = tpu.vector_load_idx %arg6[%parallel_loop3A_370] : memref<10000xf32, #tpu.memory_space<vmem>>[vector<16xi32>], vector<16xf32>,
        %parallel_loop3A_372 = arith.constant 16 : i32
        %parallel_loop3A_373 = arith.muli %parallel_loop3A_359, %parallel_loop3A_372 : i32
        %parallel_loop3A_374 = arith.index_cast %parallel_loop3A_373 : i32 to index
        %parallel_loop3A_375 = tpu.vector_load %arg8[%parallel_loop3A_374] {strides = array<i32>} : memref<6144xf32, #tpu.memory_space<vmem>>, vector<16xf32>,
        %parallel_loop3A_376 = arith.constant 0.989949464 : f32
        %parallel_loop3A_377 = vector.broadcast %parallel_loop3A_376 : f32 to vector<16xf32>
        %parallel_loop3A_378 = arith.mulf %parallel_loop3A_377, %parallel_loop3A_375 : vector<16xf32>
        %parallel_loop3A_379 = arith.constant 0.141421363 : f32
        %parallel_loop3A_380 = vector.broadcast %parallel_loop3A_379 : f32 to vector<16xf32>
        %parallel_loop3A_381 = arith.mulf %parallel_loop3A_380, %parallel_loop3A_371 : vector<16xf32>
        %parallel_loop3A_382 = arith.addf %parallel_loop3A_378, %parallel_loop3A_381 : vector<16xf32>
        %parallel_loop3A_383 = arith.index_cast %parallel_loop3A_373 : i32 to index
        %parallel_loop3A_384 = tpu.vector_load %arg8[%parallel_loop3A_383] {strides = array<i32>} : memref<6144xf32, #tpu.memory_space<vmem>>, vector<16xf32>,
        tpu.vector_store %arg8[%parallel_loop3A_383], %parallel_loop3A_382 {strides = array<i32>} : memref<6144xf32, #tpu.memory_space<vmem>>, vector<16xf32>,
      } {sc.loop_unroll_factor = 8 : i64, sc.parallel_access}
      %add3A_212 = arith.constant 1 : i32
      %add3A_213 = arith.addi %mul3A_163, %add3A_212 : i32
      %add3A_214 = arith.addi %mul3A_32, %add3A_213 : i32
      %min3A_215 = arith.constant 719 : i32
      %min3A_216 = arith.minsi %add3A_214, %min3A_215 : i32
      %mul3A_217 = arith.constant 48 : i32
      %mul3A_218 = arith.muli %select_n3A_30, %mul3A_217 : i32
      %dma_wait3A_219 = arith.constant 1 : i32
      %dma_wait3A_220 = arith.constant 0 : i32
      %dma_wait3A_221 = arith.constant 0 : i32
      %dma_wait3A_222 = tpu.memref_slice %arg7[%dma_wait3A_219, %dma_wait3A_220, %dma_wait3A_221] : memref<4x48x128xi32, #tpu.memory_space<vmem>> -> memref<1x48x128xi32, #tpu.memory_space<vmem>>
      %dma_wait3A_223 = tpu.memref_squeeze %dma_wait3A_222 : memref<1x48x128xi32, #tpu.memory_space<vmem>> -> memref<48x128xi32, #tpu.memory_space<vmem>>
      %dma_wait3A_224 = arith.constant 0 : i32
      %dma_wait3A_225 = tpu.memref_slice %arg4[%min3A_216, %mul3A_218, %dma_wait3A_224] : memref<720x384x128xi32, #tpu.memory_space<hbm>> -> memref<1x48x128xi32, #tpu.memory_space<hbm>>
      %dma_wait3A_226 = tpu.memref_squeeze %dma_wait3A_225 : memref<1x48x128xi32, #tpu.memory_space<hbm>> -> memref<48x128xi32, #tpu.memory_space<hbm>>
      %dma_wait3A_227 = arith.constant 0 : i32
      %dma_wait3A_228 = arith.constant 0 : i32
      %dma_wait3A_229 = tpu.memref_slice %arg7[%dma_wait3A_219, %dma_wait3A_227, %dma_wait3A_228] : memref<4x48x128xi32, #tpu.memory_space<vmem>> -> memref<1x48x128xi32, #tpu.memory_space<vmem>>
      %dma_wait3A_230 = tpu.memref_squeeze %dma_wait3A_229 : memref<1x48x128xi32, #tpu.memory_space<vmem>> -> memref<48x128xi32, #tpu.memory_space<vmem>>
      %dma_wait3A_231 = arith.constant 0 : i32
      %dma_wait3A_232 = tpu.memref_slice %arg4[%min3A_216, %mul3A_218, %dma_wait3A_231] : memref<720x384x128xi32, #tpu.memory_space<hbm>> -> memref<1x48x128xi32, #tpu.memory_space<hbm>>
      %dma_wait3A_233 = tpu.memref_squeeze %dma_wait3A_232 : memref<1x48x128xi32, #tpu.memory_space<hbm>> -> memref<48x128xi32, #tpu.memory_space<hbm>>
      tpu.wait_dma2 semaphore(%arg10 : memref<!tpu.dma_semaphore, #tpu.memory_space<semaphore_mem>>) src(%dma_wait3A_233 : memref<48x128xi32, #tpu.memory_space<hbm>>) dst(%dma_wait3A_230 : memref<48x128xi32, #tpu.memory_space<vmem>>)
      %add3A_234 = arith.constant 1 : i32
      %add3A_235 = arith.addi %mul3A_163, %add3A_234 : i32
      %add3A_236 = arith.constant 3 : i32
      %add3A_237 = arith.addi %add3A_235, %add3A_236 : i32
      %add3A_238 = arith.addi %mul3A_32, %add3A_237 : i32
      %min3A_239 = arith.constant 719 : i32
      %min3A_240 = arith.minsi %add3A_238, %min3A_239 : i32
      %mul3A_241 = arith.constant 48 : i32
      %mul3A_242 = arith.muli %select_n3A_30, %mul3A_241 : i32
      %dma_start3A_243 = arith.constant 0 : i32
      %dma_start3A_244 = arith.constant 0 : i32
      %dma_start3A_245 = arith.constant 0 : i32
      %dma_start3A_246 = tpu.memref_slice %arg7[%dma_start3A_243, %dma_start3A_244, %dma_start3A_245] : memref<4x48x128xi32, #tpu.memory_space<vmem>> -> memref<1x48x128xi32, #tpu.memory_space<vmem>>
      %dma_start3A_247 = tpu.memref_squeeze %dma_start3A_246 : memref<1x48x128xi32, #tpu.memory_space<vmem>> -> memref<48x128xi32, #tpu.memory_space<vmem>>
      %dma_start3A_248 = arith.constant 0 : i32
      %dma_start3A_249 = tpu.memref_slice %arg4[%min3A_240, %mul3A_242, %dma_start3A_248] : memref<720x384x128xi32, #tpu.memory_space<hbm>> -> memref<1x48x128xi32, #tpu.memory_space<hbm>>
      %dma_start3A_250 = tpu.memref_squeeze %dma_start3A_249 : memref<1x48x128xi32, #tpu.memory_space<hbm>> -> memref<48x128xi32, #tpu.memory_space<hbm>>
      %dma_start3A_251 = arith.constant 0 : i32
      %dma_start3A_252 = arith.constant 0 : i32
      %dma_start3A_253 = tpu.memref_slice %arg7[%dma_start3A_243, %dma_start3A_251, %dma_start3A_252] : memref<4x48x128xi32, #tpu.memory_space<vmem>> -> memref<1x48x128xi32, #tpu.memory_space<vmem>>
      %dma_start3A_254 = tpu.memref_squeeze %dma_start3A_253 : memref<1x48x128xi32, #tpu.memory_space<vmem>> -> memref<48x128xi32, #tpu.memory_space<vmem>>
      %dma_start3A_255 = arith.constant 0 : i32
      %dma_start3A_256 = tpu.memref_slice %arg4[%min3A_240, %mul3A_242, %dma_start3A_255] : memref<720x384x128xi32, #tpu.memory_space<hbm>> -> memref<1x48x128xi32, #tpu.memory_space<hbm>>
      %dma_start3A_257 = tpu.memref_squeeze %dma_start3A_256 : memref<1x48x128xi32, #tpu.memory_space<hbm>> -> memref<48x128xi32, #tpu.memory_space<hbm>>
      tpu.enqueue_dma source(%dma_start3A_257 : memref<48x128xi32, #tpu.memory_space<hbm>>) target(%dma_start3A_254 : memref<48x128xi32, #tpu.memory_space<vmem>>) target_semaphore(%arg9 : memref<!tpu.dma_semaphore, #tpu.memory_space<semaphore_mem>>)
      %parallel_loop3A_258 = arith.constant 0 : i32
      %parallel_loop3A_259 = arith.constant 384 : i32
      %parallel_loop3A_260 = arith.constant 1 : i32
      scf.for %parallel_loop3A_359 = %parallel_loop3A_258 to %parallel_loop3A_259 step %parallel_loop3A_260  : i32 {
        %parallel_loop3A_360 = arith.constant 3 : i32
        %parallel_loop3A_361 = arith.shrsi %parallel_loop3A_359, %parallel_loop3A_360 : i32
        %parallel_loop3A_362 = arith.constant 7 : i32
        %parallel_loop3A_363 = arith.andi %parallel_loop3A_359, %parallel_loop3A_362 : i32
        %parallel_loop3A_364 = arith.constant 16 : i32
        %parallel_loop3A_365 = arith.muli %parallel_loop3A_363, %parallel_loop3A_364 : i32
        %parallel_loop3A_366 = arith.constant 1 : i32
        %parallel_loop3A_367 = arith.index_cast %parallel_loop3A_366 : i32 to index
        %parallel_loop3A_368 = arith.index_cast %parallel_loop3A_361 : i32 to index
        %parallel_loop3A_369 = arith.index_cast %parallel_loop3A_365 : i32 to index
        %parallel_loop3A_370 = tpu.vector_load %arg7[%parallel_loop3A_367, %parallel_loop3A_368, %parallel_loop3A_369] {strides = array<i32>} : memref<4x48x128xi32, #tpu.memory_space<vmem>>, vector<16xi32>,
        %parallel_loop3A_371 = tpu.vector_load_idx %arg6[%parallel_loop3A_370] : memref<10000xf32, #tpu.memory_space<vmem>>[vector<16xi32>], vector<16xf32>,
        %parallel_loop3A_372 = arith.constant 16 : i32
        %parallel_loop3A_373 = arith.muli %parallel_loop3A_359, %parallel_loop3A_372 : i32
        %parallel_loop3A_374 = arith.index_cast %parallel_loop3A_373 : i32 to index
        %parallel_loop3A_375 = tpu.vector_load %arg8[%parallel_loop3A_374] {strides = array<i32>} : memref<6144xf32, #tpu.memory_space<vmem>>, vector<16xf32>,
        %parallel_loop3A_376 = arith.constant 0.989949464 : f32
        %parallel_loop3A_377 = vector.broadcast %parallel_loop3A_376 : f32 to vector<16xf32>
        %parallel_loop3A_378 = arith.mulf %parallel_loop3A_377, %parallel_loop3A_375 : vector<16xf32>
        %parallel_loop3A_379 = arith.constant 0.141421363 : f32
        %parallel_loop3A_380 = vector.broadcast %parallel_loop3A_379 : f32 to vector<16xf32>
        %parallel_loop3A_381 = arith.mulf %parallel_loop3A_380, %parallel_loop3A_371 : vector<16xf32>
        %parallel_loop3A_382 = arith.addf %parallel_loop3A_378, %parallel_loop3A_381 : vector<16xf32>
        %parallel_loop3A_383 = arith.index_cast %parallel_loop3A_373 : i32 to index
        %parallel_loop3A_384 = tpu.vector_load %arg8[%parallel_loop3A_383] {strides = array<i32>} : memref<6144xf32, #tpu.memory_space<vmem>>, vector<16xf32>,
        tpu.vector_store %arg8[%parallel_loop3A_383], %parallel_loop3A_382 {strides = array<i32>} : memref<6144xf32, #tpu.memory_space<vmem>>, vector<16xf32>,
      } {sc.loop_unroll_factor = 8 : i64, sc.parallel_access}
      %add3A_261 = arith.constant 2 : i32
      %add3A_262 = arith.addi %mul3A_163, %add3A_261 : i32
      %add3A_263 = arith.addi %mul3A_32, %add3A_262 : i32
      %min3A_264 = arith.constant 719 : i32
      %min3A_265 = arith.minsi %add3A_263, %min3A_264 : i32
      %mul3A_266 = arith.constant 48 : i32
      %mul3A_267 = arith.muli %select_n3A_30, %mul3A_266 : i32
      %dma_wait3A_268 = arith.constant 2 : i32
      %dma_wait3A_269 = arith.constant 0 : i32
      %dma_wait3A_270 = arith.constant 0 : i32
      %dma_wait3A_271 = tpu.memref_slice %arg7[%dma_wait3A_268, %dma_wait3A_269, %dma_wait3A_270] : memref<4x48x128xi32, #tpu.memory_space<vmem>> -> memref<1x48x128xi32, #tpu.memory_space<vmem>>
      %dma_wait3A_272 = tpu.memref_squeeze %dma_wait3A_271 : memref<1x48x128xi32, #tpu.memory_space<vmem>> -> memref<48x128xi32, #tpu.memory_space<vmem>>
      %dma_wait3A_273 = arith.constant 0 : i32
      %dma_wait3A_274 = tpu.memref_slice %arg4[%min3A_265, %mul3A_267, %dma_wait3A_273] : memref<720x384x128xi32, #tpu.memory_space<hbm>> -> memref<1x48x128xi32, #tpu.memory_space<hbm>>
      %dma_wait3A_275 = tpu.memref_squeeze %dma_wait3A_274 : memref<1x48x128xi32, #tpu.memory_space<hbm>> -> memref<48x128xi32, #tpu.memory_space<hbm>>
      %dma_wait3A_276 = arith.constant 0 : i32
      %dma_wait3A_277 = arith.constant 0 : i32
      %dma_wait3A_278 = tpu.memref_slice %arg7[%dma_wait3A_268, %dma_wait3A_276, %dma_wait3A_277] : memref<4x48x128xi32, #tpu.memory_space<vmem>> -> memref<1x48x128xi32, #tpu.memory_space<vmem>>
      %dma_wait3A_279 = tpu.memref_squeeze %dma_wait3A_278 : memref<1x48x128xi32, #tpu.memory_space<vmem>> -> memref<48x128xi32, #tpu.memory_space<vmem>>
      %dma_wait3A_280 = arith.constant 0 : i32
      %dma_wait3A_281 = tpu.memref_slice %arg4[%min3A_265, %mul3A_267, %dma_wait3A_280] : memref<720x384x128xi32, #tpu.memory_space<hbm>> -> memref<1x48x128xi32, #tpu.memory_space<hbm>>
      %dma_wait3A_282 = tpu.memref_squeeze %dma_wait3A_281 : memref<1x48x128xi32, #tpu.memory_space<hbm>> -> memref<48x128xi32, #tpu.memory_space<hbm>>
      tpu.wait_dma2 semaphore(%arg11 : memref<!tpu.dma_semaphore, #tpu.memory_space<semaphore_mem>>) src(%dma_wait3A_282 : memref<48x128xi32, #tpu.memory_space<hbm>>) dst(%dma_wait3A_279 : memref<48x128xi32, #tpu.memory_space<vmem>>)
      %add3A_283 = arith.constant 2 : i32
      %add3A_284 = arith.addi %mul3A_163, %add3A_283 : i32
      %add3A_285 = arith.constant 3 : i32
      %add3A_286 = arith.addi %add3A_284, %add3A_285 : i32
      %add3A_287 = arith.addi %mul3A_32, %add3A_286 : i32
      %min3A_288 = arith.constant 719 : i32
      %min3A_289 = arith.minsi %add3A_287, %min3A_288 : i32
      %mul3A_290 = arith.constant 48 : i32
      %mul3A_291 = arith.muli %select_n3A_30, %mul3A_290 : i32
      %dma_start3A_292 = arith.constant 1 : i32
      %dma_start3A_293 = arith.constant 0 : i32
      %dma_start3A_294 = arith.constant 0 : i32
      %dma_start3A_295 = tpu.memref_slice %arg7[%dma_start3A_292, %dma_start3A_293, %dma_start3A_294] : memref<4x48x128xi32, #tpu.memory_space<vmem>> -> memref<1x48x128xi32, #tpu.memory_space<vmem>>
      %dma_start3A_296 = tpu.memref_squeeze %dma_start3A_295 : memref<1x48x128xi32, #tpu.memory_space<vmem>> -> memref<48x128xi32, #tpu.memory_space<vmem>>
      %dma_start3A_297 = arith.constant 0 : i32
      %dma_start3A_298 = tpu.memref_slice %arg4[%min3A_289, %mul3A_291, %dma_start3A_297] : memref<720x384x128xi32, #tpu.memory_space<hbm>> -> memref<1x48x128xi32, #tpu.memory_space<hbm>>
      %dma_start3A_299 = tpu.memref_squeeze %dma_start3A_298 : memref<1x48x128xi32, #tpu.memory_space<hbm>> -> memref<48x128xi32, #tpu.memory_space<hbm>>
      %dma_start3A_300 = arith.constant 0 : i32
      %dma_start3A_301 = arith.constant 0 : i32
      %dma_start3A_302 = tpu.memref_slice %arg7[%dma_start3A_292, %dma_start3A_300, %dma_start3A_301] : memref<4x48x128xi32, #tpu.memory_space<vmem>> -> memref<1x48x128xi32, #tpu.memory_space<vmem>>
      %dma_start3A_303 = tpu.memref_squeeze %dma_start3A_302 : memref<1x48x128xi32, #tpu.memory_space<vmem>> -> memref<48x128xi32, #tpu.memory_space<vmem>>
      %dma_start3A_304 = arith.constant 0 : i32
      %dma_start3A_305 = tpu.memref_slice %arg4[%min3A_289, %mul3A_291, %dma_start3A_304] : memref<720x384x128xi32, #tpu.memory_space<hbm>> -> memref<1x48x128xi32, #tpu.memory_space<hbm>>
      %dma_start3A_306 = tpu.memref_squeeze %dma_start3A_305 : memref<1x48x128xi32, #tpu.memory_space<hbm>> -> memref<48x128xi32, #tpu.memory_space<hbm>>
      tpu.enqueue_dma source(%dma_start3A_306 : memref<48x128xi32, #tpu.memory_space<hbm>>) target(%dma_start3A_303 : memref<48x128xi32, #tpu.memory_space<vmem>>) target_semaphore(%arg10 : memref<!tpu.dma_semaphore, #tpu.memory_space<semaphore_mem>>)
      %parallel_loop3A_307 = arith.constant 0 : i32
      %parallel_loop3A_308 = arith.constant 384 : i32
      %parallel_loop3A_309 = arith.constant 1 : i32
      scf.for %parallel_loop3A_359 = %parallel_loop3A_307 to %parallel_loop3A_308 step %parallel_loop3A_309  : i32 {
        %parallel_loop3A_360 = arith.constant 3 : i32
        %parallel_loop3A_361 = arith.shrsi %parallel_loop3A_359, %parallel_loop3A_360 : i32
        %parallel_loop3A_362 = arith.constant 7 : i32
        %parallel_loop3A_363 = arith.andi %parallel_loop3A_359, %parallel_loop3A_362 : i32
        %parallel_loop3A_364 = arith.constant 16 : i32
        %parallel_loop3A_365 = arith.muli %parallel_loop3A_363, %parallel_loop3A_364 : i32
        %parallel_loop3A_366 = arith.constant 2 : i32
        %parallel_loop3A_367 = arith.index_cast %parallel_loop3A_366 : i32 to index
        %parallel_loop3A_368 = arith.index_cast %parallel_loop3A_361 : i32 to index
        %parallel_loop3A_369 = arith.index_cast %parallel_loop3A_365 : i32 to index
        %parallel_loop3A_370 = tpu.vector_load %arg7[%parallel_loop3A_367, %parallel_loop3A_368, %parallel_loop3A_369] {strides = array<i32>} : memref<4x48x128xi32, #tpu.memory_space<vmem>>, vector<16xi32>,
        %parallel_loop3A_371 = tpu.vector_load_idx %arg6[%parallel_loop3A_370] : memref<10000xf32, #tpu.memory_space<vmem>>[vector<16xi32>], vector<16xf32>,
        %parallel_loop3A_372 = arith.constant 16 : i32
        %parallel_loop3A_373 = arith.muli %parallel_loop3A_359, %parallel_loop3A_372 : i32
        %parallel_loop3A_374 = arith.index_cast %parallel_loop3A_373 : i32 to index
        %parallel_loop3A_375 = tpu.vector_load %arg8[%parallel_loop3A_374] {strides = array<i32>} : memref<6144xf32, #tpu.memory_space<vmem>>, vector<16xf32>,
        %parallel_loop3A_376 = arith.constant 0.989949464 : f32
        %parallel_loop3A_377 = vector.broadcast %parallel_loop3A_376 : f32 to vector<16xf32>
        %parallel_loop3A_378 = arith.mulf %parallel_loop3A_377, %parallel_loop3A_375 : vector<16xf32>
        %parallel_loop3A_379 = arith.constant 0.141421363 : f32
        %parallel_loop3A_380 = vector.broadcast %parallel_loop3A_379 : f32 to vector<16xf32>
        %parallel_loop3A_381 = arith.mulf %parallel_loop3A_380, %parallel_loop3A_371 : vector<16xf32>
        %parallel_loop3A_382 = arith.addf %parallel_loop3A_378, %parallel_loop3A_381 : vector<16xf32>
        %parallel_loop3A_383 = arith.index_cast %parallel_loop3A_373 : i32 to index
        %parallel_loop3A_384 = tpu.vector_load %arg8[%parallel_loop3A_383] {strides = array<i32>} : memref<6144xf32, #tpu.memory_space<vmem>>, vector<16xf32>,
        tpu.vector_store %arg8[%parallel_loop3A_383], %parallel_loop3A_382 {strides = array<i32>} : memref<6144xf32, #tpu.memory_space<vmem>>, vector<16xf32>,
      } {sc.loop_unroll_factor = 8 : i64, sc.parallel_access}
      %add3A_310 = arith.constant 3 : i32
      %add3A_311 = arith.addi %mul3A_163, %add3A_310 : i32
      %add3A_312 = arith.addi %mul3A_32, %add3A_311 : i32
      %min3A_313 = arith.constant 719 : i32
      %min3A_314 = arith.minsi %add3A_312, %min3A_313 : i32
      %mul3A_315 = arith.constant 48 : i32
      %mul3A_316 = arith.muli %select_n3A_30, %mul3A_315 : i32
      %dma_wait3A_317 = arith.constant 3 : i32
      %dma_wait3A_318 = arith.constant 0 : i32
      %dma_wait3A_319 = arith.constant 0 : i32
      %dma_wait3A_320 = tpu.memref_slice %arg7[%dma_wait3A_317, %dma_wait3A_318, %dma_wait3A_319] : memref<4x48x128xi32, #tpu.memory_space<vmem>> -> memref<1x48x128xi32, #tpu.memory_space<vmem>>
      %dma_wait3A_321 = tpu.memref_squeeze %dma_wait3A_320 : memref<1x48x128xi32, #tpu.memory_space<vmem>> -> memref<48x128xi32, #tpu.memory_space<vmem>>
      %dma_wait3A_322 = arith.constant 0 : i32
      %dma_wait3A_323 = tpu.memref_slice %arg4[%min3A_314, %mul3A_316, %dma_wait3A_322] : memref<720x384x128xi32, #tpu.memory_space<hbm>> -> memref<1x48x128xi32, #tpu.memory_space<hbm>>
      %dma_wait3A_324 = tpu.memref_squeeze %dma_wait3A_323 : memref<1x48x128xi32, #tpu.memory_space<hbm>> -> memref<48x128xi32, #tpu.memory_space<hbm>>
      %dma_wait3A_325 = arith.constant 0 : i32
      %dma_wait3A_326 = arith.constant 0 : i32
      %dma_wait3A_327 = tpu.memref_slice %arg7[%dma_wait3A_317, %dma_wait3A_325, %dma_wait3A_326] : memref<4x48x128xi32, #tpu.memory_space<vmem>> -> memref<1x48x128xi32, #tpu.memory_space<vmem>>
      %dma_wait3A_328 = tpu.memref_squeeze %dma_wait3A_327 : memref<1x48x128xi32, #tpu.memory_space<vmem>> -> memref<48x128xi32, #tpu.memory_space<vmem>>
      %dma_wait3A_329 = arith.constant 0 : i32
      %dma_wait3A_330 = tpu.memref_slice %arg4[%min3A_314, %mul3A_316, %dma_wait3A_329] : memref<720x384x128xi32, #tpu.memory_space<hbm>> -> memref<1x48x128xi32, #tpu.memory_space<hbm>>
      %dma_wait3A_331 = tpu.memref_squeeze %dma_wait3A_330 : memref<1x48x128xi32, #tpu.memory_space<hbm>> -> memref<48x128xi32, #tpu.memory_space<hbm>>
      tpu.wait_dma2 semaphore(%arg12 : memref<!tpu.dma_semaphore, #tpu.memory_space<semaphore_mem>>) src(%dma_wait3A_331 : memref<48x128xi32, #tpu.memory_space<hbm>>) dst(%dma_wait3A_328 : memref<48x128xi32, #tpu.memory_space<vmem>>)
      %add3A_332 = arith.constant 3 : i32
      %add3A_333 = arith.addi %mul3A_163, %add3A_332 : i32
      %add3A_334 = arith.constant 3 : i32
      %add3A_335 = arith.addi %add3A_333, %add3A_334 : i32
      %add3A_336 = arith.addi %mul3A_32, %add3A_335 : i32
      %min3A_337 = arith.constant 719 : i32
      %min3A_338 = arith.minsi %add3A_336, %min3A_337 : i32
      %mul3A_339 = arith.constant 48 : i32
      %mul3A_340 = arith.muli %select_n3A_30, %mul3A_339 : i32
      %dma_start3A_341 = arith.constant 2 : i32
      %dma_start3A_342 = arith.constant 0 : i32
      %dma_start3A_343 = arith.constant 0 : i32
      %dma_start3A_344 = tpu.memref_slice %arg7[%dma_start3A_341, %dma_start3A_342, %dma_start3A_343] : memref<4x48x128xi32, #tpu.memory_space<vmem>> -> memref<1x48x128xi32, #tpu.memory_space<vmem>>
      %dma_start3A_345 = tpu.memref_squeeze %dma_start3A_344 : memref<1x48x128xi32, #tpu.memory_space<vmem>> -> memref<48x128xi32, #tpu.memory_space<vmem>>
      %dma_start3A_346 = arith.constant 0 : i32
      %dma_start3A_347 = tpu.memref_slice %arg4[%min3A_338, %mul3A_340, %dma_start3A_346] : memref<720x384x128xi32, #tpu.memory_space<hbm>> -> memref<1x48x128xi32, #tpu.memory_space<hbm>>
      %dma_start3A_348 = tpu.memref_squeeze %dma_start3A_347 : memref<1x48x128xi32, #tpu.memory_space<hbm>> -> memref<48x128xi32, #tpu.memory_space<hbm>>
      %dma_start3A_349 = arith.constant 0 : i32
      %dma_start3A_350 = arith.constant 0 : i32
      %dma_start3A_351 = tpu.memref_slice %arg7[%dma_start3A_341, %dma_start3A_349, %dma_start3A_350] : memref<4x48x128xi32, #tpu.memory_space<vmem>> -> memref<1x48x128xi32, #tpu.memory_space<vmem>>
      %dma_start3A_352 = tpu.memref_squeeze %dma_start3A_351 : memref<1x48x128xi32, #tpu.memory_space<vmem>> -> memref<48x128xi32, #tpu.memory_space<vmem>>
      %dma_start3A_353 = arith.constant 0 : i32
      %dma_start3A_354 = tpu.memref_slice %arg4[%min3A_338, %mul3A_340, %dma_start3A_353] : memref<720x384x128xi32, #tpu.memory_space<hbm>> -> memref<1x48x128xi32, #tpu.memory_space<hbm>>
      %dma_start3A_355 = tpu.memref_squeeze %dma_start3A_354 : memref<1x48x128xi32, #tpu.memory_space<hbm>> -> memref<48x128xi32, #tpu.memory_space<hbm>>
      tpu.enqueue_dma source(%dma_start3A_355 : memref<48x128xi32, #tpu.memory_space<hbm>>) target(%dma_start3A_352 : memref<48x128xi32, #tpu.memory_space<vmem>>) target_semaphore(%arg11 : memref<!tpu.dma_semaphore, #tpu.memory_space<semaphore_mem>>)
      %parallel_loop3A_356 = arith.constant 0 : i32
      %parallel_loop3A_357 = arith.constant 384 : i32
      %parallel_loop3A_358 = arith.constant 1 : i32
      scf.for %parallel_loop3A_359 = %parallel_loop3A_356 to %parallel_loop3A_357 step %parallel_loop3A_358  : i32 {
        %parallel_loop3A_360 = arith.constant 3 : i32
        %parallel_loop3A_361 = arith.shrsi %parallel_loop3A_359, %parallel_loop3A_360 : i32
        %parallel_loop3A_362 = arith.constant 7 : i32
        %parallel_loop3A_363 = arith.andi %parallel_loop3A_359, %parallel_loop3A_362 : i32
        %parallel_loop3A_364 = arith.constant 16 : i32
        %parallel_loop3A_365 = arith.muli %parallel_loop3A_363, %parallel_loop3A_364 : i32
        %parallel_loop3A_366 = arith.constant 3 : i32
        %parallel_loop3A_367 = arith.index_cast %parallel_loop3A_366 : i32 to index
        %parallel_loop3A_368 = arith.index_cast %parallel_loop3A_361 : i32 to index
        %parallel_loop3A_369 = arith.index_cast %parallel_loop3A_365 : i32 to index
        %parallel_loop3A_370 = tpu.vector_load %arg7[%parallel_loop3A_367, %parallel_loop3A_368, %parallel_loop3A_369] {strides = array<i32>} : memref<4x48x128xi32, #tpu.memory_space<vmem>>, vector<16xi32>,
        %parallel_loop3A_371 = tpu.vector_load_idx %arg6[%parallel_loop3A_370] : memref<10000xf32, #tpu.memory_space<vmem>>[vector<16xi32>], vector<16xf32>,
        %parallel_loop3A_372 = arith.constant 16 : i32
        %parallel_loop3A_373 = arith.muli %parallel_loop3A_359, %parallel_loop3A_372 : i32
        %parallel_loop3A_374 = arith.index_cast %parallel_loop3A_373 : i32 to index
        %parallel_loop3A_375 = tpu.vector_load %arg8[%parallel_loop3A_374] {strides = array<i32>} : memref<6144xf32, #tpu.memory_space<vmem>>, vector<16xf32>,
        %parallel_loop3A_376 = arith.constant 0.989949464 : f32
        %parallel_loop3A_377 = vector.broadcast %parallel_loop3A_376 : f32 to vector<16xf32>
        %parallel_loop3A_378 = arith.mulf %parallel_loop3A_377, %parallel_loop3A_375 : vector<16xf32>
        %parallel_loop3A_379 = arith.constant 0.141421363 : f32
        %parallel_loop3A_380 = vector.broadcast %parallel_loop3A_379 : f32 to vector<16xf32>
        %parallel_loop3A_381 = arith.mulf %parallel_loop3A_380, %parallel_loop3A_371 : vector<16xf32>
        %parallel_loop3A_382 = arith.addf %parallel_loop3A_378, %parallel_loop3A_381 : vector<16xf32>
        %parallel_loop3A_383 = arith.index_cast %parallel_loop3A_373 : i32 to index
        %parallel_loop3A_384 = tpu.vector_load %arg8[%parallel_loop3A_383] {strides = array<i32>} : memref<6144xf32, #tpu.memory_space<vmem>>, vector<16xf32>,
        tpu.vector_store %arg8[%parallel_loop3A_383], %parallel_loop3A_382 {strides = array<i32>} : memref<6144xf32, #tpu.memory_space<vmem>>, vector<16xf32>,
      } {sc.loop_unroll_factor = 8 : i64, sc.parallel_access}
    }
    %scan3A_98 = arith.constant 45 : i32
    %add3A_99 = arith.constant 0 : i32
    %add3A_100 = arith.addi %mul3A_32, %add3A_99 : i32
    %min3A_101 = arith.constant 719 : i32
    %min3A_102 = arith.minsi %add3A_100, %min3A_101 : i32
    %mul3A_103 = arith.constant 48 : i32
    %mul3A_104 = arith.muli %select_n3A_30, %mul3A_103 : i32
    %dma_wait3A = arith.constant 0 : i32
    %dma_wait3A_105 = arith.constant 0 : i32
    %dma_wait3A_106 = arith.constant 0 : i32
    %dma_wait3A_107 = tpu.memref_slice %arg7[%dma_wait3A, %dma_wait3A_105, %dma_wait3A_106] : memref<4x48x128xi32, #tpu.memory_space<vmem>> -> memref<1x48x128xi32, #tpu.memory_space<vmem>>
    %dma_wait3A_108 = tpu.memref_squeeze %dma_wait3A_107 : memref<1x48x128xi32, #tpu.memory_space<vmem>> -> memref<48x128xi32, #tpu.memory_space<vmem>>
    %dma_wait3A_109 = arith.constant 0 : i32
    %dma_wait3A_110 = tpu.memref_slice %arg4[%min3A_102, %mul3A_104, %dma_wait3A_109] : memref<720x384x128xi32, #tpu.memory_space<hbm>> -> memref<1x48x128xi32, #tpu.memory_space<hbm>>
    %dma_wait3A_111 = tpu.memref_squeeze %dma_wait3A_110 : memref<1x48x128xi32, #tpu.memory_space<hbm>> -> memref<48x128xi32, #tpu.memory_space<hbm>>
    %dma_wait3A_112 = arith.constant 0 : i32
    %dma_wait3A_113 = arith.constant 0 : i32
    %dma_wait3A_114 = tpu.memref_slice %arg7[%dma_wait3A, %dma_wait3A_112, %dma_wait3A_113] : memref<4x48x128xi32, #tpu.memory_space<vmem>> -> memref<1x48x128xi32, #tpu.memory_space<vmem>>
    %dma_wait3A_115 = tpu.memref_squeeze %dma_wait3A_114 : memref<1x48x128xi32, #tpu.memory_space<vmem>> -> memref<48x128xi32, #tpu.memory_space<vmem>>
    %dma_wait3A_116 = arith.constant 0 : i32
    %dma_wait3A_117 = tpu.memref_slice %arg4[%min3A_102, %mul3A_104, %dma_wait3A_116] : memref<720x384x128xi32, #tpu.memory_space<hbm>> -> memref<1x48x128xi32, #tpu.memory_space<hbm>>
    %dma_wait3A_118 = tpu.memref_squeeze %dma_wait3A_117 : memref<1x48x128xi32, #tpu.memory_space<hbm>> -> memref<48x128xi32, #tpu.memory_space<hbm>>
    tpu.wait_dma2 semaphore(%arg9 : memref<!tpu.dma_semaphore, #tpu.memory_space<semaphore_mem>>) src(%dma_wait3A_118 : memref<48x128xi32, #tpu.memory_space<hbm>>) dst(%dma_wait3A_115 : memref<48x128xi32, #tpu.memory_space<vmem>>)
    %add3A_119 = arith.constant 0 : i32
    %add3A_120 = arith.addi %mul3A_32, %add3A_119 : i32
    %min3A_121 = arith.constant 719 : i32
    %min3A_122 = arith.minsi %add3A_120, %min3A_121 : i32
    %mul3A_123 = arith.constant 48 : i32
    %mul3A_124 = arith.muli %select_n3A_30, %mul3A_123 : i32
    %dma_wait3A_125 = arith.constant 1 : i32
    %dma_wait3A_126 = arith.constant 0 : i32
    %dma_wait3A_127 = arith.constant 0 : i32
    %dma_wait3A_128 = tpu.memref_slice %arg7[%dma_wait3A_125, %dma_wait3A_126, %dma_wait3A_127] : memref<4x48x128xi32, #tpu.memory_space<vmem>> -> memref<1x48x128xi32, #tpu.memory_space<vmem>>
    %dma_wait3A_129 = tpu.memref_squeeze %dma_wait3A_128 : memref<1x48x128xi32, #tpu.memory_space<vmem>> -> memref<48x128xi32, #tpu.memory_space<vmem>>
    %dma_wait3A_130 = arith.constant 0 : i32
    %dma_wait3A_131 = tpu.memref_slice %arg4[%min3A_122, %mul3A_124, %dma_wait3A_130] : memref<720x384x128xi32, #tpu.memory_space<hbm>> -> memref<1x48x128xi32, #tpu.memory_space<hbm>>
    %dma_wait3A_132 = tpu.memref_squeeze %dma_wait3A_131 : memref<1x48x128xi32, #tpu.memory_space<hbm>> -> memref<48x128xi32, #tpu.memory_space<hbm>>
    %dma_wait3A_133 = arith.constant 0 : i32
    %dma_wait3A_134 = arith.constant 0 : i32
    %dma_wait3A_135 = tpu.memref_slice %arg7[%dma_wait3A_125, %dma_wait3A_133, %dma_wait3A_134] : memref<4x48x128xi32, #tpu.memory_space<vmem>> -> memref<1x48x128xi32, #tpu.memory_space<vmem>>
    %dma_wait3A_136 = tpu.memref_squeeze %dma_wait3A_135 : memref<1x48x128xi32, #tpu.memory_space<vmem>> -> memref<48x128xi32, #tpu.memory_space<vmem>>
    %dma_wait3A_137 = arith.constant 0 : i32
    %dma_wait3A_138 = tpu.memref_slice %arg4[%min3A_122, %mul3A_124, %dma_wait3A_137] : memref<720x384x128xi32, #tpu.memory_space<hbm>> -> memref<1x48x128xi32, #tpu.memory_space<hbm>>
    %dma_wait3A_139 = tpu.memref_squeeze %dma_wait3A_138 : memref<1x48x128xi32, #tpu.memory_space<hbm>> -> memref<48x128xi32, #tpu.memory_space<hbm>>
    tpu.wait_dma2 semaphore(%arg10 : memref<!tpu.dma_semaphore, #tpu.memory_space<semaphore_mem>>) src(%dma_wait3A_139 : memref<48x128xi32, #tpu.memory_space<hbm>>) dst(%dma_wait3A_136 : memref<48x128xi32, #tpu.memory_space<vmem>>)
    %add3A_140 = arith.constant 0 : i32
    %add3A_141 = arith.addi %mul3A_32, %add3A_140 : i32
    %min3A_142 = arith.constant 719 : i32
    %min3A_143 = arith.minsi %add3A_141, %min3A_142 : i32
    %mul3A_144 = arith.constant 48 : i32
    %mul3A_145 = arith.muli %select_n3A_30, %mul3A_144 : i32
    %dma_wait3A_146 = arith.constant 2 : i32
    %dma_wait3A_147 = arith.constant 0 : i32
    %dma_wait3A_148 = arith.constant 0 : i32
    %dma_wait3A_149 = tpu.memref_slice %arg7[%dma_wait3A_146, %dma_wait3A_147, %dma_wait3A_148] : memref<4x48x128xi32, #tpu.memory_space<vmem>> -> memref<1x48x128xi32, #tpu.memory_space<vmem>>
    %dma_wait3A_150 = tpu.memref_squeeze %dma_wait3A_149 : memref<1x48x128xi32, #tpu.memory_space<vmem>> -> memref<48x128xi32, #tpu.memory_space<vmem>>
    %dma_wait3A_151 = arith.constant 0 : i32
    %dma_wait3A_152 = tpu.memref_slice %arg4[%min3A_143, %mul3A_145, %dma_wait3A_151] : memref<720x384x128xi32, #tpu.memory_space<hbm>> -> memref<1x48x128xi32, #tpu.memory_space<hbm>>
    %dma_wait3A_153 = tpu.memref_squeeze %dma_wait3A_152 : memref<1x48x128xi32, #tpu.memory_space<hbm>> -> memref<48x128xi32, #tpu.memory_space<hbm>>
    %dma_wait3A_154 = arith.constant 0 : i32
    %dma_wait3A_155 = arith.constant 0 : i32
    %dma_wait3A_156 = tpu.memref_slice %arg7[%dma_wait3A_146, %dma_wait3A_154, %dma_wait3A_155] : memref<4x48x128xi32, #tpu.memory_space<vmem>> -> memref<1x48x128xi32, #tpu.memory_space<vmem>>
    %dma_wait3A_157 = tpu.memref_squeeze %dma_wait3A_156 : memref<1x48x128xi32, #tpu.memory_space<vmem>> -> memref<48x128xi32, #tpu.memory_space<vmem>>
    %dma_wait3A_158 = arith.constant 0 : i32
    %dma_wait3A_159 = tpu.memref_slice %arg4[%min3A_143, %mul3A_145, %dma_wait3A_158] : memref<720x384x128xi32, #tpu.memory_space<hbm>> -> memref<1x48x128xi32, #tpu.memory_space<hbm>>
    %dma_wait3A_160 = tpu.memref_squeeze %dma_wait3A_159 : memref<1x48x128xi32, #tpu.memory_space<hbm>> -> memref<48x128xi32, #tpu.memory_space<hbm>>
    tpu.wait_dma2 semaphore(%arg11 : memref<!tpu.dma_semaphore, #tpu.memory_space<semaphore_mem>>) src(%dma_wait3A_160 : memref<48x128xi32, #tpu.memory_space<hbm>>) dst(%dma_wait3A_157 : memref<48x128xi32, #tpu.memory_space<vmem>>)
    "tpu.region"() ({
      %run_scoped3A = tpu.sem_alloc : memref<!tpu.dma_semaphore, #tpu.memory_space<semaphore_mem>>
      %dma_start3A_161 = arith.constant 0 : i32
      %dma_start3A_162 = tpu.memref_slice %arg5[%select_n3A, %select_n3A_30, %dma_start3A_161] : memref<4x8x6144xf32, #tpu.memory_space<hbm>> -> memref<1x1x6144xf32, #tpu.memory_space<hbm>>
      %dma_start3A_163 = tpu.memref_squeeze %dma_start3A_162 : memref<1x1x6144xf32, #tpu.memory_space<hbm>> -> memref<6144xf32, #tpu.memory_space<hbm>>
      %dma_start3A_164 = arith.constant 0 : i32
      %dma_start3A_165 = tpu.memref_slice %arg5[%select_n3A, %select_n3A_30, %dma_start3A_164] : memref<4x8x6144xf32, #tpu.memory_space<hbm>> -> memref<1x1x6144xf32, #tpu.memory_space<hbm>>
      %dma_start3A_166 = tpu.memref_squeeze %dma_start3A_165 : memref<1x1x6144xf32, #tpu.memory_space<hbm>> -> memref<6144xf32, #tpu.memory_space<hbm>>
      tpu.enqueue_dma source(%arg8 : memref<6144xf32, #tpu.memory_space<vmem>>) target(%dma_start3A_166 : memref<6144xf32, #tpu.memory_space<hbm>>) target_semaphore(%run_scoped3A : memref<!tpu.dma_semaphore, #tpu.memory_space<semaphore_mem>>)
      %dma_wait3A_167 = arith.constant 0 : i32
      %dma_wait3A_168 = tpu.memref_slice %arg5[%select_n3A, %select_n3A_30, %dma_wait3A_167] : memref<4x8x6144xf32, #tpu.memory_space<hbm>> -> memref<1x1x6144xf32, #tpu.memory_space<hbm>>
      %dma_wait3A_169 = tpu.memref_squeeze %dma_wait3A_168 : memref<1x1x6144xf32, #tpu.memory_space<hbm>> -> memref<6144xf32, #tpu.memory_space<hbm>>
      %dma_wait3A_170 = arith.constant 0 : i32
      %dma_wait3A_171 = tpu.memref_slice %arg5[%select_n3A, %select_n3A_30, %dma_wait3A_170] : memref<4x8x6144xf32, #tpu.memory_space<hbm>> -> memref<1x1x6144xf32, #tpu.memory_space<hbm>>
      %dma_wait3A_172 = tpu.memref_squeeze %dma_wait3A_171 : memref<1x1x6144xf32, #tpu.memory_space<hbm>> -> memref<6144xf32, #tpu.memory_space<hbm>>
      tpu.wait_dma2 semaphore(%run_scoped3A : memref<!tpu.dma_semaphore, #tpu.memory_space<semaphore_mem>>) src(%arg8 : memref<6144xf32, #tpu.memory_space<vmem>>) dst(%dma_wait3A_172 : memref<6144xf32, #tpu.memory_space<hbm>>)
      tpu.yield
    }) : () -> ()
    return
  }
}

module attributes {stable_mosaic.version = 14 : i64} {
  func.func @_idx_body(%arg0: i32, %arg1: memref<2x1x4xi32, #tpu.memory_space<smem>>, %arg2: memref<2x384x128xi32, #tpu.memory_space<vmem>>) attributes {dimension_semantics = [#tpu.dimension_semantics<arbitrary>], iteration_bounds = array<i64: 360>, scalar_prefetch = 0 : i64, scratch_operands = 0 : i64, tpu.core_type = #tpu.core_type<tc>, window_params = [{transform_indices = @transform_0, window_bounds = array<i64: 2, 1, 4>}, {transform_indices = @transform_1, window_bounds = array<i64: 2, 384, 128>}]} {
    %iota3A = tpu.iota {dimensions = array<i32: 0>} : vector<384x128xi32>
    %mul3A = arith.constant 128 : i32
    %mul3A_0 = vector.broadcast %mul3A : i32 to vector<384x128xi32>
    %mul3A_1 = arith.muli %iota3A, %mul3A_0 : vector<384x128xi32>
    %iota3A_2 = tpu.iota {dimensions = array<i32: 1>} : vector<384x128xi32>
    %add3A = arith.addi %mul3A_1, %iota3A_2 : vector<384x128xi32>
    %bitcast_convert_type3A = tpu.bitcast %add3A : vector<384x128xi32> -> vector<384x128xi32>
    %get3A = arith.constant 0 : index
    %get3A_3 = arith.constant 0 : index
    %get3A_4 = arith.constant 0 : index
    %get3A_5 = memref.load %arg1[%get3A, %get3A_3, %get3A_4] : memref<2x1x4xi32, #tpu.memory_space<smem>>
    %get3A_6 = arith.constant 0 : index
    %get3A_7 = arith.constant 0 : index
    %get3A_8 = arith.constant 1 : index
    %get3A_9 = memref.load %arg1[%get3A_6, %get3A_7, %get3A_8] : memref<2x1x4xi32, #tpu.memory_space<smem>>
    %get3A_10 = arith.constant 0 : index
    %get3A_11 = arith.constant 0 : index
    %get3A_12 = arith.constant 2 : index
    %get3A_13 = memref.load %arg1[%get3A_10, %get3A_11, %get3A_12] : memref<2x1x4xi32, #tpu.memory_space<smem>>
    %get3A_14 = arith.constant 0 : index
    %get3A_15 = arith.constant 0 : index
    %get3A_16 = arith.constant 3 : index
    %get3A_17 = memref.load %arg1[%get3A_14, %get3A_15, %get3A_16] : memref<2x1x4xi32, #tpu.memory_space<smem>>
    %xor3A = arith.xori %get3A_5, %get3A_9 : i32
    %xor3A_18 = arith.constant 466688986 : i32
    %xor3A_19 = arith.xori %xor3A, %xor3A_18 : i32
    %broadcast_in_dim3A = vector.broadcast %get3A_5 : i32 to vector<384x128xi32>
    %add3A_20 = vector.broadcast %get3A_9 : i32 to vector<384x128xi32>
    %add3A_21 = arith.addi %bitcast_convert_type3A, %add3A_20 : vector<384x128xi32>
    %add3A_22 = arith.addi %broadcast_in_dim3A, %add3A_21 : vector<384x128xi32>
    %shift_left3A = arith.constant 13 : i32
    %shift_left3A_23 = vector.broadcast %shift_left3A : i32 to vector<384x128xi32>
    %shift_left3A_24 = arith.shli %add3A_21, %shift_left3A_23 : vector<384x128xi32>
    %shift_right_logical3A = arith.constant 19 : i32
    %shift_right_logical3A_25 = vector.broadcast %shift_right_logical3A : i32 to vector<384x128xi32>
    %shift_right_logical3A_26 = arith.shrui %add3A_21, %shift_right_logical3A_25 : vector<384x128xi32>
    %or3A = arith.ori %shift_left3A_24, %shift_right_logical3A_26 : vector<384x128xi32>
    %xor3A_27 = arith.xori %add3A_22, %or3A : vector<384x128xi32>
    %add3A_28 = arith.addi %add3A_22, %xor3A_27 : vector<384x128xi32>
    %shift_left3A_29 = arith.constant 15 : i32
    %shift_left3A_30 = vector.broadcast %shift_left3A_29 : i32 to vector<384x128xi32>
    %shift_left3A_31 = arith.shli %xor3A_27, %shift_left3A_30 : vector<384x128xi32>
    %shift_right_logical3A_32 = arith.constant 17 : i32
    %shift_right_logical3A_33 = vector.broadcast %shift_right_logical3A_32 : i32 to vector<384x128xi32>
    %shift_right_logical3A_34 = arith.shrui %xor3A_27, %shift_right_logical3A_33 : vector<384x128xi32>
    %or3A_35 = arith.ori %shift_left3A_31, %shift_right_logical3A_34 : vector<384x128xi32>
    %xor3A_36 = arith.xori %add3A_28, %or3A_35 : vector<384x128xi32>
    %add3A_37 = arith.addi %add3A_28, %xor3A_36 : vector<384x128xi32>
    %shift_left3A_38 = arith.constant 26 : i32
    %shift_left3A_39 = vector.broadcast %shift_left3A_38 : i32 to vector<384x128xi32>
    %shift_left3A_40 = arith.shli %xor3A_36, %shift_left3A_39 : vector<384x128xi32>
    %shift_right_logical3A_41 = arith.constant 6 : i32
    %shift_right_logical3A_42 = vector.broadcast %shift_right_logical3A_41 : i32 to vector<384x128xi32>
    %shift_right_logical3A_43 = arith.shrui %xor3A_36, %shift_right_logical3A_42 : vector<384x128xi32>
    %or3A_44 = arith.ori %shift_left3A_40, %shift_right_logical3A_43 : vector<384x128xi32>
    %xor3A_45 = arith.xori %add3A_37, %or3A_44 : vector<384x128xi32>
    %add3A_46 = arith.addi %add3A_37, %xor3A_45 : vector<384x128xi32>
    %shift_left3A_47 = arith.constant 6 : i32
    %shift_left3A_48 = vector.broadcast %shift_left3A_47 : i32 to vector<384x128xi32>
    %shift_left3A_49 = arith.shli %xor3A_45, %shift_left3A_48 : vector<384x128xi32>
    %shift_right_logical3A_50 = arith.constant 26 : i32
    %shift_right_logical3A_51 = vector.broadcast %shift_right_logical3A_50 : i32 to vector<384x128xi32>
    %shift_right_logical3A_52 = arith.shrui %xor3A_45, %shift_right_logical3A_51 : vector<384x128xi32>
    %or3A_53 = arith.ori %shift_left3A_49, %shift_right_logical3A_52 : vector<384x128xi32>
    %xor3A_54 = arith.xori %add3A_46, %or3A_53 : vector<384x128xi32>
    %add3A_55 = vector.broadcast %get3A_9 : i32 to vector<384x128xi32>
    %add3A_56 = arith.addi %add3A_46, %add3A_55 : vector<384x128xi32>
    %add3A_57 = vector.broadcast %xor3A_19 : i32 to vector<384x128xi32>
    %add3A_58 = arith.addi %xor3A_54, %add3A_57 : vector<384x128xi32>
    %add3A_59 = arith.constant 1 : i32
    %add3A_60 = vector.broadcast %add3A_59 : i32 to vector<384x128xi32>
    %add3A_61 = arith.addi %add3A_58, %add3A_60 : vector<384x128xi32>
    %add3A_62 = arith.addi %add3A_56, %add3A_61 : vector<384x128xi32>
    %shift_left3A_63 = arith.constant 17 : i32
    %shift_left3A_64 = vector.broadcast %shift_left3A_63 : i32 to vector<384x128xi32>
    %shift_left3A_65 = arith.shli %add3A_61, %shift_left3A_64 : vector<384x128xi32>
    %shift_right_logical3A_66 = arith.constant 15 : i32
    %shift_right_logical3A_67 = vector.broadcast %shift_right_logical3A_66 : i32 to vector<384x128xi32>
    %shift_right_logical3A_68 = arith.shrui %add3A_61, %shift_right_logical3A_67 : vector<384x128xi32>
    %or3A_69 = arith.ori %shift_left3A_65, %shift_right_logical3A_68 : vector<384x128xi32>
    %xor3A_70 = arith.xori %add3A_62, %or3A_69 : vector<384x128xi32>
    %add3A_71 = arith.addi %add3A_62, %xor3A_70 : vector<384x128xi32>
    %shift_left3A_72 = arith.constant 29 : i32
    %shift_left3A_73 = vector.broadcast %shift_left3A_72 : i32 to vector<384x128xi32>
    %shift_left3A_74 = arith.shli %xor3A_70, %shift_left3A_73 : vector<384x128xi32>
    %shift_right_logical3A_75 = arith.constant 3 : i32
    %shift_right_logical3A_76 = vector.broadcast %shift_right_logical3A_75 : i32 to vector<384x128xi32>
    %shift_right_logical3A_77 = arith.shrui %xor3A_70, %shift_right_logical3A_76 : vector<384x128xi32>
    %or3A_78 = arith.ori %shift_left3A_74, %shift_right_logical3A_77 : vector<384x128xi32>
    %xor3A_79 = arith.xori %add3A_71, %or3A_78 : vector<384x128xi32>
    %add3A_80 = arith.addi %add3A_71, %xor3A_79 : vector<384x128xi32>
    %shift_left3A_81 = arith.constant 16 : i32
    %shift_left3A_82 = vector.broadcast %shift_left3A_81 : i32 to vector<384x128xi32>
    %shift_left3A_83 = arith.shli %xor3A_79, %shift_left3A_82 : vector<384x128xi32>
    %shift_right_logical3A_84 = arith.constant 16 : i32
    %shift_right_logical3A_85 = vector.broadcast %shift_right_logical3A_84 : i32 to vector<384x128xi32>
    %shift_right_logical3A_86 = arith.shrui %xor3A_79, %shift_right_logical3A_85 : vector<384x128xi32>
    %or3A_87 = arith.ori %shift_left3A_83, %shift_right_logical3A_86 : vector<384x128xi32>
    %xor3A_88 = arith.xori %add3A_80, %or3A_87 : vector<384x128xi32>
    %add3A_89 = arith.addi %add3A_80, %xor3A_88 : vector<384x128xi32>
    %shift_left3A_90 = arith.constant 24 : i32
    %shift_left3A_91 = vector.broadcast %shift_left3A_90 : i32 to vector<384x128xi32>
    %shift_left3A_92 = arith.shli %xor3A_88, %shift_left3A_91 : vector<384x128xi32>
    %shift_right_logical3A_93 = arith.constant 8 : i32
    %shift_right_logical3A_94 = vector.broadcast %shift_right_logical3A_93 : i32 to vector<384x128xi32>
    %shift_right_logical3A_95 = arith.shrui %xor3A_88, %shift_right_logical3A_94 : vector<384x128xi32>
    %or3A_96 = arith.ori %shift_left3A_92, %shift_right_logical3A_95 : vector<384x128xi32>
    %xor3A_97 = arith.xori %add3A_89, %or3A_96 : vector<384x128xi32>
    %add3A_98 = vector.broadcast %xor3A_19 : i32 to vector<384x128xi32>
    %add3A_99 = arith.addi %add3A_89, %add3A_98 : vector<384x128xi32>
    %add3A_100 = vector.broadcast %get3A_5 : i32 to vector<384x128xi32>
    %add3A_101 = arith.addi %xor3A_97, %add3A_100 : vector<384x128xi32>
    %add3A_102 = arith.constant 2 : i32
    %add3A_103 = vector.broadcast %add3A_102 : i32 to vector<384x128xi32>
    %add3A_104 = arith.addi %add3A_101, %add3A_103 : vector<384x128xi32>
    %add3A_105 = arith.addi %add3A_99, %add3A_104 : vector<384x128xi32>
    %shift_left3A_106 = arith.constant 13 : i32
    %shift_left3A_107 = vector.broadcast %shift_left3A_106 : i32 to vector<384x128xi32>
    %shift_left3A_108 = arith.shli %add3A_104, %shift_left3A_107 : vector<384x128xi32>
    %shift_right_logical3A_109 = arith.constant 19 : i32
    %shift_right_logical3A_110 = vector.broadcast %shift_right_logical3A_109 : i32 to vector<384x128xi32>
    %shift_right_logical3A_111 = arith.shrui %add3A_104, %shift_right_logical3A_110 : vector<384x128xi32>
    %or3A_112 = arith.ori %shift_left3A_108, %shift_right_logical3A_111 : vector<384x128xi32>
    %xor3A_113 = arith.xori %add3A_105, %or3A_112 : vector<384x128xi32>
    %add3A_114 = arith.addi %add3A_105, %xor3A_113 : vector<384x128xi32>
    %shift_left3A_115 = arith.constant 15 : i32
    %shift_left3A_116 = vector.broadcast %shift_left3A_115 : i32 to vector<384x128xi32>
    %shift_left3A_117 = arith.shli %xor3A_113, %shift_left3A_116 : vector<384x128xi32>
    %shift_right_logical3A_118 = arith.constant 17 : i32
    %shift_right_logical3A_119 = vector.broadcast %shift_right_logical3A_118 : i32 to vector<384x128xi32>
    %shift_right_logical3A_120 = arith.shrui %xor3A_113, %shift_right_logical3A_119 : vector<384x128xi32>
    %or3A_121 = arith.ori %shift_left3A_117, %shift_right_logical3A_120 : vector<384x128xi32>
    %xor3A_122 = arith.xori %add3A_114, %or3A_121 : vector<384x128xi32>
    %add3A_123 = arith.addi %add3A_114, %xor3A_122 : vector<384x128xi32>
    %shift_left3A_124 = arith.constant 26 : i32
    %shift_left3A_125 = vector.broadcast %shift_left3A_124 : i32 to vector<384x128xi32>
    %shift_left3A_126 = arith.shli %xor3A_122, %shift_left3A_125 : vector<384x128xi32>
    %shift_right_logical3A_127 = arith.constant 6 : i32
    %shift_right_logical3A_128 = vector.broadcast %shift_right_logical3A_127 : i32 to vector<384x128xi32>
    %shift_right_logical3A_129 = arith.shrui %xor3A_122, %shift_right_logical3A_128 : vector<384x128xi32>
    %or3A_130 = arith.ori %shift_left3A_126, %shift_right_logical3A_129 : vector<384x128xi32>
    %xor3A_131 = arith.xori %add3A_123, %or3A_130 : vector<384x128xi32>
    %add3A_132 = arith.addi %add3A_123, %xor3A_131 : vector<384x128xi32>
    %shift_left3A_133 = arith.constant 6 : i32
    %shift_left3A_134 = vector.broadcast %shift_left3A_133 : i32 to vector<384x128xi32>
    %shift_left3A_135 = arith.shli %xor3A_131, %shift_left3A_134 : vector<384x128xi32>
    %shift_right_logical3A_136 = arith.constant 26 : i32
    %shift_right_logical3A_137 = vector.broadcast %shift_right_logical3A_136 : i32 to vector<384x128xi32>
    %shift_right_logical3A_138 = arith.shrui %xor3A_131, %shift_right_logical3A_137 : vector<384x128xi32>
    %or3A_139 = arith.ori %shift_left3A_135, %shift_right_logical3A_138 : vector<384x128xi32>
    %xor3A_140 = arith.xori %add3A_132, %or3A_139 : vector<384x128xi32>
    %add3A_141 = vector.broadcast %get3A_5 : i32 to vector<384x128xi32>
    %add3A_142 = arith.addi %add3A_132, %add3A_141 : vector<384x128xi32>
    %add3A_143 = vector.broadcast %get3A_9 : i32 to vector<384x128xi32>
    %add3A_144 = arith.addi %xor3A_140, %add3A_143 : vector<384x128xi32>
    %add3A_145 = arith.constant 3 : i32
    %add3A_146 = vector.broadcast %add3A_145 : i32 to vector<384x128xi32>
    %add3A_147 = arith.addi %add3A_144, %add3A_146 : vector<384x128xi32>
    %add3A_148 = arith.addi %add3A_142, %add3A_147 : vector<384x128xi32>
    %shift_left3A_149 = arith.constant 17 : i32
    %shift_left3A_150 = vector.broadcast %shift_left3A_149 : i32 to vector<384x128xi32>
    %shift_left3A_151 = arith.shli %add3A_147, %shift_left3A_150 : vector<384x128xi32>
    %shift_right_logical3A_152 = arith.constant 15 : i32
    %shift_right_logical3A_153 = vector.broadcast %shift_right_logical3A_152 : i32 to vector<384x128xi32>
    %shift_right_logical3A_154 = arith.shrui %add3A_147, %shift_right_logical3A_153 : vector<384x128xi32>
    %or3A_155 = arith.ori %shift_left3A_151, %shift_right_logical3A_154 : vector<384x128xi32>
    %xor3A_156 = arith.xori %add3A_148, %or3A_155 : vector<384x128xi32>
    %add3A_157 = arith.addi %add3A_148, %xor3A_156 : vector<384x128xi32>
    %shift_left3A_158 = arith.constant 29 : i32
    %shift_left3A_159 = vector.broadcast %shift_left3A_158 : i32 to vector<384x128xi32>
    %shift_left3A_160 = arith.shli %xor3A_156, %shift_left3A_159 : vector<384x128xi32>
    %shift_right_logical3A_161 = arith.constant 3 : i32
    %shift_right_logical3A_162 = vector.broadcast %shift_right_logical3A_161 : i32 to vector<384x128xi32>
    %shift_right_logical3A_163 = arith.shrui %xor3A_156, %shift_right_logical3A_162 : vector<384x128xi32>
    %or3A_164 = arith.ori %shift_left3A_160, %shift_right_logical3A_163 : vector<384x128xi32>
    %xor3A_165 = arith.xori %add3A_157, %or3A_164 : vector<384x128xi32>
    %add3A_166 = arith.addi %add3A_157, %xor3A_165 : vector<384x128xi32>
    %shift_left3A_167 = arith.constant 16 : i32
    %shift_left3A_168 = vector.broadcast %shift_left3A_167 : i32 to vector<384x128xi32>
    %shift_left3A_169 = arith.shli %xor3A_165, %shift_left3A_168 : vector<384x128xi32>
    %shift_right_logical3A_170 = arith.constant 16 : i32
    %shift_right_logical3A_171 = vector.broadcast %shift_right_logical3A_170 : i32 to vector<384x128xi32>
    %shift_right_logical3A_172 = arith.shrui %xor3A_165, %shift_right_logical3A_171 : vector<384x128xi32>
    %or3A_173 = arith.ori %shift_left3A_169, %shift_right_logical3A_172 : vector<384x128xi32>
    %xor3A_174 = arith.xori %add3A_166, %or3A_173 : vector<384x128xi32>
    %add3A_175 = arith.addi %add3A_166, %xor3A_174 : vector<384x128xi32>
    %shift_left3A_176 = arith.constant 24 : i32
    %shift_left3A_177 = vector.broadcast %shift_left3A_176 : i32 to vector<384x128xi32>
    %shift_left3A_178 = arith.shli %xor3A_174, %shift_left3A_177 : vector<384x128xi32>
    %shift_right_logical3A_179 = arith.constant 8 : i32
    %shift_right_logical3A_180 = vector.broadcast %shift_right_logical3A_179 : i32 to vector<384x128xi32>
    %shift_right_logical3A_181 = arith.shrui %xor3A_174, %shift_right_logical3A_180 : vector<384x128xi32>
    %or3A_182 = arith.ori %shift_left3A_178, %shift_right_logical3A_181 : vector<384x128xi32>
    %xor3A_183 = arith.xori %add3A_175, %or3A_182 : vector<384x128xi32>
    %add3A_184 = vector.broadcast %get3A_9 : i32 to vector<384x128xi32>
    %add3A_185 = arith.addi %add3A_175, %add3A_184 : vector<384x128xi32>
    %add3A_186 = vector.broadcast %xor3A_19 : i32 to vector<384x128xi32>
    %add3A_187 = arith.addi %xor3A_183, %add3A_186 : vector<384x128xi32>
    %add3A_188 = arith.constant 4 : i32
    %add3A_189 = vector.broadcast %add3A_188 : i32 to vector<384x128xi32>
    %add3A_190 = arith.addi %add3A_187, %add3A_189 : vector<384x128xi32>
    %add3A_191 = arith.addi %add3A_185, %add3A_190 : vector<384x128xi32>
    %shift_left3A_192 = arith.constant 13 : i32
    %shift_left3A_193 = vector.broadcast %shift_left3A_192 : i32 to vector<384x128xi32>
    %shift_left3A_194 = arith.shli %add3A_190, %shift_left3A_193 : vector<384x128xi32>
    %shift_right_logical3A_195 = arith.constant 19 : i32
    %shift_right_logical3A_196 = vector.broadcast %shift_right_logical3A_195 : i32 to vector<384x128xi32>
    %shift_right_logical3A_197 = arith.shrui %add3A_190, %shift_right_logical3A_196 : vector<384x128xi32>
    %or3A_198 = arith.ori %shift_left3A_194, %shift_right_logical3A_197 : vector<384x128xi32>
    %xor3A_199 = arith.xori %add3A_191, %or3A_198 : vector<384x128xi32>
    %add3A_200 = arith.addi %add3A_191, %xor3A_199 : vector<384x128xi32>
    %shift_left3A_201 = arith.constant 15 : i32
    %shift_left3A_202 = vector.broadcast %shift_left3A_201 : i32 to vector<384x128xi32>
    %shift_left3A_203 = arith.shli %xor3A_199, %shift_left3A_202 : vector<384x128xi32>
    %shift_right_logical3A_204 = arith.constant 17 : i32
    %shift_right_logical3A_205 = vector.broadcast %shift_right_logical3A_204 : i32 to vector<384x128xi32>
    %shift_right_logical3A_206 = arith.shrui %xor3A_199, %shift_right_logical3A_205 : vector<384x128xi32>
    %or3A_207 = arith.ori %shift_left3A_203, %shift_right_logical3A_206 : vector<384x128xi32>
    %xor3A_208 = arith.xori %add3A_200, %or3A_207 : vector<384x128xi32>
    %add3A_209 = arith.addi %add3A_200, %xor3A_208 : vector<384x128xi32>
    %shift_left3A_210 = arith.constant 26 : i32
    %shift_left3A_211 = vector.broadcast %shift_left3A_210 : i32 to vector<384x128xi32>
    %shift_left3A_212 = arith.shli %xor3A_208, %shift_left3A_211 : vector<384x128xi32>
    %shift_right_logical3A_213 = arith.constant 6 : i32
    %shift_right_logical3A_214 = vector.broadcast %shift_right_logical3A_213 : i32 to vector<384x128xi32>
    %shift_right_logical3A_215 = arith.shrui %xor3A_208, %shift_right_logical3A_214 : vector<384x128xi32>
    %or3A_216 = arith.ori %shift_left3A_212, %shift_right_logical3A_215 : vector<384x128xi32>
    %xor3A_217 = arith.xori %add3A_209, %or3A_216 : vector<384x128xi32>
    %add3A_218 = arith.addi %add3A_209, %xor3A_217 : vector<384x128xi32>
    %shift_left3A_219 = arith.constant 6 : i32
    %shift_left3A_220 = vector.broadcast %shift_left3A_219 : i32 to vector<384x128xi32>
    %shift_left3A_221 = arith.shli %xor3A_217, %shift_left3A_220 : vector<384x128xi32>
    %shift_right_logical3A_222 = arith.constant 26 : i32
    %shift_right_logical3A_223 = vector.broadcast %shift_right_logical3A_222 : i32 to vector<384x128xi32>
    %shift_right_logical3A_224 = arith.shrui %xor3A_217, %shift_right_logical3A_223 : vector<384x128xi32>
    %or3A_225 = arith.ori %shift_left3A_221, %shift_right_logical3A_224 : vector<384x128xi32>
    %xor3A_226 = arith.xori %add3A_218, %or3A_225 : vector<384x128xi32>
    %add3A_227 = vector.broadcast %xor3A_19 : i32 to vector<384x128xi32>
    %add3A_228 = arith.addi %add3A_218, %add3A_227 : vector<384x128xi32>
    %add3A_229 = vector.broadcast %get3A_5 : i32 to vector<384x128xi32>
    %add3A_230 = arith.addi %xor3A_226, %add3A_229 : vector<384x128xi32>
    %add3A_231 = arith.constant 5 : i32
    %add3A_232 = vector.broadcast %add3A_231 : i32 to vector<384x128xi32>
    %add3A_233 = arith.addi %add3A_230, %add3A_232 : vector<384x128xi32>
    %xor3A_234 = arith.xori %add3A_228, %add3A_233 : vector<384x128xi32>
    %xor3A_235 = arith.xori %get3A_13, %get3A_17 : i32
    %xor3A_236 = arith.constant 466688986 : i32
    %xor3A_237 = arith.xori %xor3A_235, %xor3A_236 : i32
    %broadcast_in_dim3A_238 = vector.broadcast %get3A_13 : i32 to vector<384x128xi32>
    %add3A_239 = vector.broadcast %get3A_17 : i32 to vector<384x128xi32>
    %add3A_240 = arith.addi %bitcast_convert_type3A, %add3A_239 : vector<384x128xi32>
    %add3A_241 = arith.addi %broadcast_in_dim3A_238, %add3A_240 : vector<384x128xi32>
    %shift_left3A_242 = arith.constant 13 : i32
    %shift_left3A_243 = vector.broadcast %shift_left3A_242 : i32 to vector<384x128xi32>
    %shift_left3A_244 = arith.shli %add3A_240, %shift_left3A_243 : vector<384x128xi32>
    %shift_right_logical3A_245 = arith.constant 19 : i32
    %shift_right_logical3A_246 = vector.broadcast %shift_right_logical3A_245 : i32 to vector<384x128xi32>
    %shift_right_logical3A_247 = arith.shrui %add3A_240, %shift_right_logical3A_246 : vector<384x128xi32>
    %or3A_248 = arith.ori %shift_left3A_244, %shift_right_logical3A_247 : vector<384x128xi32>
    %xor3A_249 = arith.xori %add3A_241, %or3A_248 : vector<384x128xi32>
    %add3A_250 = arith.addi %add3A_241, %xor3A_249 : vector<384x128xi32>
    %shift_left3A_251 = arith.constant 15 : i32
    %shift_left3A_252 = vector.broadcast %shift_left3A_251 : i32 to vector<384x128xi32>
    %shift_left3A_253 = arith.shli %xor3A_249, %shift_left3A_252 : vector<384x128xi32>
    %shift_right_logical3A_254 = arith.constant 17 : i32
    %shift_right_logical3A_255 = vector.broadcast %shift_right_logical3A_254 : i32 to vector<384x128xi32>
    %shift_right_logical3A_256 = arith.shrui %xor3A_249, %shift_right_logical3A_255 : vector<384x128xi32>
    %or3A_257 = arith.ori %shift_left3A_253, %shift_right_logical3A_256 : vector<384x128xi32>
    %xor3A_258 = arith.xori %add3A_250, %or3A_257 : vector<384x128xi32>
    %add3A_259 = arith.addi %add3A_250, %xor3A_258 : vector<384x128xi32>
    %shift_left3A_260 = arith.constant 26 : i32
    %shift_left3A_261 = vector.broadcast %shift_left3A_260 : i32 to vector<384x128xi32>
    %shift_left3A_262 = arith.shli %xor3A_258, %shift_left3A_261 : vector<384x128xi32>
    %shift_right_logical3A_263 = arith.constant 6 : i32
    %shift_right_logical3A_264 = vector.broadcast %shift_right_logical3A_263 : i32 to vector<384x128xi32>
    %shift_right_logical3A_265 = arith.shrui %xor3A_258, %shift_right_logical3A_264 : vector<384x128xi32>
    %or3A_266 = arith.ori %shift_left3A_262, %shift_right_logical3A_265 : vector<384x128xi32>
    %xor3A_267 = arith.xori %add3A_259, %or3A_266 : vector<384x128xi32>
    %add3A_268 = arith.addi %add3A_259, %xor3A_267 : vector<384x128xi32>
    %shift_left3A_269 = arith.constant 6 : i32
    %shift_left3A_270 = vector.broadcast %shift_left3A_269 : i32 to vector<384x128xi32>
    %shift_left3A_271 = arith.shli %xor3A_267, %shift_left3A_270 : vector<384x128xi32>
    %shift_right_logical3A_272 = arith.constant 26 : i32
    %shift_right_logical3A_273 = vector.broadcast %shift_right_logical3A_272 : i32 to vector<384x128xi32>
    %shift_right_logical3A_274 = arith.shrui %xor3A_267, %shift_right_logical3A_273 : vector<384x128xi32>
    %or3A_275 = arith.ori %shift_left3A_271, %shift_right_logical3A_274 : vector<384x128xi32>
    %xor3A_276 = arith.xori %add3A_268, %or3A_275 : vector<384x128xi32>
    %add3A_277 = vector.broadcast %get3A_17 : i32 to vector<384x128xi32>
    %add3A_278 = arith.addi %add3A_268, %add3A_277 : vector<384x128xi32>
    %add3A_279 = vector.broadcast %xor3A_237 : i32 to vector<384x128xi32>
    %add3A_280 = arith.addi %xor3A_276, %add3A_279 : vector<384x128xi32>
    %add3A_281 = arith.constant 1 : i32
    %add3A_282 = vector.broadcast %add3A_281 : i32 to vector<384x128xi32>
    %add3A_283 = arith.addi %add3A_280, %add3A_282 : vector<384x128xi32>
    %add3A_284 = arith.addi %add3A_278, %add3A_283 : vector<384x128xi32>
    %shift_left3A_285 = arith.constant 17 : i32
    %shift_left3A_286 = vector.broadcast %shift_left3A_285 : i32 to vector<384x128xi32>
    %shift_left3A_287 = arith.shli %add3A_283, %shift_left3A_286 : vector<384x128xi32>
    %shift_right_logical3A_288 = arith.constant 15 : i32
    %shift_right_logical3A_289 = vector.broadcast %shift_right_logical3A_288 : i32 to vector<384x128xi32>
    %shift_right_logical3A_290 = arith.shrui %add3A_283, %shift_right_logical3A_289 : vector<384x128xi32>
    %or3A_291 = arith.ori %shift_left3A_287, %shift_right_logical3A_290 : vector<384x128xi32>
    %xor3A_292 = arith.xori %add3A_284, %or3A_291 : vector<384x128xi32>
    %add3A_293 = arith.addi %add3A_284, %xor3A_292 : vector<384x128xi32>
    %shift_left3A_294 = arith.constant 29 : i32
    %shift_left3A_295 = vector.broadcast %shift_left3A_294 : i32 to vector<384x128xi32>
    %shift_left3A_296 = arith.shli %xor3A_292, %shift_left3A_295 : vector<384x128xi32>
    %shift_right_logical3A_297 = arith.constant 3 : i32
    %shift_right_logical3A_298 = vector.broadcast %shift_right_logical3A_297 : i32 to vector<384x128xi32>
    %shift_right_logical3A_299 = arith.shrui %xor3A_292, %shift_right_logical3A_298 : vector<384x128xi32>
    %or3A_300 = arith.ori %shift_left3A_296, %shift_right_logical3A_299 : vector<384x128xi32>
    %xor3A_301 = arith.xori %add3A_293, %or3A_300 : vector<384x128xi32>
    %add3A_302 = arith.addi %add3A_293, %xor3A_301 : vector<384x128xi32>
    %shift_left3A_303 = arith.constant 16 : i32
    %shift_left3A_304 = vector.broadcast %shift_left3A_303 : i32 to vector<384x128xi32>
    %shift_left3A_305 = arith.shli %xor3A_301, %shift_left3A_304 : vector<384x128xi32>
    %shift_right_logical3A_306 = arith.constant 16 : i32
    %shift_right_logical3A_307 = vector.broadcast %shift_right_logical3A_306 : i32 to vector<384x128xi32>
    %shift_right_logical3A_308 = arith.shrui %xor3A_301, %shift_right_logical3A_307 : vector<384x128xi32>
    %or3A_309 = arith.ori %shift_left3A_305, %shift_right_logical3A_308 : vector<384x128xi32>
    %xor3A_310 = arith.xori %add3A_302, %or3A_309 : vector<384x128xi32>
    %add3A_311 = arith.addi %add3A_302, %xor3A_310 : vector<384x128xi32>
    %shift_left3A_312 = arith.constant 24 : i32
    %shift_left3A_313 = vector.broadcast %shift_left3A_312 : i32 to vector<384x128xi32>
    %shift_left3A_314 = arith.shli %xor3A_310, %shift_left3A_313 : vector<384x128xi32>
    %shift_right_logical3A_315 = arith.constant 8 : i32
    %shift_right_logical3A_316 = vector.broadcast %shift_right_logical3A_315 : i32 to vector<384x128xi32>
    %shift_right_logical3A_317 = arith.shrui %xor3A_310, %shift_right_logical3A_316 : vector<384x128xi32>
    %or3A_318 = arith.ori %shift_left3A_314, %shift_right_logical3A_317 : vector<384x128xi32>
    %xor3A_319 = arith.xori %add3A_311, %or3A_318 : vector<384x128xi32>
    %add3A_320 = vector.broadcast %xor3A_237 : i32 to vector<384x128xi32>
    %add3A_321 = arith.addi %add3A_311, %add3A_320 : vector<384x128xi32>
    %add3A_322 = vector.broadcast %get3A_13 : i32 to vector<384x128xi32>
    %add3A_323 = arith.addi %xor3A_319, %add3A_322 : vector<384x128xi32>
    %add3A_324 = arith.constant 2 : i32
    %add3A_325 = vector.broadcast %add3A_324 : i32 to vector<384x128xi32>
    %add3A_326 = arith.addi %add3A_323, %add3A_325 : vector<384x128xi32>
    %add3A_327 = arith.addi %add3A_321, %add3A_326 : vector<384x128xi32>
    %shift_left3A_328 = arith.constant 13 : i32
    %shift_left3A_329 = vector.broadcast %shift_left3A_328 : i32 to vector<384x128xi32>
    %shift_left3A_330 = arith.shli %add3A_326, %shift_left3A_329 : vector<384x128xi32>
    %shift_right_logical3A_331 = arith.constant 19 : i32
    %shift_right_logical3A_332 = vector.broadcast %shift_right_logical3A_331 : i32 to vector<384x128xi32>
    %shift_right_logical3A_333 = arith.shrui %add3A_326, %shift_right_logical3A_332 : vector<384x128xi32>
    %or3A_334 = arith.ori %shift_left3A_330, %shift_right_logical3A_333 : vector<384x128xi32>
    %xor3A_335 = arith.xori %add3A_327, %or3A_334 : vector<384x128xi32>
    %add3A_336 = arith.addi %add3A_327, %xor3A_335 : vector<384x128xi32>
    %shift_left3A_337 = arith.constant 15 : i32
    %shift_left3A_338 = vector.broadcast %shift_left3A_337 : i32 to vector<384x128xi32>
    %shift_left3A_339 = arith.shli %xor3A_335, %shift_left3A_338 : vector<384x128xi32>
    %shift_right_logical3A_340 = arith.constant 17 : i32
    %shift_right_logical3A_341 = vector.broadcast %shift_right_logical3A_340 : i32 to vector<384x128xi32>
    %shift_right_logical3A_342 = arith.shrui %xor3A_335, %shift_right_logical3A_341 : vector<384x128xi32>
    %or3A_343 = arith.ori %shift_left3A_339, %shift_right_logical3A_342 : vector<384x128xi32>
    %xor3A_344 = arith.xori %add3A_336, %or3A_343 : vector<384x128xi32>
    %add3A_345 = arith.addi %add3A_336, %xor3A_344 : vector<384x128xi32>
    %shift_left3A_346 = arith.constant 26 : i32
    %shift_left3A_347 = vector.broadcast %shift_left3A_346 : i32 to vector<384x128xi32>
    %shift_left3A_348 = arith.shli %xor3A_344, %shift_left3A_347 : vector<384x128xi32>
    %shift_right_logical3A_349 = arith.constant 6 : i32
    %shift_right_logical3A_350 = vector.broadcast %shift_right_logical3A_349 : i32 to vector<384x128xi32>
    %shift_right_logical3A_351 = arith.shrui %xor3A_344, %shift_right_logical3A_350 : vector<384x128xi32>
    %or3A_352 = arith.ori %shift_left3A_348, %shift_right_logical3A_351 : vector<384x128xi32>
    %xor3A_353 = arith.xori %add3A_345, %or3A_352 : vector<384x128xi32>
    %add3A_354 = arith.addi %add3A_345, %xor3A_353 : vector<384x128xi32>
    %shift_left3A_355 = arith.constant 6 : i32
    %shift_left3A_356 = vector.broadcast %shift_left3A_355 : i32 to vector<384x128xi32>
    %shift_left3A_357 = arith.shli %xor3A_353, %shift_left3A_356 : vector<384x128xi32>
    %shift_right_logical3A_358 = arith.constant 26 : i32
    %shift_right_logical3A_359 = vector.broadcast %shift_right_logical3A_358 : i32 to vector<384x128xi32>
    %shift_right_logical3A_360 = arith.shrui %xor3A_353, %shift_right_logical3A_359 : vector<384x128xi32>
    %or3A_361 = arith.ori %shift_left3A_357, %shift_right_logical3A_360 : vector<384x128xi32>
    %xor3A_362 = arith.xori %add3A_354, %or3A_361 : vector<384x128xi32>
    %add3A_363 = vector.broadcast %get3A_13 : i32 to vector<384x128xi32>
    %add3A_364 = arith.addi %add3A_354, %add3A_363 : vector<384x128xi32>
    %add3A_365 = vector.broadcast %get3A_17 : i32 to vector<384x128xi32>
    %add3A_366 = arith.addi %xor3A_362, %add3A_365 : vector<384x128xi32>
    %add3A_367 = arith.constant 3 : i32
    %add3A_368 = vector.broadcast %add3A_367 : i32 to vector<384x128xi32>
    %add3A_369 = arith.addi %add3A_366, %add3A_368 : vector<384x128xi32>
    %add3A_370 = arith.addi %add3A_364, %add3A_369 : vector<384x128xi32>
    %shift_left3A_371 = arith.constant 17 : i32
    %shift_left3A_372 = vector.broadcast %shift_left3A_371 : i32 to vector<384x128xi32>
    %shift_left3A_373 = arith.shli %add3A_369, %shift_left3A_372 : vector<384x128xi32>
    %shift_right_logical3A_374 = arith.constant 15 : i32
    %shift_right_logical3A_375 = vector.broadcast %shift_right_logical3A_374 : i32 to vector<384x128xi32>
    %shift_right_logical3A_376 = arith.shrui %add3A_369, %shift_right_logical3A_375 : vector<384x128xi32>
    %or3A_377 = arith.ori %shift_left3A_373, %shift_right_logical3A_376 : vector<384x128xi32>
    %xor3A_378 = arith.xori %add3A_370, %or3A_377 : vector<384x128xi32>
    %add3A_379 = arith.addi %add3A_370, %xor3A_378 : vector<384x128xi32>
    %shift_left3A_380 = arith.constant 29 : i32
    %shift_left3A_381 = vector.broadcast %shift_left3A_380 : i32 to vector<384x128xi32>
    %shift_left3A_382 = arith.shli %xor3A_378, %shift_left3A_381 : vector<384x128xi32>
    %shift_right_logical3A_383 = arith.constant 3 : i32
    %shift_right_logical3A_384 = vector.broadcast %shift_right_logical3A_383 : i32 to vector<384x128xi32>
    %shift_right_logical3A_385 = arith.shrui %xor3A_378, %shift_right_logical3A_384 : vector<384x128xi32>
    %or3A_386 = arith.ori %shift_left3A_382, %shift_right_logical3A_385 : vector<384x128xi32>
    %xor3A_387 = arith.xori %add3A_379, %or3A_386 : vector<384x128xi32>
    %add3A_388 = arith.addi %add3A_379, %xor3A_387 : vector<384x128xi32>
    %shift_left3A_389 = arith.constant 16 : i32
    %shift_left3A_390 = vector.broadcast %shift_left3A_389 : i32 to vector<384x128xi32>
    %shift_left3A_391 = arith.shli %xor3A_387, %shift_left3A_390 : vector<384x128xi32>
    %shift_right_logical3A_392 = arith.constant 16 : i32
    %shift_right_logical3A_393 = vector.broadcast %shift_right_logical3A_392 : i32 to vector<384x128xi32>
    %shift_right_logical3A_394 = arith.shrui %xor3A_387, %shift_right_logical3A_393 : vector<384x128xi32>
    %or3A_395 = arith.ori %shift_left3A_391, %shift_right_logical3A_394 : vector<384x128xi32>
    %xor3A_396 = arith.xori %add3A_388, %or3A_395 : vector<384x128xi32>
    %add3A_397 = arith.addi %add3A_388, %xor3A_396 : vector<384x128xi32>
    %shift_left3A_398 = arith.constant 24 : i32
    %shift_left3A_399 = vector.broadcast %shift_left3A_398 : i32 to vector<384x128xi32>
    %shift_left3A_400 = arith.shli %xor3A_396, %shift_left3A_399 : vector<384x128xi32>
    %shift_right_logical3A_401 = arith.constant 8 : i32
    %shift_right_logical3A_402 = vector.broadcast %shift_right_logical3A_401 : i32 to vector<384x128xi32>
    %shift_right_logical3A_403 = arith.shrui %xor3A_396, %shift_right_logical3A_402 : vector<384x128xi32>
    %or3A_404 = arith.ori %shift_left3A_400, %shift_right_logical3A_403 : vector<384x128xi32>
    %xor3A_405 = arith.xori %add3A_397, %or3A_404 : vector<384x128xi32>
    %add3A_406 = vector.broadcast %get3A_17 : i32 to vector<384x128xi32>
    %add3A_407 = arith.addi %add3A_397, %add3A_406 : vector<384x128xi32>
    %add3A_408 = vector.broadcast %xor3A_237 : i32 to vector<384x128xi32>
    %add3A_409 = arith.addi %xor3A_405, %add3A_408 : vector<384x128xi32>
    %add3A_410 = arith.constant 4 : i32
    %add3A_411 = vector.broadcast %add3A_410 : i32 to vector<384x128xi32>
    %add3A_412 = arith.addi %add3A_409, %add3A_411 : vector<384x128xi32>
    %add3A_413 = arith.addi %add3A_407, %add3A_412 : vector<384x128xi32>
    %shift_left3A_414 = arith.constant 13 : i32
    %shift_left3A_415 = vector.broadcast %shift_left3A_414 : i32 to vector<384x128xi32>
    %shift_left3A_416 = arith.shli %add3A_412, %shift_left3A_415 : vector<384x128xi32>
    %shift_right_logical3A_417 = arith.constant 19 : i32
    %shift_right_logical3A_418 = vector.broadcast %shift_right_logical3A_417 : i32 to vector<384x128xi32>
    %shift_right_logical3A_419 = arith.shrui %add3A_412, %shift_right_logical3A_418 : vector<384x128xi32>
    %or3A_420 = arith.ori %shift_left3A_416, %shift_right_logical3A_419 : vector<384x128xi32>
    %xor3A_421 = arith.xori %add3A_413, %or3A_420 : vector<384x128xi32>
    %add3A_422 = arith.addi %add3A_413, %xor3A_421 : vector<384x128xi32>
    %shift_left3A_423 = arith.constant 15 : i32
    %shift_left3A_424 = vector.broadcast %shift_left3A_423 : i32 to vector<384x128xi32>
    %shift_left3A_425 = arith.shli %xor3A_421, %shift_left3A_424 : vector<384x128xi32>
    %shift_right_logical3A_426 = arith.constant 17 : i32
    %shift_right_logical3A_427 = vector.broadcast %shift_right_logical3A_426 : i32 to vector<384x128xi32>
    %shift_right_logical3A_428 = arith.shrui %xor3A_421, %shift_right_logical3A_427 : vector<384x128xi32>
    %or3A_429 = arith.ori %shift_left3A_425, %shift_right_logical3A_428 : vector<384x128xi32>
    %xor3A_430 = arith.xori %add3A_422, %or3A_429 : vector<384x128xi32>
    %add3A_431 = arith.addi %add3A_422, %xor3A_430 : vector<384x128xi32>
    %shift_left3A_432 = arith.constant 26 : i32
    %shift_left3A_433 = vector.broadcast %shift_left3A_432 : i32 to vector<384x128xi32>
    %shift_left3A_434 = arith.shli %xor3A_430, %shift_left3A_433 : vector<384x128xi32>
    %shift_right_logical3A_435 = arith.constant 6 : i32
    %shift_right_logical3A_436 = vector.broadcast %shift_right_logical3A_435 : i32 to vector<384x128xi32>
    %shift_right_logical3A_437 = arith.shrui %xor3A_430, %shift_right_logical3A_436 : vector<384x128xi32>
    %or3A_438 = arith.ori %shift_left3A_434, %shift_right_logical3A_437 : vector<384x128xi32>
    %xor3A_439 = arith.xori %add3A_431, %or3A_438 : vector<384x128xi32>
    %add3A_440 = arith.addi %add3A_431, %xor3A_439 : vector<384x128xi32>
    %shift_left3A_441 = arith.constant 6 : i32
    %shift_left3A_442 = vector.broadcast %shift_left3A_441 : i32 to vector<384x128xi32>
    %shift_left3A_443 = arith.shli %xor3A_439, %shift_left3A_442 : vector<384x128xi32>
    %shift_right_logical3A_444 = arith.constant 26 : i32
    %shift_right_logical3A_445 = vector.broadcast %shift_right_logical3A_444 : i32 to vector<384x128xi32>
    %shift_right_logical3A_446 = arith.shrui %xor3A_439, %shift_right_logical3A_445 : vector<384x128xi32>
    %or3A_447 = arith.ori %shift_left3A_443, %shift_right_logical3A_446 : vector<384x128xi32>
    %xor3A_448 = arith.xori %add3A_440, %or3A_447 : vector<384x128xi32>
    %add3A_449 = vector.broadcast %xor3A_237 : i32 to vector<384x128xi32>
    %add3A_450 = arith.addi %add3A_440, %add3A_449 : vector<384x128xi32>
    %add3A_451 = vector.broadcast %get3A_13 : i32 to vector<384x128xi32>
    %add3A_452 = arith.addi %xor3A_448, %add3A_451 : vector<384x128xi32>
    %add3A_453 = arith.constant 5 : i32
    %add3A_454 = vector.broadcast %add3A_453 : i32 to vector<384x128xi32>
    %add3A_455 = arith.addi %add3A_452, %add3A_454 : vector<384x128xi32>
    %xor3A_456 = arith.xori %add3A_450, %add3A_455 : vector<384x128xi32>
    %shift_right_logical3A_457 = arith.constant 16 : i32
    %shift_right_logical3A_458 = vector.broadcast %shift_right_logical3A_457 : i32 to vector<384x128xi32>
    %shift_right_logical3A_459 = arith.shrui %xor3A_234, %shift_right_logical3A_458 : vector<384x128xi32>
    %mul3A_460 = arith.constant 5536 : i32
    %mul3A_461 = vector.broadcast %mul3A_460 : i32 to vector<384x128xi32>
    %mul3A_462 = arith.muli %shift_right_logical3A_459, %mul3A_461 : vector<384x128xi32>
    %and3A = arith.constant 65535 : i32
    %and3A_463 = vector.broadcast %and3A : i32 to vector<384x128xi32>
    %and3A_464 = arith.andi %xor3A_234, %and3A_463 : vector<384x128xi32>
    %add3A_465 = arith.addi %mul3A_462, %and3A_464 : vector<384x128xi32>
    %bitcast_convert_type3A_466 = tpu.bitcast %add3A_465 : vector<384x128xi32> -> vector<384x128xi32>
    %convert_element_type3A = arith.sitofp %bitcast_convert_type3A_466 : vector<384x128xi32> to vector<384x128xf32>
    %mul3A_467 = arith.constant 9.99999974E-5 : f32
    %mul3A_468 = vector.broadcast %mul3A_467 : f32 to vector<384x128xf32>
    %mul3A_469 = arith.mulf %convert_element_type3A, %mul3A_468 : vector<384x128xf32>
    %convert_element_type3A_470 = arith.fptosi %mul3A_469 : vector<384x128xf32> to vector<384x128xi32>
    %mul3A_471 = arith.constant 10000 : i32
    %mul3A_472 = vector.broadcast %mul3A_471 : i32 to vector<384x128xi32>
    %mul3A_473 = arith.muli %convert_element_type3A_470, %mul3A_472 : vector<384x128xi32>
    %sub3A = arith.subi %bitcast_convert_type3A_466, %mul3A_473 : vector<384x128xi32>
    %mul3A_474 = arith.constant 7296 : i32
    %mul3A_475 = vector.broadcast %mul3A_474 : i32 to vector<384x128xi32>
    %mul3A_476 = arith.muli %sub3A, %mul3A_475 : vector<384x128xi32>
    %shift_right_logical3A_477 = arith.constant 16 : i32
    %shift_right_logical3A_478 = vector.broadcast %shift_right_logical3A_477 : i32 to vector<384x128xi32>
    %shift_right_logical3A_479 = arith.shrui %xor3A_456, %shift_right_logical3A_478 : vector<384x128xi32>
    %mul3A_480 = arith.constant 5536 : i32
    %mul3A_481 = vector.broadcast %mul3A_480 : i32 to vector<384x128xi32>
    %mul3A_482 = arith.muli %shift_right_logical3A_479, %mul3A_481 : vector<384x128xi32>
    %and3A_483 = arith.constant 65535 : i32
    %and3A_484 = vector.broadcast %and3A_483 : i32 to vector<384x128xi32>
    %and3A_485 = arith.andi %xor3A_456, %and3A_484 : vector<384x128xi32>
    %add3A_486 = arith.addi %mul3A_482, %and3A_485 : vector<384x128xi32>
    %bitcast_convert_type3A_487 = tpu.bitcast %add3A_486 : vector<384x128xi32> -> vector<384x128xi32>
    %convert_element_type3A_488 = arith.sitofp %bitcast_convert_type3A_487 : vector<384x128xi32> to vector<384x128xf32>
    %mul3A_489 = arith.constant 9.99999974E-5 : f32
    %mul3A_490 = vector.broadcast %mul3A_489 : f32 to vector<384x128xf32>
    %mul3A_491 = arith.mulf %convert_element_type3A_488, %mul3A_490 : vector<384x128xf32>
    %convert_element_type3A_492 = arith.fptosi %mul3A_491 : vector<384x128xf32> to vector<384x128xi32>
    %mul3A_493 = arith.constant 10000 : i32
    %mul3A_494 = vector.broadcast %mul3A_493 : i32 to vector<384x128xi32>
    %mul3A_495 = arith.muli %convert_element_type3A_492, %mul3A_494 : vector<384x128xi32>
    %sub3A_496 = arith.subi %bitcast_convert_type3A_487, %mul3A_495 : vector<384x128xi32>
    %add3A_497 = arith.addi %mul3A_476, %sub3A_496 : vector<384x128xi32>
    %add3A_498 = arith.constant 330000 : i32
    %add3A_499 = vector.broadcast %add3A_498 : i32 to vector<384x128xi32>
    %add3A_500 = arith.addi %add3A_497, %add3A_499 : vector<384x128xi32>
    %convert_element_type3A_501 = arith.sitofp %add3A_500 : vector<384x128xi32> to vector<384x128xf32>
    %mul3A_502 = arith.constant 9.99999974E-5 : f32
    %mul3A_503 = vector.broadcast %mul3A_502 : f32 to vector<384x128xf32>
    %mul3A_504 = arith.mulf %convert_element_type3A_501, %mul3A_503 : vector<384x128xf32>
    %add3A_505 = arith.constant 5.000000e-01 : f32
    %add3A_506 = vector.broadcast %add3A_505 : f32 to vector<384x128xf32>
    %add3A_507 = arith.addf %mul3A_504, %add3A_506 : vector<384x128xf32>
    %convert_element_type3A_508 = arith.fptosi %add3A_507 : vector<384x128xf32> to vector<384x128xi32>
    %mul3A_509 = arith.constant 10000 : i32
    %mul3A_510 = vector.broadcast %mul3A_509 : i32 to vector<384x128xi32>
    %mul3A_511 = arith.muli %convert_element_type3A_508, %mul3A_510 : vector<384x128xi32>
    %sub3A_512 = arith.subi %add3A_500, %mul3A_511 : vector<384x128xi32>
    %lt3A = arith.constant 0 : i32
    %lt3A_513 = vector.broadcast %lt3A : i32 to vector<384x128xi32>
    %lt3A_514 = arith.cmpi slt, %sub3A_512, %lt3A_513 : vector<384x128xi32>
    %add3A_515 = arith.constant 10000 : i32
    %add3A_516 = vector.broadcast %add3A_515 : i32 to vector<384x128xi32>
    %add3A_517 = arith.addi %sub3A_512, %add3A_516 : vector<384x128xi32>
    %select_n3A = arith.select %lt3A_514, %add3A_517, %sub3A_512 : vector<384x128xi1>, vector<384x128xi32>
    %swap3A = arith.constant 0 : index
    %swap3A_518 = arith.constant 0 : index
    %swap3A_519 = arith.constant 0 : index
    %swap3A_520 = vector.load %arg2[%swap3A, %swap3A_518, %swap3A_519] : memref<2x384x128xi32, #tpu.memory_space<vmem>>, vector<1x384x128xi32>
    %swap3A_521 = vector.shape_cast %swap3A_520 : vector<1x384x128xi32> to vector<384x128xi32>
    %swap3A_522 = vector.shape_cast %select_n3A : vector<384x128xi32> to vector<1x384x128xi32>
    tpu.vector_store %arg2[%swap3A, %swap3A_518, %swap3A_519], %swap3A_522 {strides = array<i32>} : memref<2x384x128xi32, #tpu.memory_space<vmem>>, vector<1x384x128xi32>,
    %get3A_523 = arith.constant 1 : index
    %get3A_524 = arith.constant 0 : index
    %get3A_525 = arith.constant 0 : index
    %get3A_526 = memref.load %arg1[%get3A_523, %get3A_524, %get3A_525] : memref<2x1x4xi32, #tpu.memory_space<smem>>
    %get3A_527 = arith.constant 1 : index
    %get3A_528 = arith.constant 0 : index
    %get3A_529 = arith.constant 1 : index
    %get3A_530 = memref.load %arg1[%get3A_527, %get3A_528, %get3A_529] : memref<2x1x4xi32, #tpu.memory_space<smem>>
    %get3A_531 = arith.constant 1 : index
    %get3A_532 = arith.constant 0 : index
    %get3A_533 = arith.constant 2 : index
    %get3A_534 = memref.load %arg1[%get3A_531, %get3A_532, %get3A_533] : memref<2x1x4xi32, #tpu.memory_space<smem>>
    %get3A_535 = arith.constant 1 : index
    %get3A_536 = arith.constant 0 : index
    %get3A_537 = arith.constant 3 : index
    %get3A_538 = memref.load %arg1[%get3A_535, %get3A_536, %get3A_537] : memref<2x1x4xi32, #tpu.memory_space<smem>>
    %xor3A_539 = arith.xori %get3A_526, %get3A_530 : i32
    %xor3A_540 = arith.constant 466688986 : i32
    %xor3A_541 = arith.xori %xor3A_539, %xor3A_540 : i32
    %broadcast_in_dim3A_542 = vector.broadcast %get3A_526 : i32 to vector<384x128xi32>
    %add3A_543 = vector.broadcast %get3A_530 : i32 to vector<384x128xi32>
    %add3A_544 = arith.addi %bitcast_convert_type3A, %add3A_543 : vector<384x128xi32>
    %add3A_545 = arith.addi %broadcast_in_dim3A_542, %add3A_544 : vector<384x128xi32>
    %shift_left3A_546 = arith.constant 13 : i32
    %shift_left3A_547 = vector.broadcast %shift_left3A_546 : i32 to vector<384x128xi32>
    %shift_left3A_548 = arith.shli %add3A_544, %shift_left3A_547 : vector<384x128xi32>
    %shift_right_logical3A_549 = arith.constant 19 : i32
    %shift_right_logical3A_550 = vector.broadcast %shift_right_logical3A_549 : i32 to vector<384x128xi32>
    %shift_right_logical3A_551 = arith.shrui %add3A_544, %shift_right_logical3A_550 : vector<384x128xi32>
    %or3A_552 = arith.ori %shift_left3A_548, %shift_right_logical3A_551 : vector<384x128xi32>
    %xor3A_553 = arith.xori %add3A_545, %or3A_552 : vector<384x128xi32>
    %add3A_554 = arith.addi %add3A_545, %xor3A_553 : vector<384x128xi32>
    %shift_left3A_555 = arith.constant 15 : i32
    %shift_left3A_556 = vector.broadcast %shift_left3A_555 : i32 to vector<384x128xi32>
    %shift_left3A_557 = arith.shli %xor3A_553, %shift_left3A_556 : vector<384x128xi32>
    %shift_right_logical3A_558 = arith.constant 17 : i32
    %shift_right_logical3A_559 = vector.broadcast %shift_right_logical3A_558 : i32 to vector<384x128xi32>
    %shift_right_logical3A_560 = arith.shrui %xor3A_553, %shift_right_logical3A_559 : vector<384x128xi32>
    %or3A_561 = arith.ori %shift_left3A_557, %shift_right_logical3A_560 : vector<384x128xi32>
    %xor3A_562 = arith.xori %add3A_554, %or3A_561 : vector<384x128xi32>
    %add3A_563 = arith.addi %add3A_554, %xor3A_562 : vector<384x128xi32>
    %shift_left3A_564 = arith.constant 26 : i32
    %shift_left3A_565 = vector.broadcast %shift_left3A_564 : i32 to vector<384x128xi32>
    %shift_left3A_566 = arith.shli %xor3A_562, %shift_left3A_565 : vector<384x128xi32>
    %shift_right_logical3A_567 = arith.constant 6 : i32
    %shift_right_logical3A_568 = vector.broadcast %shift_right_logical3A_567 : i32 to vector<384x128xi32>
    %shift_right_logical3A_569 = arith.shrui %xor3A_562, %shift_right_logical3A_568 : vector<384x128xi32>
    %or3A_570 = arith.ori %shift_left3A_566, %shift_right_logical3A_569 : vector<384x128xi32>
    %xor3A_571 = arith.xori %add3A_563, %or3A_570 : vector<384x128xi32>
    %add3A_572 = arith.addi %add3A_563, %xor3A_571 : vector<384x128xi32>
    %shift_left3A_573 = arith.constant 6 : i32
    %shift_left3A_574 = vector.broadcast %shift_left3A_573 : i32 to vector<384x128xi32>
    %shift_left3A_575 = arith.shli %xor3A_571, %shift_left3A_574 : vector<384x128xi32>
    %shift_right_logical3A_576 = arith.constant 26 : i32
    %shift_right_logical3A_577 = vector.broadcast %shift_right_logical3A_576 : i32 to vector<384x128xi32>
    %shift_right_logical3A_578 = arith.shrui %xor3A_571, %shift_right_logical3A_577 : vector<384x128xi32>
    %or3A_579 = arith.ori %shift_left3A_575, %shift_right_logical3A_578 : vector<384x128xi32>
    %xor3A_580 = arith.xori %add3A_572, %or3A_579 : vector<384x128xi32>
    %add3A_581 = vector.broadcast %get3A_530 : i32 to vector<384x128xi32>
    %add3A_582 = arith.addi %add3A_572, %add3A_581 : vector<384x128xi32>
    %add3A_583 = vector.broadcast %xor3A_541 : i32 to vector<384x128xi32>
    %add3A_584 = arith.addi %xor3A_580, %add3A_583 : vector<384x128xi32>
    %add3A_585 = arith.constant 1 : i32
    %add3A_586 = vector.broadcast %add3A_585 : i32 to vector<384x128xi32>
    %add3A_587 = arith.addi %add3A_584, %add3A_586 : vector<384x128xi32>
    %add3A_588 = arith.addi %add3A_582, %add3A_587 : vector<384x128xi32>
    %shift_left3A_589 = arith.constant 17 : i32
    %shift_left3A_590 = vector.broadcast %shift_left3A_589 : i32 to vector<384x128xi32>
    %shift_left3A_591 = arith.shli %add3A_587, %shift_left3A_590 : vector<384x128xi32>
    %shift_right_logical3A_592 = arith.constant 15 : i32
    %shift_right_logical3A_593 = vector.broadcast %shift_right_logical3A_592 : i32 to vector<384x128xi32>
    %shift_right_logical3A_594 = arith.shrui %add3A_587, %shift_right_logical3A_593 : vector<384x128xi32>
    %or3A_595 = arith.ori %shift_left3A_591, %shift_right_logical3A_594 : vector<384x128xi32>
    %xor3A_596 = arith.xori %add3A_588, %or3A_595 : vector<384x128xi32>
    %add3A_597 = arith.addi %add3A_588, %xor3A_596 : vector<384x128xi32>
    %shift_left3A_598 = arith.constant 29 : i32
    %shift_left3A_599 = vector.broadcast %shift_left3A_598 : i32 to vector<384x128xi32>
    %shift_left3A_600 = arith.shli %xor3A_596, %shift_left3A_599 : vector<384x128xi32>
    %shift_right_logical3A_601 = arith.constant 3 : i32
    %shift_right_logical3A_602 = vector.broadcast %shift_right_logical3A_601 : i32 to vector<384x128xi32>
    %shift_right_logical3A_603 = arith.shrui %xor3A_596, %shift_right_logical3A_602 : vector<384x128xi32>
    %or3A_604 = arith.ori %shift_left3A_600, %shift_right_logical3A_603 : vector<384x128xi32>
    %xor3A_605 = arith.xori %add3A_597, %or3A_604 : vector<384x128xi32>
    %add3A_606 = arith.addi %add3A_597, %xor3A_605 : vector<384x128xi32>
    %shift_left3A_607 = arith.constant 16 : i32
    %shift_left3A_608 = vector.broadcast %shift_left3A_607 : i32 to vector<384x128xi32>
    %shift_left3A_609 = arith.shli %xor3A_605, %shift_left3A_608 : vector<384x128xi32>
    %shift_right_logical3A_610 = arith.constant 16 : i32
    %shift_right_logical3A_611 = vector.broadcast %shift_right_logical3A_610 : i32 to vector<384x128xi32>
    %shift_right_logical3A_612 = arith.shrui %xor3A_605, %shift_right_logical3A_611 : vector<384x128xi32>
    %or3A_613 = arith.ori %shift_left3A_609, %shift_right_logical3A_612 : vector<384x128xi32>
    %xor3A_614 = arith.xori %add3A_606, %or3A_613 : vector<384x128xi32>
    %add3A_615 = arith.addi %add3A_606, %xor3A_614 : vector<384x128xi32>
    %shift_left3A_616 = arith.constant 24 : i32
    %shift_left3A_617 = vector.broadcast %shift_left3A_616 : i32 to vector<384x128xi32>
    %shift_left3A_618 = arith.shli %xor3A_614, %shift_left3A_617 : vector<384x128xi32>
    %shift_right_logical3A_619 = arith.constant 8 : i32
    %shift_right_logical3A_620 = vector.broadcast %shift_right_logical3A_619 : i32 to vector<384x128xi32>
    %shift_right_logical3A_621 = arith.shrui %xor3A_614, %shift_right_logical3A_620 : vector<384x128xi32>
    %or3A_622 = arith.ori %shift_left3A_618, %shift_right_logical3A_621 : vector<384x128xi32>
    %xor3A_623 = arith.xori %add3A_615, %or3A_622 : vector<384x128xi32>
    %add3A_624 = vector.broadcast %xor3A_541 : i32 to vector<384x128xi32>
    %add3A_625 = arith.addi %add3A_615, %add3A_624 : vector<384x128xi32>
    %add3A_626 = vector.broadcast %get3A_526 : i32 to vector<384x128xi32>
    %add3A_627 = arith.addi %xor3A_623, %add3A_626 : vector<384x128xi32>
    %add3A_628 = arith.constant 2 : i32
    %add3A_629 = vector.broadcast %add3A_628 : i32 to vector<384x128xi32>
    %add3A_630 = arith.addi %add3A_627, %add3A_629 : vector<384x128xi32>
    %add3A_631 = arith.addi %add3A_625, %add3A_630 : vector<384x128xi32>
    %shift_left3A_632 = arith.constant 13 : i32
    %shift_left3A_633 = vector.broadcast %shift_left3A_632 : i32 to vector<384x128xi32>
    %shift_left3A_634 = arith.shli %add3A_630, %shift_left3A_633 : vector<384x128xi32>
    %shift_right_logical3A_635 = arith.constant 19 : i32
    %shift_right_logical3A_636 = vector.broadcast %shift_right_logical3A_635 : i32 to vector<384x128xi32>
    %shift_right_logical3A_637 = arith.shrui %add3A_630, %shift_right_logical3A_636 : vector<384x128xi32>
    %or3A_638 = arith.ori %shift_left3A_634, %shift_right_logical3A_637 : vector<384x128xi32>
    %xor3A_639 = arith.xori %add3A_631, %or3A_638 : vector<384x128xi32>
    %add3A_640 = arith.addi %add3A_631, %xor3A_639 : vector<384x128xi32>
    %shift_left3A_641 = arith.constant 15 : i32
    %shift_left3A_642 = vector.broadcast %shift_left3A_641 : i32 to vector<384x128xi32>
    %shift_left3A_643 = arith.shli %xor3A_639, %shift_left3A_642 : vector<384x128xi32>
    %shift_right_logical3A_644 = arith.constant 17 : i32
    %shift_right_logical3A_645 = vector.broadcast %shift_right_logical3A_644 : i32 to vector<384x128xi32>
    %shift_right_logical3A_646 = arith.shrui %xor3A_639, %shift_right_logical3A_645 : vector<384x128xi32>
    %or3A_647 = arith.ori %shift_left3A_643, %shift_right_logical3A_646 : vector<384x128xi32>
    %xor3A_648 = arith.xori %add3A_640, %or3A_647 : vector<384x128xi32>
    %add3A_649 = arith.addi %add3A_640, %xor3A_648 : vector<384x128xi32>
    %shift_left3A_650 = arith.constant 26 : i32
    %shift_left3A_651 = vector.broadcast %shift_left3A_650 : i32 to vector<384x128xi32>
    %shift_left3A_652 = arith.shli %xor3A_648, %shift_left3A_651 : vector<384x128xi32>
    %shift_right_logical3A_653 = arith.constant 6 : i32
    %shift_right_logical3A_654 = vector.broadcast %shift_right_logical3A_653 : i32 to vector<384x128xi32>
    %shift_right_logical3A_655 = arith.shrui %xor3A_648, %shift_right_logical3A_654 : vector<384x128xi32>
    %or3A_656 = arith.ori %shift_left3A_652, %shift_right_logical3A_655 : vector<384x128xi32>
    %xor3A_657 = arith.xori %add3A_649, %or3A_656 : vector<384x128xi32>
    %add3A_658 = arith.addi %add3A_649, %xor3A_657 : vector<384x128xi32>
    %shift_left3A_659 = arith.constant 6 : i32
    %shift_left3A_660 = vector.broadcast %shift_left3A_659 : i32 to vector<384x128xi32>
    %shift_left3A_661 = arith.shli %xor3A_657, %shift_left3A_660 : vector<384x128xi32>
    %shift_right_logical3A_662 = arith.constant 26 : i32
    %shift_right_logical3A_663 = vector.broadcast %shift_right_logical3A_662 : i32 to vector<384x128xi32>
    %shift_right_logical3A_664 = arith.shrui %xor3A_657, %shift_right_logical3A_663 : vector<384x128xi32>
    %or3A_665 = arith.ori %shift_left3A_661, %shift_right_logical3A_664 : vector<384x128xi32>
    %xor3A_666 = arith.xori %add3A_658, %or3A_665 : vector<384x128xi32>
    %add3A_667 = vector.broadcast %get3A_526 : i32 to vector<384x128xi32>
    %add3A_668 = arith.addi %add3A_658, %add3A_667 : vector<384x128xi32>
    %add3A_669 = vector.broadcast %get3A_530 : i32 to vector<384x128xi32>
    %add3A_670 = arith.addi %xor3A_666, %add3A_669 : vector<384x128xi32>
    %add3A_671 = arith.constant 3 : i32
    %add3A_672 = vector.broadcast %add3A_671 : i32 to vector<384x128xi32>
    %add3A_673 = arith.addi %add3A_670, %add3A_672 : vector<384x128xi32>
    %add3A_674 = arith.addi %add3A_668, %add3A_673 : vector<384x128xi32>
    %shift_left3A_675 = arith.constant 17 : i32
    %shift_left3A_676 = vector.broadcast %shift_left3A_675 : i32 to vector<384x128xi32>
    %shift_left3A_677 = arith.shli %add3A_673, %shift_left3A_676 : vector<384x128xi32>
    %shift_right_logical3A_678 = arith.constant 15 : i32
    %shift_right_logical3A_679 = vector.broadcast %shift_right_logical3A_678 : i32 to vector<384x128xi32>
    %shift_right_logical3A_680 = arith.shrui %add3A_673, %shift_right_logical3A_679 : vector<384x128xi32>
    %or3A_681 = arith.ori %shift_left3A_677, %shift_right_logical3A_680 : vector<384x128xi32>
    %xor3A_682 = arith.xori %add3A_674, %or3A_681 : vector<384x128xi32>
    %add3A_683 = arith.addi %add3A_674, %xor3A_682 : vector<384x128xi32>
    %shift_left3A_684 = arith.constant 29 : i32
    %shift_left3A_685 = vector.broadcast %shift_left3A_684 : i32 to vector<384x128xi32>
    %shift_left3A_686 = arith.shli %xor3A_682, %shift_left3A_685 : vector<384x128xi32>
    %shift_right_logical3A_687 = arith.constant 3 : i32
    %shift_right_logical3A_688 = vector.broadcast %shift_right_logical3A_687 : i32 to vector<384x128xi32>
    %shift_right_logical3A_689 = arith.shrui %xor3A_682, %shift_right_logical3A_688 : vector<384x128xi32>
    %or3A_690 = arith.ori %shift_left3A_686, %shift_right_logical3A_689 : vector<384x128xi32>
    %xor3A_691 = arith.xori %add3A_683, %or3A_690 : vector<384x128xi32>
    %add3A_692 = arith.addi %add3A_683, %xor3A_691 : vector<384x128xi32>
    %shift_left3A_693 = arith.constant 16 : i32
    %shift_left3A_694 = vector.broadcast %shift_left3A_693 : i32 to vector<384x128xi32>
    %shift_left3A_695 = arith.shli %xor3A_691, %shift_left3A_694 : vector<384x128xi32>
    %shift_right_logical3A_696 = arith.constant 16 : i32
    %shift_right_logical3A_697 = vector.broadcast %shift_right_logical3A_696 : i32 to vector<384x128xi32>
    %shift_right_logical3A_698 = arith.shrui %xor3A_691, %shift_right_logical3A_697 : vector<384x128xi32>
    %or3A_699 = arith.ori %shift_left3A_695, %shift_right_logical3A_698 : vector<384x128xi32>
    %xor3A_700 = arith.xori %add3A_692, %or3A_699 : vector<384x128xi32>
    %add3A_701 = arith.addi %add3A_692, %xor3A_700 : vector<384x128xi32>
    %shift_left3A_702 = arith.constant 24 : i32
    %shift_left3A_703 = vector.broadcast %shift_left3A_702 : i32 to vector<384x128xi32>
    %shift_left3A_704 = arith.shli %xor3A_700, %shift_left3A_703 : vector<384x128xi32>
    %shift_right_logical3A_705 = arith.constant 8 : i32
    %shift_right_logical3A_706 = vector.broadcast %shift_right_logical3A_705 : i32 to vector<384x128xi32>
    %shift_right_logical3A_707 = arith.shrui %xor3A_700, %shift_right_logical3A_706 : vector<384x128xi32>
    %or3A_708 = arith.ori %shift_left3A_704, %shift_right_logical3A_707 : vector<384x128xi32>
    %xor3A_709 = arith.xori %add3A_701, %or3A_708 : vector<384x128xi32>
    %add3A_710 = vector.broadcast %get3A_530 : i32 to vector<384x128xi32>
    %add3A_711 = arith.addi %add3A_701, %add3A_710 : vector<384x128xi32>
    %add3A_712 = vector.broadcast %xor3A_541 : i32 to vector<384x128xi32>
    %add3A_713 = arith.addi %xor3A_709, %add3A_712 : vector<384x128xi32>
    %add3A_714 = arith.constant 4 : i32
    %add3A_715 = vector.broadcast %add3A_714 : i32 to vector<384x128xi32>
    %add3A_716 = arith.addi %add3A_713, %add3A_715 : vector<384x128xi32>
    %add3A_717 = arith.addi %add3A_711, %add3A_716 : vector<384x128xi32>
    %shift_left3A_718 = arith.constant 13 : i32
    %shift_left3A_719 = vector.broadcast %shift_left3A_718 : i32 to vector<384x128xi32>
    %shift_left3A_720 = arith.shli %add3A_716, %shift_left3A_719 : vector<384x128xi32>
    %shift_right_logical3A_721 = arith.constant 19 : i32
    %shift_right_logical3A_722 = vector.broadcast %shift_right_logical3A_721 : i32 to vector<384x128xi32>
    %shift_right_logical3A_723 = arith.shrui %add3A_716, %shift_right_logical3A_722 : vector<384x128xi32>
    %or3A_724 = arith.ori %shift_left3A_720, %shift_right_logical3A_723 : vector<384x128xi32>
    %xor3A_725 = arith.xori %add3A_717, %or3A_724 : vector<384x128xi32>
    %add3A_726 = arith.addi %add3A_717, %xor3A_725 : vector<384x128xi32>
    %shift_left3A_727 = arith.constant 15 : i32
    %shift_left3A_728 = vector.broadcast %shift_left3A_727 : i32 to vector<384x128xi32>
    %shift_left3A_729 = arith.shli %xor3A_725, %shift_left3A_728 : vector<384x128xi32>
    %shift_right_logical3A_730 = arith.constant 17 : i32
    %shift_right_logical3A_731 = vector.broadcast %shift_right_logical3A_730 : i32 to vector<384x128xi32>
    %shift_right_logical3A_732 = arith.shrui %xor3A_725, %shift_right_logical3A_731 : vector<384x128xi32>
    %or3A_733 = arith.ori %shift_left3A_729, %shift_right_logical3A_732 : vector<384x128xi32>
    %xor3A_734 = arith.xori %add3A_726, %or3A_733 : vector<384x128xi32>
    %add3A_735 = arith.addi %add3A_726, %xor3A_734 : vector<384x128xi32>
    %shift_left3A_736 = arith.constant 26 : i32
    %shift_left3A_737 = vector.broadcast %shift_left3A_736 : i32 to vector<384x128xi32>
    %shift_left3A_738 = arith.shli %xor3A_734, %shift_left3A_737 : vector<384x128xi32>
    %shift_right_logical3A_739 = arith.constant 6 : i32
    %shift_right_logical3A_740 = vector.broadcast %shift_right_logical3A_739 : i32 to vector<384x128xi32>
    %shift_right_logical3A_741 = arith.shrui %xor3A_734, %shift_right_logical3A_740 : vector<384x128xi32>
    %or3A_742 = arith.ori %shift_left3A_738, %shift_right_logical3A_741 : vector<384x128xi32>
    %xor3A_743 = arith.xori %add3A_735, %or3A_742 : vector<384x128xi32>
    %add3A_744 = arith.addi %add3A_735, %xor3A_743 : vector<384x128xi32>
    %shift_left3A_745 = arith.constant 6 : i32
    %shift_left3A_746 = vector.broadcast %shift_left3A_745 : i32 to vector<384x128xi32>
    %shift_left3A_747 = arith.shli %xor3A_743, %shift_left3A_746 : vector<384x128xi32>
    %shift_right_logical3A_748 = arith.constant 26 : i32
    %shift_right_logical3A_749 = vector.broadcast %shift_right_logical3A_748 : i32 to vector<384x128xi32>
    %shift_right_logical3A_750 = arith.shrui %xor3A_743, %shift_right_logical3A_749 : vector<384x128xi32>
    %or3A_751 = arith.ori %shift_left3A_747, %shift_right_logical3A_750 : vector<384x128xi32>
    %xor3A_752 = arith.xori %add3A_744, %or3A_751 : vector<384x128xi32>
    %add3A_753 = vector.broadcast %xor3A_541 : i32 to vector<384x128xi32>
    %add3A_754 = arith.addi %add3A_744, %add3A_753 : vector<384x128xi32>
    %add3A_755 = vector.broadcast %get3A_526 : i32 to vector<384x128xi32>
    %add3A_756 = arith.addi %xor3A_752, %add3A_755 : vector<384x128xi32>
    %add3A_757 = arith.constant 5 : i32
    %add3A_758 = vector.broadcast %add3A_757 : i32 to vector<384x128xi32>
    %add3A_759 = arith.addi %add3A_756, %add3A_758 : vector<384x128xi32>
    %xor3A_760 = arith.xori %add3A_754, %add3A_759 : vector<384x128xi32>
    %xor3A_761 = arith.xori %get3A_534, %get3A_538 : i32
    %xor3A_762 = arith.constant 466688986 : i32
    %xor3A_763 = arith.xori %xor3A_761, %xor3A_762 : i32
    %broadcast_in_dim3A_764 = vector.broadcast %get3A_534 : i32 to vector<384x128xi32>
    %add3A_765 = vector.broadcast %get3A_538 : i32 to vector<384x128xi32>
    %add3A_766 = arith.addi %bitcast_convert_type3A, %add3A_765 : vector<384x128xi32>
    %add3A_767 = arith.addi %broadcast_in_dim3A_764, %add3A_766 : vector<384x128xi32>
    %shift_left3A_768 = arith.constant 13 : i32
    %shift_left3A_769 = vector.broadcast %shift_left3A_768 : i32 to vector<384x128xi32>
    %shift_left3A_770 = arith.shli %add3A_766, %shift_left3A_769 : vector<384x128xi32>
    %shift_right_logical3A_771 = arith.constant 19 : i32
    %shift_right_logical3A_772 = vector.broadcast %shift_right_logical3A_771 : i32 to vector<384x128xi32>
    %shift_right_logical3A_773 = arith.shrui %add3A_766, %shift_right_logical3A_772 : vector<384x128xi32>
    %or3A_774 = arith.ori %shift_left3A_770, %shift_right_logical3A_773 : vector<384x128xi32>
    %xor3A_775 = arith.xori %add3A_767, %or3A_774 : vector<384x128xi32>
    %add3A_776 = arith.addi %add3A_767, %xor3A_775 : vector<384x128xi32>
    %shift_left3A_777 = arith.constant 15 : i32
    %shift_left3A_778 = vector.broadcast %shift_left3A_777 : i32 to vector<384x128xi32>
    %shift_left3A_779 = arith.shli %xor3A_775, %shift_left3A_778 : vector<384x128xi32>
    %shift_right_logical3A_780 = arith.constant 17 : i32
    %shift_right_logical3A_781 = vector.broadcast %shift_right_logical3A_780 : i32 to vector<384x128xi32>
    %shift_right_logical3A_782 = arith.shrui %xor3A_775, %shift_right_logical3A_781 : vector<384x128xi32>
    %or3A_783 = arith.ori %shift_left3A_779, %shift_right_logical3A_782 : vector<384x128xi32>
    %xor3A_784 = arith.xori %add3A_776, %or3A_783 : vector<384x128xi32>
    %add3A_785 = arith.addi %add3A_776, %xor3A_784 : vector<384x128xi32>
    %shift_left3A_786 = arith.constant 26 : i32
    %shift_left3A_787 = vector.broadcast %shift_left3A_786 : i32 to vector<384x128xi32>
    %shift_left3A_788 = arith.shli %xor3A_784, %shift_left3A_787 : vector<384x128xi32>
    %shift_right_logical3A_789 = arith.constant 6 : i32
    %shift_right_logical3A_790 = vector.broadcast %shift_right_logical3A_789 : i32 to vector<384x128xi32>
    %shift_right_logical3A_791 = arith.shrui %xor3A_784, %shift_right_logical3A_790 : vector<384x128xi32>
    %or3A_792 = arith.ori %shift_left3A_788, %shift_right_logical3A_791 : vector<384x128xi32>
    %xor3A_793 = arith.xori %add3A_785, %or3A_792 : vector<384x128xi32>
    %add3A_794 = arith.addi %add3A_785, %xor3A_793 : vector<384x128xi32>
    %shift_left3A_795 = arith.constant 6 : i32
    %shift_left3A_796 = vector.broadcast %shift_left3A_795 : i32 to vector<384x128xi32>
    %shift_left3A_797 = arith.shli %xor3A_793, %shift_left3A_796 : vector<384x128xi32>
    %shift_right_logical3A_798 = arith.constant 26 : i32
    %shift_right_logical3A_799 = vector.broadcast %shift_right_logical3A_798 : i32 to vector<384x128xi32>
    %shift_right_logical3A_800 = arith.shrui %xor3A_793, %shift_right_logical3A_799 : vector<384x128xi32>
    %or3A_801 = arith.ori %shift_left3A_797, %shift_right_logical3A_800 : vector<384x128xi32>
    %xor3A_802 = arith.xori %add3A_794, %or3A_801 : vector<384x128xi32>
    %add3A_803 = vector.broadcast %get3A_538 : i32 to vector<384x128xi32>
    %add3A_804 = arith.addi %add3A_794, %add3A_803 : vector<384x128xi32>
    %add3A_805 = vector.broadcast %xor3A_763 : i32 to vector<384x128xi32>
    %add3A_806 = arith.addi %xor3A_802, %add3A_805 : vector<384x128xi32>
    %add3A_807 = arith.constant 1 : i32
    %add3A_808 = vector.broadcast %add3A_807 : i32 to vector<384x128xi32>
    %add3A_809 = arith.addi %add3A_806, %add3A_808 : vector<384x128xi32>
    %add3A_810 = arith.addi %add3A_804, %add3A_809 : vector<384x128xi32>
    %shift_left3A_811 = arith.constant 17 : i32
    %shift_left3A_812 = vector.broadcast %shift_left3A_811 : i32 to vector<384x128xi32>
    %shift_left3A_813 = arith.shli %add3A_809, %shift_left3A_812 : vector<384x128xi32>
    %shift_right_logical3A_814 = arith.constant 15 : i32
    %shift_right_logical3A_815 = vector.broadcast %shift_right_logical3A_814 : i32 to vector<384x128xi32>
    %shift_right_logical3A_816 = arith.shrui %add3A_809, %shift_right_logical3A_815 : vector<384x128xi32>
    %or3A_817 = arith.ori %shift_left3A_813, %shift_right_logical3A_816 : vector<384x128xi32>
    %xor3A_818 = arith.xori %add3A_810, %or3A_817 : vector<384x128xi32>
    %add3A_819 = arith.addi %add3A_810, %xor3A_818 : vector<384x128xi32>
    %shift_left3A_820 = arith.constant 29 : i32
    %shift_left3A_821 = vector.broadcast %shift_left3A_820 : i32 to vector<384x128xi32>
    %shift_left3A_822 = arith.shli %xor3A_818, %shift_left3A_821 : vector<384x128xi32>
    %shift_right_logical3A_823 = arith.constant 3 : i32
    %shift_right_logical3A_824 = vector.broadcast %shift_right_logical3A_823 : i32 to vector<384x128xi32>
    %shift_right_logical3A_825 = arith.shrui %xor3A_818, %shift_right_logical3A_824 : vector<384x128xi32>
    %or3A_826 = arith.ori %shift_left3A_822, %shift_right_logical3A_825 : vector<384x128xi32>
    %xor3A_827 = arith.xori %add3A_819, %or3A_826 : vector<384x128xi32>
    %add3A_828 = arith.addi %add3A_819, %xor3A_827 : vector<384x128xi32>
    %shift_left3A_829 = arith.constant 16 : i32
    %shift_left3A_830 = vector.broadcast %shift_left3A_829 : i32 to vector<384x128xi32>
    %shift_left3A_831 = arith.shli %xor3A_827, %shift_left3A_830 : vector<384x128xi32>
    %shift_right_logical3A_832 = arith.constant 16 : i32
    %shift_right_logical3A_833 = vector.broadcast %shift_right_logical3A_832 : i32 to vector<384x128xi32>
    %shift_right_logical3A_834 = arith.shrui %xor3A_827, %shift_right_logical3A_833 : vector<384x128xi32>
    %or3A_835 = arith.ori %shift_left3A_831, %shift_right_logical3A_834 : vector<384x128xi32>
    %xor3A_836 = arith.xori %add3A_828, %or3A_835 : vector<384x128xi32>
    %add3A_837 = arith.addi %add3A_828, %xor3A_836 : vector<384x128xi32>
    %shift_left3A_838 = arith.constant 24 : i32
    %shift_left3A_839 = vector.broadcast %shift_left3A_838 : i32 to vector<384x128xi32>
    %shift_left3A_840 = arith.shli %xor3A_836, %shift_left3A_839 : vector<384x128xi32>
    %shift_right_logical3A_841 = arith.constant 8 : i32
    %shift_right_logical3A_842 = vector.broadcast %shift_right_logical3A_841 : i32 to vector<384x128xi32>
    %shift_right_logical3A_843 = arith.shrui %xor3A_836, %shift_right_logical3A_842 : vector<384x128xi32>
    %or3A_844 = arith.ori %shift_left3A_840, %shift_right_logical3A_843 : vector<384x128xi32>
    %xor3A_845 = arith.xori %add3A_837, %or3A_844 : vector<384x128xi32>
    %add3A_846 = vector.broadcast %xor3A_763 : i32 to vector<384x128xi32>
    %add3A_847 = arith.addi %add3A_837, %add3A_846 : vector<384x128xi32>
    %add3A_848 = vector.broadcast %get3A_534 : i32 to vector<384x128xi32>
    %add3A_849 = arith.addi %xor3A_845, %add3A_848 : vector<384x128xi32>
    %add3A_850 = arith.constant 2 : i32
    %add3A_851 = vector.broadcast %add3A_850 : i32 to vector<384x128xi32>
    %add3A_852 = arith.addi %add3A_849, %add3A_851 : vector<384x128xi32>
    %add3A_853 = arith.addi %add3A_847, %add3A_852 : vector<384x128xi32>
    %shift_left3A_854 = arith.constant 13 : i32
    %shift_left3A_855 = vector.broadcast %shift_left3A_854 : i32 to vector<384x128xi32>
    %shift_left3A_856 = arith.shli %add3A_852, %shift_left3A_855 : vector<384x128xi32>
    %shift_right_logical3A_857 = arith.constant 19 : i32
    %shift_right_logical3A_858 = vector.broadcast %shift_right_logical3A_857 : i32 to vector<384x128xi32>
    %shift_right_logical3A_859 = arith.shrui %add3A_852, %shift_right_logical3A_858 : vector<384x128xi32>
    %or3A_860 = arith.ori %shift_left3A_856, %shift_right_logical3A_859 : vector<384x128xi32>
    %xor3A_861 = arith.xori %add3A_853, %or3A_860 : vector<384x128xi32>
    %add3A_862 = arith.addi %add3A_853, %xor3A_861 : vector<384x128xi32>
    %shift_left3A_863 = arith.constant 15 : i32
    %shift_left3A_864 = vector.broadcast %shift_left3A_863 : i32 to vector<384x128xi32>
    %shift_left3A_865 = arith.shli %xor3A_861, %shift_left3A_864 : vector<384x128xi32>
    %shift_right_logical3A_866 = arith.constant 17 : i32
    %shift_right_logical3A_867 = vector.broadcast %shift_right_logical3A_866 : i32 to vector<384x128xi32>
    %shift_right_logical3A_868 = arith.shrui %xor3A_861, %shift_right_logical3A_867 : vector<384x128xi32>
    %or3A_869 = arith.ori %shift_left3A_865, %shift_right_logical3A_868 : vector<384x128xi32>
    %xor3A_870 = arith.xori %add3A_862, %or3A_869 : vector<384x128xi32>
    %add3A_871 = arith.addi %add3A_862, %xor3A_870 : vector<384x128xi32>
    %shift_left3A_872 = arith.constant 26 : i32
    %shift_left3A_873 = vector.broadcast %shift_left3A_872 : i32 to vector<384x128xi32>
    %shift_left3A_874 = arith.shli %xor3A_870, %shift_left3A_873 : vector<384x128xi32>
    %shift_right_logical3A_875 = arith.constant 6 : i32
    %shift_right_logical3A_876 = vector.broadcast %shift_right_logical3A_875 : i32 to vector<384x128xi32>
    %shift_right_logical3A_877 = arith.shrui %xor3A_870, %shift_right_logical3A_876 : vector<384x128xi32>
    %or3A_878 = arith.ori %shift_left3A_874, %shift_right_logical3A_877 : vector<384x128xi32>
    %xor3A_879 = arith.xori %add3A_871, %or3A_878 : vector<384x128xi32>
    %add3A_880 = arith.addi %add3A_871, %xor3A_879 : vector<384x128xi32>
    %shift_left3A_881 = arith.constant 6 : i32
    %shift_left3A_882 = vector.broadcast %shift_left3A_881 : i32 to vector<384x128xi32>
    %shift_left3A_883 = arith.shli %xor3A_879, %shift_left3A_882 : vector<384x128xi32>
    %shift_right_logical3A_884 = arith.constant 26 : i32
    %shift_right_logical3A_885 = vector.broadcast %shift_right_logical3A_884 : i32 to vector<384x128xi32>
    %shift_right_logical3A_886 = arith.shrui %xor3A_879, %shift_right_logical3A_885 : vector<384x128xi32>
    %or3A_887 = arith.ori %shift_left3A_883, %shift_right_logical3A_886 : vector<384x128xi32>
    %xor3A_888 = arith.xori %add3A_880, %or3A_887 : vector<384x128xi32>
    %add3A_889 = vector.broadcast %get3A_534 : i32 to vector<384x128xi32>
    %add3A_890 = arith.addi %add3A_880, %add3A_889 : vector<384x128xi32>
    %add3A_891 = vector.broadcast %get3A_538 : i32 to vector<384x128xi32>
    %add3A_892 = arith.addi %xor3A_888, %add3A_891 : vector<384x128xi32>
    %add3A_893 = arith.constant 3 : i32
    %add3A_894 = vector.broadcast %add3A_893 : i32 to vector<384x128xi32>
    %add3A_895 = arith.addi %add3A_892, %add3A_894 : vector<384x128xi32>
    %add3A_896 = arith.addi %add3A_890, %add3A_895 : vector<384x128xi32>
    %shift_left3A_897 = arith.constant 17 : i32
    %shift_left3A_898 = vector.broadcast %shift_left3A_897 : i32 to vector<384x128xi32>
    %shift_left3A_899 = arith.shli %add3A_895, %shift_left3A_898 : vector<384x128xi32>
    %shift_right_logical3A_900 = arith.constant 15 : i32
    %shift_right_logical3A_901 = vector.broadcast %shift_right_logical3A_900 : i32 to vector<384x128xi32>
    %shift_right_logical3A_902 = arith.shrui %add3A_895, %shift_right_logical3A_901 : vector<384x128xi32>
    %or3A_903 = arith.ori %shift_left3A_899, %shift_right_logical3A_902 : vector<384x128xi32>
    %xor3A_904 = arith.xori %add3A_896, %or3A_903 : vector<384x128xi32>
    %add3A_905 = arith.addi %add3A_896, %xor3A_904 : vector<384x128xi32>
    %shift_left3A_906 = arith.constant 29 : i32
    %shift_left3A_907 = vector.broadcast %shift_left3A_906 : i32 to vector<384x128xi32>
    %shift_left3A_908 = arith.shli %xor3A_904, %shift_left3A_907 : vector<384x128xi32>
    %shift_right_logical3A_909 = arith.constant 3 : i32
    %shift_right_logical3A_910 = vector.broadcast %shift_right_logical3A_909 : i32 to vector<384x128xi32>
    %shift_right_logical3A_911 = arith.shrui %xor3A_904, %shift_right_logical3A_910 : vector<384x128xi32>
    %or3A_912 = arith.ori %shift_left3A_908, %shift_right_logical3A_911 : vector<384x128xi32>
    %xor3A_913 = arith.xori %add3A_905, %or3A_912 : vector<384x128xi32>
    %add3A_914 = arith.addi %add3A_905, %xor3A_913 : vector<384x128xi32>
    %shift_left3A_915 = arith.constant 16 : i32
    %shift_left3A_916 = vector.broadcast %shift_left3A_915 : i32 to vector<384x128xi32>
    %shift_left3A_917 = arith.shli %xor3A_913, %shift_left3A_916 : vector<384x128xi32>
    %shift_right_logical3A_918 = arith.constant 16 : i32
    %shift_right_logical3A_919 = vector.broadcast %shift_right_logical3A_918 : i32 to vector<384x128xi32>
    %shift_right_logical3A_920 = arith.shrui %xor3A_913, %shift_right_logical3A_919 : vector<384x128xi32>
    %or3A_921 = arith.ori %shift_left3A_917, %shift_right_logical3A_920 : vector<384x128xi32>
    %xor3A_922 = arith.xori %add3A_914, %or3A_921 : vector<384x128xi32>
    %add3A_923 = arith.addi %add3A_914, %xor3A_922 : vector<384x128xi32>
    %shift_left3A_924 = arith.constant 24 : i32
    %shift_left3A_925 = vector.broadcast %shift_left3A_924 : i32 to vector<384x128xi32>
    %shift_left3A_926 = arith.shli %xor3A_922, %shift_left3A_925 : vector<384x128xi32>
    %shift_right_logical3A_927 = arith.constant 8 : i32
    %shift_right_logical3A_928 = vector.broadcast %shift_right_logical3A_927 : i32 to vector<384x128xi32>
    %shift_right_logical3A_929 = arith.shrui %xor3A_922, %shift_right_logical3A_928 : vector<384x128xi32>
    %or3A_930 = arith.ori %shift_left3A_926, %shift_right_logical3A_929 : vector<384x128xi32>
    %xor3A_931 = arith.xori %add3A_923, %or3A_930 : vector<384x128xi32>
    %add3A_932 = vector.broadcast %get3A_538 : i32 to vector<384x128xi32>
    %add3A_933 = arith.addi %add3A_923, %add3A_932 : vector<384x128xi32>
    %add3A_934 = vector.broadcast %xor3A_763 : i32 to vector<384x128xi32>
    %add3A_935 = arith.addi %xor3A_931, %add3A_934 : vector<384x128xi32>
    %add3A_936 = arith.constant 4 : i32
    %add3A_937 = vector.broadcast %add3A_936 : i32 to vector<384x128xi32>
    %add3A_938 = arith.addi %add3A_935, %add3A_937 : vector<384x128xi32>
    %add3A_939 = arith.addi %add3A_933, %add3A_938 : vector<384x128xi32>
    %shift_left3A_940 = arith.constant 13 : i32
    %shift_left3A_941 = vector.broadcast %shift_left3A_940 : i32 to vector<384x128xi32>
    %shift_left3A_942 = arith.shli %add3A_938, %shift_left3A_941 : vector<384x128xi32>
    %shift_right_logical3A_943 = arith.constant 19 : i32
    %shift_right_logical3A_944 = vector.broadcast %shift_right_logical3A_943 : i32 to vector<384x128xi32>
    %shift_right_logical3A_945 = arith.shrui %add3A_938, %shift_right_logical3A_944 : vector<384x128xi32>
    %or3A_946 = arith.ori %shift_left3A_942, %shift_right_logical3A_945 : vector<384x128xi32>
    %xor3A_947 = arith.xori %add3A_939, %or3A_946 : vector<384x128xi32>
    %add3A_948 = arith.addi %add3A_939, %xor3A_947 : vector<384x128xi32>
    %shift_left3A_949 = arith.constant 15 : i32
    %shift_left3A_950 = vector.broadcast %shift_left3A_949 : i32 to vector<384x128xi32>
    %shift_left3A_951 = arith.shli %xor3A_947, %shift_left3A_950 : vector<384x128xi32>
    %shift_right_logical3A_952 = arith.constant 17 : i32
    %shift_right_logical3A_953 = vector.broadcast %shift_right_logical3A_952 : i32 to vector<384x128xi32>
    %shift_right_logical3A_954 = arith.shrui %xor3A_947, %shift_right_logical3A_953 : vector<384x128xi32>
    %or3A_955 = arith.ori %shift_left3A_951, %shift_right_logical3A_954 : vector<384x128xi32>
    %xor3A_956 = arith.xori %add3A_948, %or3A_955 : vector<384x128xi32>
    %add3A_957 = arith.addi %add3A_948, %xor3A_956 : vector<384x128xi32>
    %shift_left3A_958 = arith.constant 26 : i32
    %shift_left3A_959 = vector.broadcast %shift_left3A_958 : i32 to vector<384x128xi32>
    %shift_left3A_960 = arith.shli %xor3A_956, %shift_left3A_959 : vector<384x128xi32>
    %shift_right_logical3A_961 = arith.constant 6 : i32
    %shift_right_logical3A_962 = vector.broadcast %shift_right_logical3A_961 : i32 to vector<384x128xi32>
    %shift_right_logical3A_963 = arith.shrui %xor3A_956, %shift_right_logical3A_962 : vector<384x128xi32>
    %or3A_964 = arith.ori %shift_left3A_960, %shift_right_logical3A_963 : vector<384x128xi32>
    %xor3A_965 = arith.xori %add3A_957, %or3A_964 : vector<384x128xi32>
    %add3A_966 = arith.addi %add3A_957, %xor3A_965 : vector<384x128xi32>
    %shift_left3A_967 = arith.constant 6 : i32
    %shift_left3A_968 = vector.broadcast %shift_left3A_967 : i32 to vector<384x128xi32>
    %shift_left3A_969 = arith.shli %xor3A_965, %shift_left3A_968 : vector<384x128xi32>
    %shift_right_logical3A_970 = arith.constant 26 : i32
    %shift_right_logical3A_971 = vector.broadcast %shift_right_logical3A_970 : i32 to vector<384x128xi32>
    %shift_right_logical3A_972 = arith.shrui %xor3A_965, %shift_right_logical3A_971 : vector<384x128xi32>
    %or3A_973 = arith.ori %shift_left3A_969, %shift_right_logical3A_972 : vector<384x128xi32>
    %xor3A_974 = arith.xori %add3A_966, %or3A_973 : vector<384x128xi32>
    %add3A_975 = vector.broadcast %xor3A_763 : i32 to vector<384x128xi32>
    %add3A_976 = arith.addi %add3A_966, %add3A_975 : vector<384x128xi32>
    %add3A_977 = vector.broadcast %get3A_534 : i32 to vector<384x128xi32>
    %add3A_978 = arith.addi %xor3A_974, %add3A_977 : vector<384x128xi32>
    %add3A_979 = arith.constant 5 : i32
    %add3A_980 = vector.broadcast %add3A_979 : i32 to vector<384x128xi32>
    %add3A_981 = arith.addi %add3A_978, %add3A_980 : vector<384x128xi32>
    %xor3A_982 = arith.xori %add3A_976, %add3A_981 : vector<384x128xi32>
    %shift_right_logical3A_983 = arith.constant 16 : i32
    %shift_right_logical3A_984 = vector.broadcast %shift_right_logical3A_983 : i32 to vector<384x128xi32>
    %shift_right_logical3A_985 = arith.shrui %xor3A_760, %shift_right_logical3A_984 : vector<384x128xi32>
    %mul3A_986 = arith.constant 5536 : i32
    %mul3A_987 = vector.broadcast %mul3A_986 : i32 to vector<384x128xi32>
    %mul3A_988 = arith.muli %shift_right_logical3A_985, %mul3A_987 : vector<384x128xi32>
    %and3A_989 = arith.constant 65535 : i32
    %and3A_990 = vector.broadcast %and3A_989 : i32 to vector<384x128xi32>
    %and3A_991 = arith.andi %xor3A_760, %and3A_990 : vector<384x128xi32>
    %add3A_992 = arith.addi %mul3A_988, %and3A_991 : vector<384x128xi32>
    %bitcast_convert_type3A_993 = tpu.bitcast %add3A_992 : vector<384x128xi32> -> vector<384x128xi32>
    %convert_element_type3A_994 = arith.sitofp %bitcast_convert_type3A_993 : vector<384x128xi32> to vector<384x128xf32>
    %mul3A_995 = arith.constant 9.99999974E-5 : f32
    %mul3A_996 = vector.broadcast %mul3A_995 : f32 to vector<384x128xf32>
    %mul3A_997 = arith.mulf %convert_element_type3A_994, %mul3A_996 : vector<384x128xf32>
    %convert_element_type3A_998 = arith.fptosi %mul3A_997 : vector<384x128xf32> to vector<384x128xi32>
    %mul3A_999 = arith.constant 10000 : i32
    %mul3A_1000 = vector.broadcast %mul3A_999 : i32 to vector<384x128xi32>
    %mul3A_1001 = arith.muli %convert_element_type3A_998, %mul3A_1000 : vector<384x128xi32>
    %sub3A_1002 = arith.subi %bitcast_convert_type3A_993, %mul3A_1001 : vector<384x128xi32>
    %mul3A_1003 = arith.constant 7296 : i32
    %mul3A_1004 = vector.broadcast %mul3A_1003 : i32 to vector<384x128xi32>
    %mul3A_1005 = arith.muli %sub3A_1002, %mul3A_1004 : vector<384x128xi32>
    %shift_right_logical3A_1006 = arith.constant 16 : i32
    %shift_right_logical3A_1007 = vector.broadcast %shift_right_logical3A_1006 : i32 to vector<384x128xi32>
    %shift_right_logical3A_1008 = arith.shrui %xor3A_982, %shift_right_logical3A_1007 : vector<384x128xi32>
    %mul3A_1009 = arith.constant 5536 : i32
    %mul3A_1010 = vector.broadcast %mul3A_1009 : i32 to vector<384x128xi32>
    %mul3A_1011 = arith.muli %shift_right_logical3A_1008, %mul3A_1010 : vector<384x128xi32>
    %and3A_1012 = arith.constant 65535 : i32
    %and3A_1013 = vector.broadcast %and3A_1012 : i32 to vector<384x128xi32>
    %and3A_1014 = arith.andi %xor3A_982, %and3A_1013 : vector<384x128xi32>
    %add3A_1015 = arith.addi %mul3A_1011, %and3A_1014 : vector<384x128xi32>
    %bitcast_convert_type3A_1016 = tpu.bitcast %add3A_1015 : vector<384x128xi32> -> vector<384x128xi32>
    %convert_element_type3A_1017 = arith.sitofp %bitcast_convert_type3A_1016 : vector<384x128xi32> to vector<384x128xf32>
    %mul3A_1018 = arith.constant 9.99999974E-5 : f32
    %mul3A_1019 = vector.broadcast %mul3A_1018 : f32 to vector<384x128xf32>
    %mul3A_1020 = arith.mulf %convert_element_type3A_1017, %mul3A_1019 : vector<384x128xf32>
    %convert_element_type3A_1021 = arith.fptosi %mul3A_1020 : vector<384x128xf32> to vector<384x128xi32>
    %mul3A_1022 = arith.constant 10000 : i32
    %mul3A_1023 = vector.broadcast %mul3A_1022 : i32 to vector<384x128xi32>
    %mul3A_1024 = arith.muli %convert_element_type3A_1021, %mul3A_1023 : vector<384x128xi32>
    %sub3A_1025 = arith.subi %bitcast_convert_type3A_1016, %mul3A_1024 : vector<384x128xi32>
    %add3A_1026 = arith.addi %mul3A_1005, %sub3A_1025 : vector<384x128xi32>
    %add3A_1027 = arith.constant 330000 : i32
    %add3A_1028 = vector.broadcast %add3A_1027 : i32 to vector<384x128xi32>
    %add3A_1029 = arith.addi %add3A_1026, %add3A_1028 : vector<384x128xi32>
    %convert_element_type3A_1030 = arith.sitofp %add3A_1029 : vector<384x128xi32> to vector<384x128xf32>
    %mul3A_1031 = arith.constant 9.99999974E-5 : f32
    %mul3A_1032 = vector.broadcast %mul3A_1031 : f32 to vector<384x128xf32>
    %mul3A_1033 = arith.mulf %convert_element_type3A_1030, %mul3A_1032 : vector<384x128xf32>
    %add3A_1034 = arith.constant 5.000000e-01 : f32
    %add3A_1035 = vector.broadcast %add3A_1034 : f32 to vector<384x128xf32>
    %add3A_1036 = arith.addf %mul3A_1033, %add3A_1035 : vector<384x128xf32>
    %convert_element_type3A_1037 = arith.fptosi %add3A_1036 : vector<384x128xf32> to vector<384x128xi32>
    %mul3A_1038 = arith.constant 10000 : i32
    %mul3A_1039 = vector.broadcast %mul3A_1038 : i32 to vector<384x128xi32>
    %mul3A_1040 = arith.muli %convert_element_type3A_1037, %mul3A_1039 : vector<384x128xi32>
    %sub3A_1041 = arith.subi %add3A_1029, %mul3A_1040 : vector<384x128xi32>
    %lt3A_1042 = arith.constant 0 : i32
    %lt3A_1043 = vector.broadcast %lt3A_1042 : i32 to vector<384x128xi32>
    %lt3A_1044 = arith.cmpi slt, %sub3A_1041, %lt3A_1043 : vector<384x128xi32>
    %add3A_1045 = arith.constant 10000 : i32
    %add3A_1046 = vector.broadcast %add3A_1045 : i32 to vector<384x128xi32>
    %add3A_1047 = arith.addi %sub3A_1041, %add3A_1046 : vector<384x128xi32>
    %select_n3A_1048 = arith.select %lt3A_1044, %add3A_1047, %sub3A_1041 : vector<384x128xi1>, vector<384x128xi32>
    %swap3A_1049 = arith.constant 1 : index
    %swap3A_1050 = arith.constant 0 : index
    %swap3A_1051 = arith.constant 0 : index
    %swap3A_1052 = vector.load %arg2[%swap3A_1049, %swap3A_1050, %swap3A_1051] : memref<2x384x128xi32, #tpu.memory_space<vmem>>, vector<1x384x128xi32>
    %swap3A_1053 = vector.shape_cast %swap3A_1052 : vector<1x384x128xi32> to vector<384x128xi32>
    %swap3A_1054 = vector.shape_cast %select_n3A_1048 : vector<384x128xi32> to vector<1x384x128xi32>
    tpu.vector_store %arg2[%swap3A_1049, %swap3A_1050, %swap3A_1051], %swap3A_1054 {strides = array<i32>} : memref<2x384x128xi32, #tpu.memory_space<vmem>>, vector<1x384x128xi32>,
    return
  }
  func.func @transform_0(%arg0: i32) -> (i32, i32, i32) {
    %c0_i32 = arith.constant 0 : i32
    %c0_i32_0 = arith.constant 0 : i32
    %c0_i32_1 = arith.constant 0 : i32
    return %arg0, %c0_i32, %c0_i32_0 : i32, i32, i32
  }
  func.func @transform_1(%arg0: i32) -> (i32, i32, i32) {
    %c0_i32 = arith.constant 0 : i32
    %c0_i32_0 = arith.constant 0 : i32
    %c0_i32_1 = arith.constant 0 : i32
    return %arg0, %c0_i32, %c0_i32_0 : i32, i32, i32
  }
}

</mosaic_0001>

<sc_bundles>
// kernel: _run.5.cloned.1.call-start
scs
__scs_entry_jumppad:
0x0: {  	(pc) =	sbr.rel $0x88, $3  }
0x1: {  	(tag) =	ssettag $0x0;
	lr =	simm.s32 $0x1  }
0x2: {  	[smem:$0x3F9D] =	sst lr;
	_ =	strace $0xD0000000  }
0x3: {  	_ = 	snop  }
0x4: {  	_ = 	snop  }
0x5: {  	_ = 	snop  }
0x6: {  	_ = 	snop  }
0x7: {  	_ = 	snop  }
__scs_overlays_trampoline_lowered:
0x8: {  	[smem:$0x3FAC] =	sst s0  }
0x9: {  	[smem:$0x3FAD] =	sst s1  }
0xa: {  	[smem:$0x3FAE] =	sst s2  }
0xb: {  	[smem:$0x3FAF] =	sst s3  }
0xc: {  	[smem:$0x3FB0] =	sst s4  }
0xd: {  	[smem:$0x3FB1] =	sst s5  }
0xe: {  	[smem:$0x3FB2] =	sst s6  }
0xf: {  	[smem:$0x3FB3] =	sst s7  }
0x10: {  	[smem:$0x3FB4] =	sst s8  }
0x11: {  	[smem:$0x3FB5] =	sst s9;
	s0 =	simm.s32 @!p0 $0x0  }
0x12: {  	s1 =	sld [smem:$0x3F9B];
	s0 =	simm.s32 @p0 $0x1  }
0x13: {  	[smem:$0x3FB6] =	sst s0;
	s0 =	simm.s32 @!p1 $0x0  }
0x14: {  	s2 =	sld [smem:$0x3F9A];
	s0 =	simm.s32 @p1 $0x1  }
0x15: {  	[smem:$0x3FB7] =	sst s0;
	s0 =	simm.s32 @!p2 $0x0  }
0x16: {  	s3 =	sld [smem:$0x3FDB];
	s0 =	simm.s32 @p2 $0x1  }
0x17: {  	s4 =	simm.s32 $0x1BF5;
	[smem:$0x3FB9] =	sst s0  }
0x18: {  	s0 =	sld [smem:$0x3F9C];
	_ =	swait.ge [sflag:s4], $0x0  }
0x19: {  	s7 =	sld [smem:$0x3F9D]  }
0x1a: {  	s8 =	sadd.s32 $0xFFFFE003, lr  }
0x1b: {  	s9 =	sadd.s32 $0xFFFFFEF7, lr;
	s5 =	simm.s32 $0xFFFFFFFF;
	p2 =	slt.u32 s8, $0xFFFFF086  }
0x1c: {  	p1 =	slt.u32 s9, $0xF7A;
	s5 =	simm.s32 @!p2 $0x0  }
0x1d: {  	s5 =	simm.s32 @p1 $0x1;
	p0 =	seq.s32 s7, s2  }
0x1e: {  	s7 =	smul.u32 @!p0 $0xF7A, s2;
	p2 =	seq.s32 @!p0 s5, $0x0  }
0x1f: {  	s9 =	smul.u32 $0xF7A, s1;
	s8 =	simm.s32 @!p0 $0x1BF5;
	p2 =	por !p2, p0  }
0x20: {  	[sflag:s8] =	ssyncset.s32 @!p0 $0xFFFFF086;
	s6 =	sadd.s32 @!p0 s3, s7;
	s7 =	simm.s32 @!p0 $0x108  }
0x21: {  	s3 =	sadd.s32 s3, s9;
	s6 =	sadd.s32 @!p0 $0x88, s6;
	s7 =	simm.s32 @p2 $0x1082  }
0x22: {  	[simem:s7], [sflag:s8] =	dma.local @!p0 [hbm:s6], $0xF7A  }
0x23: {  	s9 =	sor.u32 $0xD0000000, s2;
	s6 =	simm.s32 $0x108;
	_ =	swait.ge @!p0 [sflag:s8], $0x0  }
0x24: {  	s3 =	sadd.s32 $0x88, s3;
	s6 =	simm.s32 @!p1 $0x1082;
	[sflag:s4] =	ssyncset.s32 $0xFFFFF086  }
0x25: {  	[simem:s6], [sflag:s4] =	dma.local [hbm:s3], $0xF7A  }
0x26: {  	[smem:$0x3F9D] =	sst s1;
	(tag) =	ssettag s2;
	_ =	strace s9  }
0x27: {  	s1 =	sld [smem:$0x3FAD]  }
0x28: {  	s2 =	sld [smem:$0x3FAE]  }
0x29: {  	s4 =	sld [smem:$0x3FB0]  }
0x2a: {  	p0 =	seq.s32 s5, $0x0;
	s5 =	sld [smem:$0x3FB1]  }
0x2b: {  	s6 =	sld [smem:$0x3FB2]  }
0x2c: {  	s7 =	sld [smem:$0x3FB3]  }
0x2d: {  	s3 =	simm.s32 $0x108;
	s8 =	sld [smem:$0x3FB4]  }
0x2e: {  	s3 =	simm.s32 @!p0 $0x1082;
	s9 =	sld [smem:$0x3FB5]  }
0x2f: {  	lr =	sadd.s32 s0, s3;
	s0 =	sld [smem:$0x3FAC]  }
0x30: {  	s3 =	sld [smem:$0x3FAF]  }
0x31: {  	[smem:$0x3FB8] =	sst s10  }
0x32: {  	s10 =	sld [smem:$0x3FB6];
	_ =	sdelay $0x3  }
0x33: {  	p0 =	seq.s32 s10, $0x1;
	s10 =	sld [smem:$0x3FB8];
	_ =	sdelay $0x3  }
0x34: {  	[smem:$0x3FB8] =	sst s10  }
0x35: {  	s10 =	sld [smem:$0x3FB7];
	_ =	sdelay $0x3  }
0x36: {  	p1 =	seq.s32 s10, $0x1;
	s10 =	sld [smem:$0x3FB8];
	_ =	sdelay $0x3  }
0x37: {  	[smem:$0x3FB8] =	sst s10  }
0x38: {  	s10 =	sld [smem:$0x3FB9]  }
0x39: {  	_ = 	snop;
	(pc) =	sbr.ind lr, $3  }
0x3a: {  	_ = 	snop  }
0x3b: {  	_ = 	snop  }
0x3c: {  	p2 =	seq.s32 s10, $0x1;
	s10 =	sld [smem:$0x3FB8]  }
0x3d: {  	_ =	shalt  }
0x3e: {  	_ =	shalt  }
0x3f: {  	_ =	shalt  }
0x40: {  	_ =	shalt  }
0x41: {  	_ =	shalt  }
0x42: {  	_ =	shalt  }
0x43: {  	_ =	shalt  }
0x44: {  	_ =	shalt  }
0x45: {  	_ =	shalt  }
0x46: {  	_ =	shalt  }
0x47: {  	_ =	shalt  }
0x48: {  	_ =	shalt  }
0x49: {  	_ =	shalt  }
0x4a: {  	_ =	shalt  }
0x4b: {  	_ =	shalt  }
0x4c: {  	_ =	shalt  }
0x4d: {  	_ =	shalt  }
0x4e: {  	_ =	shalt  }
0x4f: {  	_ =	shalt  }
0x50: {  	_ =	shalt  }
0x51: {  	_ =	shalt  }
0x52: {  	_ =	shalt  }
0x53: {  	_ =	shalt  }
0x54: {  	_ =	shalt  }
0x55: {  	_ =	shalt  }
0x56: {  	_ =	shalt  }
0x57: {  	_ =	shalt  }
0x58: {  	_ =	shalt  }
0x59: {  	_ =	shalt  }
0x5a: {  	_ =	shalt  }
0x5b: {  	_ =	shalt  }
0x5c: {  	_ =	shalt  }
0x5d: {  	_ =	shalt  }
0x5e: {  	_ =	shalt  }
0x5f: {  	_ =	shalt  }
0x60: {  	_ =	shalt  }
0x61: {  	_ =	shalt  }
0x62: {  	_ =	shalt  }
0x63: {  	_ =	shalt  }
0x64: {  	_ =	shalt  }
0x65: {  	_ =	shalt  }
0x66: {  	_ =	shalt  }
0x67: {  	_ =	shalt  }
0x68: {  	_ =	shalt  }
0x69: {  	_ =	shalt  }
0x6a: {  	_ =	shalt  }
0x6b: {  	_ =	shalt  }
0x6c: {  	_ =	shalt  }
0x6d: {  	_ =	shalt  }
0x6e: {  	_ =	shalt  }
0x6f: {  	_ =	shalt  }
0x70: {  	_ =	shalt  }
0x71: {  	_ =	shalt  }
0x72: {  	_ =	shalt  }
0x73: {  	_ =	shalt  }
0x74: {  	_ =	shalt  }
0x75: {  	_ =	shalt  }
0x76: {  	_ =	shalt  }
0x77: {  	_ =	shalt  }
0x78: {  	_ =	shalt  }
0x79: {  	_ =	shalt  }
0x7a: {  	_ =	shalt  }
0x7b: {  	_ =	shalt  }
0x7c: {  	_ =	shalt  }
0x7d: {  	_ =	shalt  }
0x7e: {  	_ =	shalt  }
0x7f: {  	_ =	shalt  }
0x80: {  	_ =	shalt  }
0x81: {  	_ =	shalt  }
0x82: {  	_ =	shalt  }
0x83: {  	_ =	shalt  }
0x84: {  	_ =	shalt  }
0x85: {  	_ =	shalt  }
0x86: {  	_ =	shalt  }
0x87: {  	_ =	shalt  }
.Lfunc_end0:
.L_simem_size_0:
called_computation_lowered:
.L_overlay_start_0:
0x88: {  	s2 =	sld [smem:$0x3FD9]  }
0x89: {  	s3 =	sld [smem:$0x3FFE];
	_ =	sdelay $0x1  }
0x8a: {  	s1 =	srdreg.scid  }
0x8b: {  	s0 =	sand.u32 $0x1, s1  }
0x8c: {  	s17 =	sshll.u32 s0, $0xA;
	s2 =	sadd.s32 s3, s2  }
0x8d: {  	s2 =	sadd.s32 s2, s17  }
0x8e: {  	[smem:$0x3FC4] =	sst s2  }
0x8f: {  	_ = 	snop  }
0x90: {  	s2 =	sld [smem:$0x3FC9]  }
0x91: {  	s18 =	sld [smem:$0x3FC8]  }
0x92: {  	s4 =	sld [smem:$0x3FC7];
	(tm) =	ssettm $0x1  }
0x93: {  	s5 =	sld [smem:$0x3FFB];
	_ =	sdelay $0x3  }
0x94: {  	_ =	strace s5  }
0x95: {  	s5 =	sld [smem:$0x3FFC];
	_ =	sdelay $0x3  }
0x96: {  	_ =	strace s5  }
0x97: {  	s5 =	sld [smem:$0x3FFD];
	_ =	sdelay $0x3  }
0x98: {  	_ =	strace s5  }
0x99: {  	_ =	strace $0x8FFFFFFF  }
0x9a: {  	s19 =	sld [smem:$0x3FDB];
	_ =	sdelay $0x1  }
0x9b: {  	s6 =	simm.s32 $_scs_section_size  }
0x9c: {  	s7 =	simm.s32 $_size__tile_overlayer_lowered;
	s8 =	simm.s32 $_tile_overlayer_lowered  }
0x9d: {  	s22 =	simm.s32 $0x1BFF;
	s21 =	sshll.u32 s8, $0x1;
	s5 =	sadd.s32 s6, s19  }
0x9e: {  	s9 =	simm.s32 $0x0;
	s20 =	sshll.u32 s7, $0x1;
	s7 =	sadd.s32 s21, s5  }
0x9f: {  	[timem:s9], [sflag:s22] =	dma.local [hbm:s7], s20  }
0xa0: {  	_ =	swait.ge [sflag:s22], s20  }
0xa1: {  	s6 =	ssub.s32 $0x0, s20;
	[sflag:s22] =	ssyncset.done $0x0  }
0xa2: {  	[sflag:s22] =	ssyncadd.s32 s6;
	_ =	sdelay $0x1  }
0xa3: {  	s23 =	simm.s32 $0x1B8B  }
0xa4: {  	_ =	swait.ge [sflag:s23], $0x1  }
0xa5: {  	[sflag:s23] =	ssyncset.done $0x0  }
0xa6: {  	s25 =	simm.s32 $0x1B8E;
	s24 =	sld [smem:$0x3FFE];
	[sflag:s23] =	ssyncadd.s32 $0xFFFFFFFF  }
0xa7: {  	s26 =	simm.s32 $execute0_lowered;
	[smem:$0x3FD2] =	sst s25  }
0xa8: {  	s7 =	sshll.u32 s26, $0x1;
	_ =	strace $0x80000046;
	[dreg:$0x1] =	wrdreg $0xFFFFFFFF  }
0xa9: {  	s28 =	simm.s32 $_size_execute0_lowered;
	s5 =	sadd.s32 s5, s7;
	[dreg:$0x0] =	wrdreg $0x0  }
0xaa: {  	s7 =	sshll.u32 s28, $0x1;
	[dreg:$0x2] =	wrdreg s5  }
0xab: {  	[dreg:$0x3] =	wrdreg s7  }
0xac: {  	[dreg:$0x4] =	wrdreg $0xC0  }
0xad: {  	_ =	task [dreg:s9], $0x5FFFF  }
0xae: {  	[dreg:$0x1] =	wrdreg $0xFFFFFFFF  }
0xaf: {  	[dreg:$0x0] =	wrdreg $0x60  }
0xb0: {  	[dreg:$0x2] =	wrdreg s2  }
0xb1: {  	[dreg:$0x3] =	wrdreg s18  }
0xb2: {  	[dreg:$0x4] =	wrdreg s4  }
0xb3: {  	[dreg:$0x5] =	wrdreg s24  }
0xb4: {  	[dreg:$0x6] =	wrdreg $0x9  }
0xb5: {  	_ =	task.clear_ibuf [dreg:s9], $0x7FFFF;
	_ =	strace $0x90000046  }
0xb6: {  	s29 =	simm.s32 $0x9;
	_ =	strace $0x80000048  }
0xb7: {  	_ =	swait.ge [sflag:s29], $0x1  }
0xb8: {  	[sflag:s29] =	ssyncadd.s32 $0xFFFFFFFF  }
0xb9: {  	_ =	strace $0x90000048  }
0xba: {  	_ =	sfence  }
0xbb: {  	s30 =	sld [smem:$0x0];
	_ =	sdelay $0x2  }
0xbc: {  	s31 =	sshll.u32 s1, $0xD;
	s1 =	sshrl.u32 s1, $0x2  }
0xbd: {  	s3 =	sand.u32 $0x4000, s31;
	s1 =	sadd.s32 s1, s30  }
0xbe: {  	s0 =	sor.u32 s3, s0;
	s1 =	sshll.u32 s1, $0x11  }
0xbf: {  	s0 =	sor.u32 s1, s0  }
0xc0: {  	s0 =	sadd.s32 $0x8F2B, s0  }
0xc1: {  	[sflag:s0] =	ssyncadd.remote.s32 $0x1  }
0xc2: {  	_ =	sfence.sel $0xFFFF  }
0xc3: {  	[dreg:$0x0] =	wrdreg $0xFFFFFFFF;
	(pc) =	sbr.abs _section_cstart, $3  }
0xc4: {  	[dreg:$0x1] =	wrdreg $0xFFFFFFFF  }
0xc5: {  	_ =	task.clear_ibuf [dreg:s9], $0x2FFFF;
	_ =	strace $0x9FFFFFFF  }
0xc6: {  	(tm) =	ssettm $0x7FFFFFFF  }
0xc7: {  	_ =	shalt  }
tec
execute0_lowered:
.L_overlay_start_1:
0x0: {  	(tag) =	ssettag $0x1  }
0x1: {  	s5 =	rddreg [dreg:$0x0]  }
0x2: {  	s3 =	rddreg [dreg:$0x1]  }
0x3: {  	s0 =	stileid.u32;
	s4 =	rddreg [dreg:$0x2]  }
0x4: {  	s1 =	srdreg.scid;
	s8 =	rddreg [dreg:$0x3];
	s13 =	simm.s32 $0x400  }
0x5: {  	s14 =	simm.s32 $0x3900;
	s15 =	simm.s32 $0x0;
	s2 =	sshll.u32 s0, $0x1  }
0x6: {  	s6 =	sand.u32 $0x1, s1;
	s7 =	sshrl.u32 s0, $0x2;
	s1 =	rddreg [dreg:$0x4]  }
0x7: {  	s11 =	sand.u32 $0x3, s0;
	s29 =	sand.u32 $0x6, s2;
	s10 =	smul.u32 $0xC000, s7  }
0x8: {  	s2 =	simm.s32 $0x0;
	s30 =	ssub.s32 $0x2, s6;
	s11 =	smul.u32 $0x3000, s11  }
0x9: {  	s7 =	sshll.u32 s7, $0x4;
	s31 =	smul.u32 $0x1800, s6;
	s9 =	sor.u32 s6, s29  }
0xa: {  	[smem:$0x7FF] =	sst s2;
	s12 =	sshrl.u32 s30, $0x1;
	s3 =	sadd.s32 s3, s7  }
0xb: {  	s4 =	sadd.s32 s4, s7;
	s9 =	sshll.u32 s9, $0x7;
	_ =	strace $0x80000047  }
0xc: {  	s9 =	sor.u32 s10, s9;
	s10 =	ssub.s32 s30, s12;
	s12 =	simm.s32 $0x2780  }
0xd: {  	s9 =	sshrl.u32 s9, $0x3;
	s7 =	smax.u32 s10, $0x1;
	s10 =	simm.s32 $0x200  }
0xe: {  	s8 =	sadd.s32 s9, s8;
	s5 =	sadd.s32 s5, s9;
	s9 =	simm.s32 $0x80  }
0xf: {  	v0 =	vlaneseq.u32;
	s6 =	sadd.s32 $0x800, s8;
	s8 =	sadd.s32 s31, s11;
	s11 =	simm.s32 $0x1  }
.LBB2_1:
0x10: {  	[tilespmem:s2], [sflag:$0x1] =	stream.strided.gather [hbm4b:s3+s9], $0x2780, s10, s9, $0x38;
	[tilespmem:$0x5100] =	vst v63  }
0x11: {  	_ =	swait.ge [sflag:s11], $0x2780  }
0x12: {  	[sflag:s11] =	ssyncset.done $0x0  }
0x13: {  	[sflag:s11] =	ssyncadd.s32 $0xFFFFD880  }
0x14: {  	[tilespmem:s12], [sflag:$0x1] =	stream.strided.gather [hbm4b:s4+s9], $0x1180, s10, s9, $0x38;
	[tilespmem:$0x5100] =	vst v63  }
0x15: {  	_ =	swait.ge [sflag:s11], $0x1180  }
0x16: {  	[sflag:s11] =	ssyncset.done $0x0  }
0x17: {  	[sflag:s11] =	ssyncadd.s32 $0xFFFFEE80  }
0x18: {  	[tilespmem:s14], [sflag:$0x1] =	stream.strided.gather [hbm4b:s5+s9], $0x1800, s13, s9, $0x38;
	[tilespmem:$0x5100] =	vst v63  }
0x19: {  	_ =	swait.ge [sflag:s11], $0x1800  }
0x1a: {  	[sflag:s11] =	ssyncset.done $0x0  }
0x1b: {  	s16 =	simm.s32 $0x0;
	[sflag:s11] =	ssyncadd.s32 $0xFFFFE800  }
.LBB2_2:
0x1c: {  	s17 =	sshll.u32 s16, $0x6  }
0x1d: {  	s17 =	sand.u32 $0x3FFFFFC0, s17  }
0x1e: {  	v8 =	vld [tilespmem:s17+$0x2780]  }
0x1f: {  	v4 =	vld [tilespmem:s17+$0x2790]  }
0x20: {  	v9 =	vld [tilespmem:s17+$0x27A0]  }
0x21: {  	v5 =	vld [tilespmem:s17+$0x27B0];
	_ =	sdelay $0x2  }
0x22: {  	v7 =	vor.u32 s8, v0  }
0x23: {  	v1 =	vxor.u32 v4, v8;
	v12 =	vadd.s32 $0x2, v8;
	v10 =	vadd.s32 $0x3, v4  }
0x24: {  	v2 =	vxor.u32 v5, v9;
	v3 =	vadd.s32 $0x5, v8;
	v11 =	vadd.s32 v5, v7  }
0x25: {  	v7 =	vadd.s32 v4, v7;
	v1 =	vxor.u32 $0x1BD11BDA, v1;
	v2 =	vxor.u32 $0x1BD11BDA, v2  }
0x26: {  	v13 =	vadd.s32 v9, v11;
	v14 =	vshrl.u32 v11, $0x13;
	v11 =	vshll.u32 v11, $0xD  }
0x27: {  	v17 =	vshrl.u32 v7, $0x13;
	v18 =	vshll.u32 v7, $0xD;
	v7 =	vadd.s32 v8, v7  }
0x28: {  	v15 =	vadd.s32 $0x1, v1;
	v6 =	vadd.s32 $0x4, v1;
	v11 =	vor.u32 v14, v11  }
0x29: {  	v16 =	vadd.s32 $0x1, v2;
	v14 =	vor.u32 v17, v18;
	v11 =	vxor.u32 v11, v13  }
0x2a: {  	v14 =	vxor.u32 v14, v7;
	v13 =	vadd.s32 v13, v11;
	v17 =	vshrl.u32 v11, $0x11  }
0x2b: {  	v11 =	vshll.u32 v11, $0xF;
	v18 =	vshrl.u32 v14, $0x11;
	v19 =	vshll.u32 v14, $0xF  }
0x2c: {  	v7 =	vadd.s32 v7, v14;
	v18 =	vor.u32 v18, v19;
	v11 =	vor.u32 v17, v11  }
0x2d: {  	v14 =	vadd.s32 $0x2, v9;
	v17 =	vxor.u32 v18, v7;
	v11 =	vxor.u32 v11, v13  }
0x2e: {  	v13 =	vadd.s32 v13, v11;
	v18 =	vshrl.u32 v11, $0x6;
	v11 =	vshll.u32 v11, $0x1A  }
0x2f: {  	v19 =	vshrl.u32 v17, $0x6;
	v20 =	vshll.u32 v17, $0x1A;
	v11 =	vor.u32 v18, v11  }
0x30: {  	v7 =	vadd.s32 v7, v17;
	v17 =	vor.u32 v19, v20;
	v11 =	vxor.u32 v11, v13  }
0x31: {  	v17 =	vxor.u32 v17, v7;
	v18 =	vadd.s32 v13, v11;
	v13 =	vshrl.u32 v11, $0x1A  }
0x32: {  	v19 =	vshrl.u32 v17, $0x1A;
	v20 =	vshll.u32 v17, $0x6;
	v11 =	vshll.u32 v11, $0x6  }
0x33: {  	v7 =	vadd.s32 v7, v17;
	v17 =	vor.u32 v19, v20;
	v11 =	vor.u32 v13, v11  }
0x34: {  	v13 =	vadd.s32 $0x3, v5;
	v17 =	vxor.u32 v17, v7;
	v11 =	vxor.u32 v11, v18  }
0x35: {  	v18 =	vadd.s32 v5, v18;
	v7 =	vadd.s32 v4, v7;
	v11 =	vadd.s32 v11, v16  }
0x36: {  	v17 =	vadd.s32 v17, v15;
	v18 =	vadd.s32 v11, v18;
	v19 =	vshrl.u32 v11, $0xF  }
0x37: {  	v11 =	vshll.u32 v11, $0x11;
	v20 =	vshrl.u32 v17, $0xF;
	v21 =	vshll.u32 v17, $0x11  }
0x38: {  	v17 =	vadd.s32 v17, v7;
	v19 =	vor.u32 v19, v11;
	v7 =	vor.u32 v20, v21  }
0x39: {  	v11 =	vadd.s32 $0x4, v2;
	v19 =	vxor.u32 v19, v18;
	v20 =	vxor.u32 v7, v17  }
0x3a: {  	v7 =	vadd.s32 $0x5, v9;
	v18 =	vadd.s32 v18, v19;
	v21 =	vshrl.u32 v20, $0x3  }
0x3b: {  	v22 =	vshrl.u32 v19, $0x3;
	v19 =	vshll.u32 v19, $0x1D;
	v23 =	vshll.u32 v20, $0x1D  }
0x3c: {  	s19 =	sadd.s32 $0x10, s8;
	v17 =	vadd.s32 v17, v20;
	v20 =	vor.u32 v21, v23;
	v19 =	vor.u32 v22, v19  }
0x3d: {  	v21 =	vor.u32 s19, v0;
	v20 =	vxor.u32 v20, v17;
	v19 =	vxor.u32 v19, v18  }
0x3e: {  	v18 =	vadd.s32 v18, v19;
	v22 =	vshrl.u32 v19, $0x10;
	v19 =	vshll.u32 v19, $0x10  }
0x3f: {  	v23 =	vshrl.u32 v20, $0x10;
	v24 =	vshll.u32 v20, $0x10;
	v19 =	vor.u32 v22, v19  }
0x40: {  	v17 =	vadd.s32 v17, v20;
	v20 =	vor.u32 v23, v24;
	v19 =	vxor.u32 v19, v18  }
0x41: {  	v20 =	vxor.u32 v20, v17;
	v18 =	vadd.s32 v18, v19;
	v22 =	vshrl.u32 v19, $0x8  }
0x42: {  	v23 =	vshrl.u32 v20, $0x8;
	v34 =	vshll.u32 v20, $0x18;
	v19 =	vshll.u32 v19, $0x18  }
0x43: {  	v17 =	vadd.s32 v17, v20;
	v20 =	vor.u32 v23, v34;
	v19 =	vor.u32 v22, v19  }
0x44: {  	v20 =	vxor.u32 v20, v17;
	v19 =	vxor.u32 v19, v18;
	v18 =	vadd.s32 v2, v18  }
0x45: {  	v17 =	vadd.s32 v1, v17;
	v20 =	vadd.s32 v20, v12;
	v19 =	vadd.s32 v19, v14  }
0x46: {  	v18 =	vadd.s32 v19, v18;
	v22 =	vshrl.u32 v19, $0x13;
	v19 =	vshll.u32 v19, $0xD  }
0x47: {  	v23 =	vshrl.u32 v20, $0x13;
	v35 =	vshll.u32 v20, $0xD;
	v19 =	vor.u32 v22, v19  }
0x48: {  	v17 =	vadd.s32 v20, v17;
	v20 =	vor.u32 v23, v35;
	v19 =	vxor.u32 v19, v18  }
0x49: {  	v20 =	vxor.u32 v20, v17;
	v18 =	vadd.s32 v18, v19;
	v22 =	vshrl.u32 v19, $0x11  }
0x4a: {  	v23 =	vshrl.u32 v20, $0x11;
	v36 =	vshll.u32 v20, $0xF;
	v19 =	vshll.u32 v19, $0xF  }
0x4b: {  	v17 =	vadd.s32 v17, v20;
	v20 =	vor.u32 v23, v36;
	v19 =	vor.u32 v22, v19  }
0x4c: {  	v22 =	vadd.s32 v5, v21;
	v20 =	vxor.u32 v20, v17;
	v19 =	vxor.u32 v19, v18  }
0x4d: {  	v18 =	vadd.s32 v18, v19;
	v23 =	vshrl.u32 v19, $0x6;
	v19 =	vshll.u32 v19, $0x1A  }
0x4e: {  	v37 =	vshrl.u32 v20, $0x6;
	v25 =	vshll.u32 v20, $0x1A;
	v19 =	vor.u32 v23, v19  }
0x4f: {  	v17 =	vadd.s32 v17, v20;
	v20 =	vor.u32 v37, v25;
	v19 =	vxor.u32 v19, v18  }
0x50: {  	v20 =	vxor.u32 v20, v17;
	v18 =	vadd.s32 v18, v19;
	v23 =	vshrl.u32 v19, $0x1A  }
0x51: {  	v38 =	vshrl.u32 v20, $0x1A;
	v39 =	vshll.u32 v20, $0x6;
	v19 =	vshll.u32 v19, $0x6  }
0x52: {  	v17 =	vadd.s32 v17, v20;
	v20 =	vor.u32 v38, v39;
	v19 =	vor.u32 v23, v19  }
0x53: {  	v20 =	vxor.u32 v20, v17;
	v19 =	vxor.u32 v19, v18;
	v18 =	vadd.s32 v9, v18  }
0x54: {  	v17 =	vadd.s32 v8, v17;
	v20 =	vadd.s32 v20, v10;
	v19 =	vadd.s32 v19, v13  }
0x55: {  	v18 =	vadd.s32 v19, v18;
	v23 =	vshrl.u32 v19, $0xF;
	v19 =	vshll.u32 v19, $0x11  }
0x56: {  	v40 =	vshrl.u32 v20, $0xF;
	v41 =	vshll.u32 v20, $0x11;
	v19 =	vor.u32 v23, v19  }
0x57: {  	v17 =	vadd.s32 v20, v17;
	v20 =	vor.u32 v40, v41;
	v19 =	vxor.u32 v19, v18  }
0x58: {  	v20 =	vxor.u32 v20, v17;
	v18 =	vadd.s32 v18, v19;
	v23 =	vshrl.u32 v19, $0x3  }
0x59: {  	v42 =	vshrl.u32 v20, $0x3;
	v43 =	vshll.u32 v20, $0x1D;
	v19 =	vshll.u32 v19, $0x1D  }
0x5a: {  	v17 =	vadd.s32 v17, v20;
	v20 =	vor.u32 v42, v43;
	v19 =	vor.u32 v23, v19  }
0x5b: {  	v21 =	vadd.s32 v4, v21;
	v20 =	vxor.u32 v20, v17;
	v19 =	vxor.u32 v19, v18  }
0x5c: {  	v18 =	vadd.s32 v18, v19;
	v23 =	vshrl.u32 v19, $0x10;
	v19 =	vshll.u32 v19, $0x10  }
0x5d: {  	v44 =	vshrl.u32 v20, $0x10;
	v45 =	vshll.u32 v20, $0x10;
	v19 =	vor.u32 v23, v19  }
0x5e: {  	v17 =	vadd.s32 v17, v20;
	v20 =	vor.u32 v44, v45;
	v19 =	vxor.u32 v19, v18  }
0x5f: {  	v20 =	vxor.u32 v20, v17;
	v18 =	vadd.s32 v18, v19;
	v23 =	vshrl.u32 v19, $0x8  }
0x60: {  	v46 =	vshrl.u32 v20, $0x8;
	v47 =	vshll.u32 v20, $0x18;
	v19 =	vshll.u32 v19, $0x18  }
0x61: {  	v17 =	vadd.s32 v17, v20;
	v20 =	vor.u32 v46, v47;
	v19 =	vor.u32 v23, v19  }
0x62: {  	v20 =	vxor.u32 v20, v17;
	v19 =	vxor.u32 v19, v18;
	v18 =	vadd.s32 v5, v18  }
0x63: {  	v17 =	vadd.s32 v4, v17;
	v20 =	vadd.s32 v20, v6;
	v19 =	vadd.s32 v19, v11  }
0x64: {  	v18 =	vadd.s32 v19, v18;
	v23 =	vshrl.u32 v19, $0x13;
	v19 =	vshll.u32 v19, $0xD  }
0x65: {  	v48 =	vshrl.u32 v20, $0x13;
	v49 =	vshll.u32 v20, $0xD;
	v19 =	vor.u32 v23, v19  }
0x66: {  	v17 =	vadd.s32 v20, v17;
	v20 =	vor.u32 v48, v49;
	v19 =	vxor.u32 v19, v18  }
0x67: {  	v20 =	vxor.u32 v20, v17;
	v18 =	vadd.s32 v18, v19;
	v23 =	vshrl.u32 v19, $0x11  }
0x68: {  	v50 =	vshrl.u32 v20, $0x11;
	v51 =	vshll.u32 v20, $0xF;
	v19 =	vshll.u32 v19, $0xF  }
0x69: {  	v17 =	vadd.s32 v17, v20;
	v20 =	vor.u32 v50, v51;
	v19 =	vor.u32 v23, v19  }
0x6a: {  	v58 =	vshrl.u32 v22, $0x13;
	v20 =	vxor.u32 v20, v17;
	v19 =	vxor.u32 v19, v18  }
0x6b: {  	v52 =	vshrl.u32 v20, $0x6;
	v53 =	vshll.u32 v20, $0x1A;
	v26 =	vshrl.u32 v19, $0x6  }
0x6c: {  	v17 =	vadd.s32 v17, v20;
	v54 =	vshll.u32 v19, $0x1A;
	v20 =	vor.u32 v52, v53  }
0x6d: {  	v18 =	vadd.s32 v18, v19;
	v19 =	vor.u32 v26, v54;
	v20 =	vxor.u32 v20, v17  }
0x6e: {  	v19 =	vxor.u32 v19, v18;
	v55 =	vshrl.u32 v20, $0x1A;
	v56 =	vshll.u32 v20, $0x6  }
0x6f: {  	v17 =	vadd.s32 v17, v20;
	v18 =	vadd.s32 v18, v19;
	v20 =	vor.u32 v55, v56  }
0x70: {  	v57 =	vshrl.u32 v19, $0x1A;
	v19 =	vshll.u32 v19, $0x6;
	v20 =	vxor.u32 v20, v17  }
0x71: {  	v19 =	vor.u32 v57, v19;
	v17 =	vadd.s32 v1, v17;
	v20 =	vadd.s32 v20, v3  }
0x72: {  	v59 =	vadd.s32 v8, v21;
	v19 =	vxor.u32 v19, v18;
	v17 =	vxor.u32 v17, v20  }
0x73: {  	v18 =	vadd.s32 v2, v18;
	v19 =	vadd.s32 v19, v7;
	v20 =	vmulhi.u32 $0xD1B71759, v17  }
0x74: {  	v23 =	vadd.s32 v9, v22;
	v22 =	vshll.u32 v22, $0xD;
	v18 =	vxor.u32 v18, v19  }
0x75: {  	v22 =	vor.u32 v58, v22;
	v60 =	vmulhi.u32 $0xD1B71759, v18;
	v20 =	vshrl.u32 v20, $0xD  }
0x76: {  	v19 =	vshrl.u32 v21, $0x13;
	v21 =	vshll.u32 v21, $0xD;
	v20 =	vmul.u32 $0x2710, v20  }
0x77: {  	v19 =	vor.u32 v19, v21;
	v21 =	vxor.u32 v22, v23;
	v22 =	vshrl.u32 v60, $0xD  }
0x78: {  	v19 =	vxor.u32 v19, v59;
	v17 =	vsub.s32 v17, v20;
	v20 =	vmul.u32 $0x2710, v22  }
0x79: {  	v61 =	vadd.s32 v59, v19;
	v22 =	vadd.s32 v23, v21;
	v17 =	vmul.u32 $0x1C80, v17  }
0x7a: {  	v23 =	vshrl.u32 v21, $0x11;
	v21 =	vshll.u32 v21, $0xF;
	v18 =	vsub.s32 v18, v20  }
0x7b: {  	v20 =	vshrl.u32 v19, $0x11;
	v19 =	vshll.u32 v19, $0xF;
	v17 =	vadd.s32 v18, v17  }
0x7c: {  	v18 =	vor.u32 v20, v19;
	v19 =	vor.u32 v23, v21;
	v21 =	vmulhi.u32 $0x68DB8BB, v17  }
0x7d: {  	v23 =	vxor.u32 v18, v61;
	v18 =	vxor.u32 v19, v22  }
0x7e: {  	v20 =	vadd.s32 v22, v18;
	v62 =	vshrl.u32 v18, $0x6;
	v21 =	vshrl.u32 v21, $0x8  }
0x7f: {  	v19 =	vadd.s32 v61, v23;
	v63 =	vshll.u32 v18, $0x1A;
	v18 =	vmul.u32 $0x2710, v21  }
0x80: {  	s18 =	simm.s32 $0x0;
	s20 =	simm.s32 $0x80;
	s17 =	simm.s32 $0x40;
	v22 =	vshll.u32 v23, $0x1A;
	v21 =	vshrl.u32 v23, $0x6;
	v23 =	vor.u32 v62, v63  }
.LBB2_3:
0x81: {  	p0 =	sne.s32 s20, $0x5FC0;
	v21 =	vor.u32 v21, v22;
	v22 =	vxor.u32 v23, v20;
	v17 =	vsub.s32 v17, v18  }
0x82: {  	v18 =	vxor.u32 v21, v19;
	v20 =	vadd.s32 v20, v22;
	v21 =	vshrl.u32 v22, $0x1A  }
0x83: {  	v22 =	vshll.u32 v22, $0x6;
	v23 =	vshrl.u32 v18, $0x1A;
	v24 =	vshll.u32 v18, $0x6  }
0x84: {  	v18 =	vadd.s32 v19, v18;
	v21 =	vor.u32 v21, v22;
	v19 =	vor.u32 v23, v24  }
0x85: {  	v21 =	vxor.u32 v21, v20;
	v20 =	vadd.s32 v5, v20;
	v19 =	vxor.u32 v19, v18  }
0x86: {  	s21 =	sshra.s32 s18, $0x2;
	s18 =	smov.u32 s17;
	s17 =	smov.u32 s20;
	v18 =	vadd.s32 v4, v18;
	v21 =	vadd.s32 v21, v16;
	v19 =	vadd.s32 v19, v15;
	v17 =	vld.idx.msk [tilespmem:v17+s2+$0x0], $0xffff  }
0x87: {  	v20 =	vadd.s32 v21, v20;
	v22 =	vshrl.u32 v21, $0xF;
	v21 =	vshll.u32 v21, $0x11;
	v23 =	vld [tilespmem:s21+$0x3900]  }
0x88: {  	v24 =	vshrl.u32 v19, $0xF;
	v25 =	vshll.u32 v19, $0x11;
	v21 =	vor.u32 v22, v21  }
0x89: {  	s19 =	sadd.s32 $0x10, s19;
	v19 =	vadd.s32 v19, v18;
	v22 =	vor.u32 v24, v25;
	v21 =	vxor.u32 v21, v20  }
0x8a: {  	v18 =	vor.u32 s19, v0;
	v22 =	vxor.u32 v22, v19;
	v20 =	vadd.s32 v20, v21  }
0x8b: {  	v25 =	vshrl.u32 v21, $0x3;
	v21 =	vshll.u32 v21, $0x1D;
	v24 =	vshrl.u32 v22, $0x3  }
0x8c: {  	v26 =	vshll.u32 v22, $0x1D;
	v17 =	vmul.f32 $1.414213630e-01, v17;
	v23 =	vmul.f32 $9.899494640e-01, v23  }
0x8d: {  	v19 =	vadd.s32 v19, v22;
	v21 =	vor.u32 v25, v21;
	v22 =	vor.u32 v24, v26  }
0x8e: {  	v21 =	vxor.u32 v21, v20;
	v22 =	vxor.u32 v22, v19;
	v17 =	vadd.f32 v23, v17  }
0x8f: {  	v20 =	vadd.s32 v20, v21;
	v23 =	vshrl.u32 v21, $0x10;
	v21 =	vshll.u32 v21, $0x10  }
0x90: {  	v24 =	vshrl.u32 v22, $0x10;
	v25 =	vshll.u32 v22, $0x10;
	v21 =	vor.u32 v23, v21;
	[tilespmem:s21+$0x3900] =	vst v17  }
0x91: {  	v17 =	vadd.s32 v19, v22;
	v19 =	vor.u32 v24, v25;
	v21 =	vxor.u32 v21, v20  }
0x92: {  	v19 =	vxor.u32 v19, v17;
	v20 =	vadd.s32 v20, v21;
	v22 =	vshrl.u32 v21, $0x8  }
0x93: {  	v21 =	vshll.u32 v21, $0x18;
	v23 =	vshrl.u32 v19, $0x8;
	v24 =	vshll.u32 v19, $0x18  }
0x94: {  	v17 =	vadd.s32 v17, v19;
	v21 =	vor.u32 v22, v21;
	v19 =	vor.u32 v23, v24  }
0x95: {  	v21 =	vxor.u32 v21, v20;
	v20 =	vadd.s32 v2, v20;
	v19 =	vxor.u32 v19, v17  }
0x96: {  	v17 =	vadd.s32 v1, v17;
	v21 =	vadd.s32 v21, v14;
	v19 =	vadd.s32 v19, v12  }
0x97: {  	v20 =	vadd.s32 v21, v20;
	v22 =	vshrl.u32 v21, $0x13;
	v21 =	vshll.u32 v21, $0xD  }
0x98: {  	v23 =	vshrl.u32 v19, $0x13;
	v24 =	vshll.u32 v19, $0xD;
	v21 =	vor.u32 v22, v21  }
0x99: {  	v17 =	vadd.s32 v19, v17;
	v19 =	vor.u32 v23, v24;
	v21 =	vxor.u32 v21, v20  }
0x9a: {  	v19 =	vxor.u32 v19, v17;
	v20 =	vadd.s32 v20, v21;
	v22 =	vshrl.u32 v21, $0x11  }
0x9b: {  	v21 =	vshll.u32 v21, $0xF;
	v23 =	vshrl.u32 v19, $0x11;
	v24 =	vshll.u32 v19, $0xF  }
0x9c: {  	v19 =	vadd.s32 v17, v19;
	v21 =	vor.u32 v22, v21;
	v23 =	vor.u32 v23, v24  }
0x9d: {  	v17 =	vadd.s32 v5, v18;
	v21 =	vxor.u32 v21, v20;
	v22 =	vxor.u32 v23, v19  }
0x9e: {  	v20 =	vadd.s32 v20, v21;
	v23 =	vshrl.u32 v21, $0x6;
	v21 =	vshll.u32 v21, $0x1A  }
0x9f: {  	v24 =	vshrl.u32 v22, $0x6;
	v25 =	vshll.u32 v22, $0x1A;
	v21 =	vor.u32 v23, v21  }
0xa0: {  	v19 =	vadd.s32 v19, v22;
	v22 =	vor.u32 v24, v25;
	v21 =	vxor.u32 v21, v20  }
0xa1: {  	v22 =	vxor.u32 v22, v19;
	v20 =	vadd.s32 v20, v21;
	v23 =	vshrl.u32 v21, $0x1A  }
0xa2: {  	v21 =	vshll.u32 v21, $0x6;
	v24 =	vshrl.u32 v22, $0x1A;
	v25 =	vshll.u32 v22, $0x6  }
0xa3: {  	v19 =	vadd.s32 v19, v22;
	v21 =	vor.u32 v23, v21;
	v22 =	vor.u32 v24, v25  }
0xa4: {  	v21 =	vxor.u32 v21, v20;
	v20 =	vadd.s32 v9, v20;
	v22 =	vxor.u32 v22, v19  }
0xa5: {  	v19 =	vadd.s32 v8, v19;
	v21 =	vadd.s32 v21, v13;
	v22 =	vadd.s32 v22, v10  }
0xa6: {  	v20 =	vadd.s32 v21, v20;
	v23 =	vshrl.u32 v21, $0xF;
	v21 =	vshll.u32 v21, $0x11  }
0xa7: {  	v24 =	vshrl.u32 v22, $0xF;
	v25 =	vshll.u32 v22, $0x11;
	v21 =	vor.u32 v23, v21  }
0xa8: {  	v19 =	vadd.s32 v22, v19;
	v22 =	vor.u32 v24, v25;
	v21 =	vxor.u32 v21, v20  }
0xa9: {  	v22 =	vxor.u32 v22, v19;
	v20 =	vadd.s32 v20, v21;
	v23 =	vshrl.u32 v21, $0x3  }
0xaa: {  	v21 =	vshll.u32 v21, $0x1D;
	v24 =	vshrl.u32 v22, $0x3;
	v25 =	vshll.u32 v22, $0x1D  }
0xab: {  	v19 =	vadd.s32 v19, v22;
	v21 =	vor.u32 v23, v21;
	v22 =	vor.u32 v24, v25  }
0xac: {  	v18 =	vadd.s32 v4, v18;
	v21 =	vxor.u32 v21, v20;
	v22 =	vxor.u32 v22, v19  }
0xad: {  	v20 =	vadd.s32 v20, v21;
	v23 =	vshrl.u32 v21, $0x10;
	v21 =	vshll.u32 v21, $0x10  }
0xae: {  	v24 =	vshrl.u32 v22, $0x10;
	v25 =	vshll.u32 v22, $0x10;
	v21 =	vor.u32 v23, v21  }
0xaf: {  	v19 =	vadd.s32 v19, v22;
	v22 =	vor.u32 v24, v25;
	v21 =	vxor.u32 v21, v20  }
0xb0: {  	v22 =	vxor.u32 v22, v19;
	v20 =	vadd.s32 v20, v21;
	v23 =	vshrl.u32 v21, $0x8  }
0xb1: {  	v21 =	vshll.u32 v21, $0x18;
	v24 =	vshrl.u32 v22, $0x8;
	v25 =	vshll.u32 v22, $0x18  }
0xb2: {  	v19 =	vadd.s32 v19, v22;
	v21 =	vor.u32 v23, v21;
	v22 =	vor.u32 v24, v25  }
0xb3: {  	v21 =	vxor.u32 v21, v20;
	v20 =	vadd.s32 v5, v20;
	v22 =	vxor.u32 v22, v19  }
0xb4: {  	v19 =	vadd.s32 v4, v19;
	v21 =	vadd.s32 v21, v11;
	v22 =	vadd.s32 v22, v6  }
0xb5: {  	v20 =	vadd.s32 v21, v20;
	v23 =	vshrl.u32 v21, $0x13;
	v21 =	vshll.u32 v21, $0xD  }
0xb6: {  	v24 =	vshrl.u32 v22, $0x13;
	v25 =	vshll.u32 v22, $0xD;
	v21 =	vor.u32 v23, v21  }
0xb7: {  	v19 =	vadd.s32 v22, v19;
	v22 =	vor.u32 v24, v25;
	v21 =	vxor.u32 v21, v20  }
0xb8: {  	v22 =	vxor.u32 v22, v19;
	v20 =	vadd.s32 v20, v21;
	v23 =	vshrl.u32 v21, $0x11  }
0xb9: {  	v21 =	vshll.u32 v21, $0xF;
	v24 =	vshrl.u32 v22, $0x11;
	v25 =	vshll.u32 v22, $0xF  }
0xba: {  	v19 =	vadd.s32 v19, v22;
	v21 =	vor.u32 v23, v21;
	v22 =	vor.u32 v24, v25  }
0xbb: {  	v23 =	vadd.s32 v9, v17;
	v21 =	vxor.u32 v21, v20;
	v22 =	vxor.u32 v22, v19  }
0xbc: {  	v26 =	vshrl.u32 v21, $0x6;
	v24 =	vshrl.u32 v22, $0x6;
	v25 =	vshll.u32 v22, $0x1A  }
0xbd: {  	v19 =	vadd.s32 v19, v22;
	v22 =	vor.u32 v24, v25;
	v24 =	vshll.u32 v21, $0x1A  }
0xbe: {  	v20 =	vadd.s32 v20, v21;
	v22 =	vxor.u32 v22, v19;
	v21 =	vor.u32 v26, v24  }
0xbf: {  	v24 =	vshrl.u32 v22, $0x1A;
	v25 =	vshll.u32 v22, $0x6;
	v21 =	vxor.u32 v21, v20  }
0xc0: {  	v19 =	vadd.s32 v19, v22;
	v22 =	vor.u32 v24, v25;
	v20 =	vadd.s32 v20, v21  }
0xc1: {  	v24 =	vshrl.u32 v21, $0x1A;
	v21 =	vshll.u32 v21, $0x6;
	v22 =	vxor.u32 v22, v19  }
0xc2: {  	v19 =	vadd.s32 v1, v19;
	v21 =	vor.u32 v24, v21;
	v22 =	vadd.s32 v22, v3  }
0xc3: {  	v24 =	vshrl.u32 v17, $0x13;
	v21 =	vxor.u32 v21, v20;
	v19 =	vxor.u32 v19, v22  }
0xc4: {  	v20 =	vadd.s32 v2, v20;
	v21 =	vadd.s32 v21, v7;
	v22 =	vmulhi.u32 $0xD1B71759, v19  }
0xc5: {  	v25 =	vadd.s32 v8, v18;
	v17 =	vshll.u32 v17, $0xD;
	v20 =	vxor.u32 v20, v21  }
0xc6: {  	v21 =	vshrl.u32 v18, $0x13;
	v26 =	vmulhi.u32 $0xD1B71759, v20;
	v22 =	vshrl.u32 v22, $0xD  }
0xc7: {  	v17 =	vor.u32 v24, v17;
	v18 =	vshll.u32 v18, $0xD;
	v22 =	vmul.u32 $0x2710, v22  }
0xc8: {  	v17 =	vxor.u32 v17, v23;
	v18 =	vor.u32 v21, v18;
	v21 =	vshrl.u32 v26, $0xD  }
0xc9: {  	v18 =	vxor.u32 v18, v25;
	v21 =	vmul.u32 $0x2710, v21;
	v19 =	vsub.s32 v19, v22  }
0xca: {  	v22 =	vadd.s32 v23, v17;
	v23 =	vshrl.u32 v17, $0x11;
	v19 =	vmul.u32 $0x1C80, v19  }
0xcb: {  	v24 =	vadd.s32 v25, v18;
	v25 =	vshll.u32 v17, $0xF;
	v17 =	vsub.s32 v20, v21  }
0xcc: {  	v20 =	vshrl.u32 v18, $0x11;
	v18 =	vshll.u32 v18, $0xF;
	v17 =	vadd.s32 v17, v19  }
.Ltmp0:
0xcd: {  	v18 =	vor.u32 v20, v18;
	v19 =	vor.u32 v23, v25;
	v21 =	vmulhi.u32 $0x68DB8BB, v17;
	(pc) =	sbr.rel @p0 .LBB2_3-.Ltmp0, $4  }
0xce: {  	v23 =	vxor.u32 v18, v24;
	v18 =	vxor.u32 v19, v22  }
0xcf: {  	v20 =	vadd.s32 v22, v18;
	v25 =	vshrl.u32 v18, $0x6;
	v21 =	vshrl.u32 v21, $0x8  }
0xd0: {  	v19 =	vadd.s32 v24, v23;
	v24 =	vshll.u32 v18, $0x1A;
	v18 =	vmul.u32 $0x2710, v21  }
0xd1: {  	s20 =	sadd.s32 $0x40, s20;
	v22 =	vshll.u32 v23, $0x1A;
	v21 =	vshrl.u32 v23, $0x6;
	v23 =	vor.u32 v25, v24  }
0xd2: {  	v21 =	vor.u32 v21, v22;
	v31 =	vxor.u32 v23, v20  }
0xd3: {  	v21 =	vxor.u32 v21, v19;
	v20 =	vadd.s32 v20, v31;
	v23 =	vshrl.u32 v31, $0x1A  }
0xd4: {  	v22 =	vshll.u32 v31, $0x6;
	v24 =	vshrl.u32 v21, $0x1A;
	v25 =	vshll.u32 v21, $0x6  }
0xd5: {  	v19 =	vadd.s32 v19, v21;
	v22 =	vor.u32 v23, v22;
	v32 =	vor.u32 v24, v25  }
0xd6: {  	v22 =	vxor.u32 v22, v20;
	v20 =	vadd.s32 v5, v20;
	v21 =	vxor.u32 v32, v19  }
0xd7: {  	v19 =	vadd.s32 v4, v19;
	v16 =	vadd.s32 v22, v16;
	v15 =	vadd.s32 v21, v15  }
0xd8: {  	v20 =	vadd.s32 v16, v20;
	v33 =	vshrl.u32 v16, $0xF;
	v16 =	vshll.u32 v16, $0x11  }
0xd9: {  	v34 =	vshrl.u32 v15, $0xF;
	v35 =	vshll.u32 v15, $0x11;
	v16 =	vor.u32 v33, v16  }
0xda: {  	v15 =	vadd.s32 v15, v19;
	v36 =	vor.u32 v34, v35;
	v16 =	vxor.u32 v16, v20  }
0xdb: {  	v19 =	vxor.u32 v36, v15;
	v20 =	vadd.s32 v20, v16;
	v38 =	vshrl.u32 v16, $0x3  }
0xdc: {  	v16 =	vshll.u32 v16, $0x1D;
	v37 =	vshrl.u32 v19, $0x3;
	v39 =	vshll.u32 v19, $0x1D  }
0xdd: {  	v15 =	vadd.s32 v15, v19;
	v16 =	vor.u32 v38, v16;
	v40 =	vor.u32 v37, v39  }
0xde: {  	v16 =	vxor.u32 v16, v20;
	v19 =	vxor.u32 v40, v15  }
0xdf: {  	v20 =	vadd.s32 v20, v16;
	v41 =	vshrl.u32 v16, $0x10;
	v16 =	vshll.u32 v16, $0x10  }
0xe0: {  	v42 =	vshrl.u32 v19, $0x10;
	v43 =	vshll.u32 v19, $0x10;
	v16 =	vor.u32 v41, v16  }
0xe1: {  	v15 =	vadd.s32 v15, v19;
	v44 =	vor.u32 v42, v43;
	v16 =	vxor.u32 v16, v20  }
0xe2: {  	v19 =	vxor.u32 v44, v15;
	v20 =	vadd.s32 v20, v16;
	v45 =	vshrl.u32 v16, $0x8  }
0xe3: {  	v16 =	vshll.u32 v16, $0x18;
	v46 =	vshrl.u32 v19, $0x8;
	v47 =	vshll.u32 v19, $0x18  }
0xe4: {  	v15 =	vadd.s32 v15, v19;
	v16 =	vor.u32 v45, v16;
	v48 =	vor.u32 v46, v47  }
0xe5: {  	v16 =	vxor.u32 v16, v20;
	v20 =	vadd.s32 v2, v20;
	v19 =	vxor.u32 v48, v15  }
0xe6: {  	v15 =	vadd.s32 v1, v15;
	v14 =	vadd.s32 v16, v14;
	v12 =	vadd.s32 v19, v12  }
0xe7: {  	v16 =	vadd.s32 v14, v20;
	v49 =	vshrl.u32 v14, $0x13;
	v14 =	vshll.u32 v14, $0xD  }
0xe8: {  	v50 =	vshrl.u32 v12, $0x13;
	v51 =	vshll.u32 v12, $0xD;
	v14 =	vor.u32 v49, v14  }
0xe9: {  	v12 =	vadd.s32 v12, v15;
	v52 =	vor.u32 v50, v51;
	v14 =	vxor.u32 v14, v16  }
0xea: {  	v15 =	vxor.u32 v52, v12;
	v16 =	vadd.s32 v16, v14;
	v53 =	vshrl.u32 v14, $0x11  }
0xeb: {  	v14 =	vshll.u32 v14, $0xF;
	v54 =	vshrl.u32 v15, $0x11;
	v55 =	vshll.u32 v15, $0xF  }
0xec: {  	v12 =	vadd.s32 v12, v15;
	v14 =	vor.u32 v53, v14;
	v56 =	vor.u32 v54, v55  }
0xed: {  	v14 =	vxor.u32 v14, v16;
	v15 =	vxor.u32 v56, v12  }
0xee: {  	v16 =	vadd.s32 v16, v14;
	v57 =	vshrl.u32 v14, $0x6;
	v14 =	vshll.u32 v14, $0x1A  }
0xef: {  	v58 =	vshrl.u32 v15, $0x6;
	v59 =	vshll.u32 v15, $0x1A;
	v14 =	vor.u32 v57, v14  }
0xf0: {  	v12 =	vadd.s32 v12, v15;
	v60 =	vor.u32 v58, v59;
	v14 =	vxor.u32 v14, v16  }
0xf1: {  	v15 =	vxor.u32 v60, v12;
	v16 =	vadd.s32 v16, v14;
	v61 =	vshrl.u32 v14, $0x1A  }
0xf2: {  	v14 =	vshll.u32 v14, $0x6;
	v62 =	vshrl.u32 v15, $0x1A;
	v63 =	vshll.u32 v15, $0x6  }
0xf3: {  	v12 =	vadd.s32 v12, v15;
	v14 =	vor.u32 v61, v14;
	v23 =	vor.u32 v62, v63  }
0xf4: {  	v9 =	vadd.s32 v9, v16;
	v14 =	vxor.u32 v14, v16;
	v15 =	vxor.u32 v23, v12  }
0xf5: {  	v8 =	vadd.s32 v8, v12;
	v24 =	vadd.s32 v14, v13;
	v10 =	vadd.s32 v15, v10  }
0xf6: {  	v9 =	vadd.s32 v24, v9;
	v13 =	vshrl.u32 v24, $0xF;
	v12 =	vshll.u32 v24, $0x11  }
0xf7: {  	v25 =	vshrl.u32 v10, $0xF;
	v15 =	vshll.u32 v10, $0x11;
	v12 =	vor.u32 v13, v12  }
0xf8: {  	v8 =	vadd.s32 v10, v8;
	v26 =	vor.u32 v25, v15;
	v12 =	vxor.u32 v12, v9  }
0xf9: {  	v10 =	vxor.u32 v26, v8;
	v9 =	vadd.s32 v9, v12;
	v27 =	vshrl.u32 v12, $0x3  }
0xfa: {  	v12 =	vshll.u32 v12, $0x1D;
	v28 =	vshrl.u32 v10, $0x3;
	v29 =	vshll.u32 v10, $0x1D  }
0xfb: {  	v8 =	vadd.s32 v8, v10;
	v12 =	vor.u32 v27, v12;
	v30 =	vor.u32 v28, v29  }
0xfc: {  	v12 =	vxor.u32 v12, v9;
	v10 =	vxor.u32 v30, v8  }
0xfd: {  	v9 =	vadd.s32 v9, v12;
	v31 =	vshrl.u32 v12, $0x10;
	v12 =	vshll.u32 v12, $0x10  }
0xfe: {  	v32 =	vshrl.u32 v10, $0x10;
	v33 =	vshll.u32 v10, $0x10;
	v12 =	vor.u32 v31, v12  }
0xff: {  	v8 =	vadd.s32 v8, v10;
	v34 =	vor.u32 v32, v33;
	v12 =	vxor.u32 v12, v9  }
0x100: {  	v10 =	vxor.u32 v34, v8;
	v9 =	vadd.s32 v9, v12;
	v35 =	vshrl.u32 v12, $0x8  }
0x101: {  	v12 =	vshll.u32 v12, $0x18;
	v36 =	vshrl.u32 v10, $0x8;
	v37 =	vshll.u32 v10, $0x18  }
0x102: {  	v8 =	vadd.s32 v8, v10;
	v12 =	vor.u32 v35, v12;
	v38 =	vor.u32 v36, v37  }
0x103: {  	v39 =	vadd.s32 v5, v9;
	v12 =	vxor.u32 v12, v9;
	v10 =	vxor.u32 v38, v8  }
0x104: {  	v40 =	vadd.s32 v4, v8;
	v41 =	vadd.s32 v12, v11;
	v6 =	vadd.s32 v10, v6  }
0x105: {  	v5 =	vadd.s32 v41, v39;
	v42 =	vshrl.u32 v41, $0x13;
	v8 =	vshll.u32 v41, $0xD  }
0x106: {  	v10 =	vshrl.u32 v6, $0x13;
	v43 =	vshll.u32 v6, $0xD;
	v8 =	vor.u32 v42, v8  }
0x107: {  	v4 =	vadd.s32 v6, v40;
	v44 =	vor.u32 v10, v43;
	v8 =	vxor.u32 v8, v5  }
0x108: {  	v6 =	vxor.u32 v44, v4;
	v5 =	vadd.s32 v5, v8;
	v45 =	vshrl.u32 v8, $0x11  }
0x109: {  	v8 =	vshll.u32 v8, $0xF;
	v46 =	vshrl.u32 v6, $0x11;
	v47 =	vshll.u32 v6, $0xF  }
0x10a: {  	v4 =	vadd.s32 v4, v6;
	v8 =	vor.u32 v45, v8;
	v48 =	vor.u32 v46, v47  }
0x10b: {  	v8 =	vxor.u32 v8, v5;
	v6 =	vxor.u32 v48, v4  }
0x10c: {  	v51 =	vshrl.u32 v8, $0x6;
	v49 =	vshrl.u32 v6, $0x6;
	v50 =	vshll.u32 v6, $0x1A  }
0x10d: {  	v53 =	vshll.u32 v8, $0x1A;
	v4 =	vadd.s32 v4, v6;
	v52 =	vor.u32 v49, v50  }
0x10e: {  	v5 =	vadd.s32 v5, v8;
	v54 =	vor.u32 v51, v53;
	v6 =	vxor.u32 v52, v4  }
0x10f: {  	v8 =	vxor.u32 v54, v5;
	v55 =	vshrl.u32 v6, $0x1A;
	v56 =	vshll.u32 v6, $0x6  }
0x110: {  	v5 =	vadd.s32 v5, v8;
	v4 =	vadd.s32 v4, v6;
	v57 =	vor.u32 v55, v56  }
0x111: {  	v58 =	vshrl.u32 v8, $0x1A;
	v8 =	vshll.u32 v8, $0x6;
	v6 =	vxor.u32 v57, v4  }
0x112: {  	v59 =	vor.u32 v58, v8;
	v1 =	vadd.s32 v1, v4;
	v3 =	vadd.s32 v6, v3  }
0x113: {  	v1 =	vxor.u32 v1, v3;
	v3 =	vxor.u32 v59, v5  }
0x114: {  	v2 =	vadd.s32 v2, v5;
	v3 =	vadd.s32 v3, v7;
	v60 =	vmulhi.u32 $0xD1B71759, v1  }
0x115: {  	v2 =	vxor.u32 v2, v3  }
0x116: {  	v62 =	vsub.s32 v17, v18;
	v3 =	vshrl.u32 v60, $0xD;
	v61 =	vmulhi.u32 $0xD1B71759, v2  }
0x117: {  	v3 =	vmul.u32 $0x2710, v3  }
0x118: {  	v4 =	vshrl.u32 v61, $0xD  }
0x119: {  	v1 =	vsub.s32 v1, v3;
	v3 =	vmul.u32 $0x2710, v4  }
0x11a: {  	v1 =	vmul.u32 $0x1C80, v1  }
0x11b: {  	s18 =	sshra.s32 s18, $0x2;
	v2 =	vsub.s32 v2, v3;
	v3 =	vld.idx.msk [tilespmem:v62+s2+$0x0], $0xffff  }
0x11c: {  	v1 =	vadd.s32 v2, v1;
	v2 =	vld [tilespmem:s18+$0x3900]  }
0x11d: {  	v63 =	vmulhi.u32 $0x68DB8BB, v1;
	_ =	sdelay $0x1  }
0x11e: {  	v4 =	vshrl.u32 v63, $0x8  }
0x11f: {  	v4 =	vmul.u32 $0x2710, v4  }
0x120: {  	v3 =	vmul.f32 $1.414213630e-01, v3;
	v2 =	vmul.f32 $9.899494640e-01, v2  }
0x121: {  	v1 =	vsub.s32 v1, v4  }
0x122: {  	v2 =	vadd.f32 v2, v3;
	_ =	sdelay $0x1  }
0x123: {  	s17 =	sshra.s32 s17, $0x2;
	[tilespmem:s18+$0x3900] =	vst v2  }
0x124: {  	v2 =	vld [tilespmem:s17+$0x3900]  }
0x125: {  	v1 =	vld.idx.msk [tilespmem:v1+s2+$0x0], $0xffff;
	_ =	sdelay $0x2  }
0x126: {  	s16 =	sadd.s32 $0x1, s16  }
0x127: {  	p0 =	sne.s32 s16, $0x46  }
.Ltmp1:
0x128: {  	v2 =	vmul.f32 $9.899494640e-01, v2;
	v1 =	vmul.f32 $1.414213630e-01, v1;
	(pc) =	sbr.rel @p0 .LBB2_2-.Ltmp1, $3  }
0x129: {  	_ = 	snop  }
0x12a: {  	v1 =	vadd.f32 v2, v1;
	_ =	sdelay $0x1  }
0x12b: {  	[tilespmem:s17+$0x3900] =	vst v1  }
0x12c: {  	s15 =	sadd.s32 $0x1, s15  }
0x12d: {  	p0 =	sne.s32 s15, s7  }
.Ltmp2:
0x12e: {  	_ = 	snop;
	(pc) =	sbr.rel @p0 .LBB2_1-.Ltmp2, $4  }
0x12f: {  	[hbm4b:s6+s9] =	stream.strided.scatter [tilespmem:s14], [sflag:$0x1], $0x1800, s13, s9, $0x38;
	[tilespmem:$0x5100] =	vst v63  }
0x130: {  	_ =	swait.ge [sflag:s11], $0x1800  }
0x131: {  	[sflag:s11] =	ssyncset.done $0x0  }
0x132: {  	[sflag:s11] =	ssyncadd.s32 $0xFFFFE800  }
0x133: {  	_ =	sfence.sel $0x180000  }
0x134: {  	[bflag:$0x0] =	sbarrier.arrive $0xFFFF  }
0x135: {  	p0 =	sne.s32 s0, $0x0;
	_ =	strace $0x90000047  }
0x136: {  	s0 =	sadd.s32 @!p0 $0x100000, s1;
	[bflag:$0x2] =	sbarrier.arrive $0xFFFF  }
0x137: {  	[sflag:s0] =	ssyncadd.tile.s32 @!p0 $0x1;
	_ =	shalt  }
.Lfunc_end2:
_tile_overlayer_lowered:
.L_overlay_start_2:
0x138: {  	(tag) =	ssettag $0x2  }
0x139: {  	s0 =	rddreg [dreg:$0x0];
	s2 =	stileid.u32  }
0x13a: {  	s1 =	rddreg [dreg:$0x1];
	p0 =	sne.s32 s2, $0x0  }
0x13b: {  	s3 =	rddreg [dreg:$0x2];
	[bflag:$0x3] =	sbarrier.arrive $0xFFFF;
	s2 =	simm.s32 @!p0 $0x1C01  }
0x13c: {  	[timem:s3], [sflag:s2] =	dma.local @!p0 [hbm:s0], s1  }
0x13d: {  	s0 =	simm.s32 @!p0 $0x1  }
0x13e: {  	_ =	swait.ge @!p0 [sflag:s0], s1  }
0x13f: {  	s1 =	ssub.s32 @!p0 $0x0, s1;
	[sflag:s0] =	ssyncset.done @!p0 $0x0  }
0x140: {  	[sflag:s0] =	ssyncadd.s32 @!p0 s1  }
0x141: {  	[bflag:$0x3] =	sbarrier.arrive $0xFFFF  }
0x142: {  	_ =	shalt  }

// kernel: _run.8.cloned.1.call-start
scs
__scs_entry_jumppad:
0x0: {  	(pc) =	sbr.rel $0x88, $3  }
0x1: {  	(tag) =	ssettag $0x0;
	lr =	simm.s32 $0x1  }
0x2: {  	[smem:$0x3F9D] =	sst lr;
	_ =	strace $0xD0000000  }
0x3: {  	_ = 	snop  }
0x4: {  	_ = 	snop  }
0x5: {  	_ = 	snop  }
0x6: {  	_ = 	snop  }
0x7: {  	_ = 	snop  }
__scs_overlays_trampoline_lowered:
0x8: {  	[smem:$0x3FAC] =	sst s0  }
0x9: {  	[smem:$0x3FAD] =	sst s1  }
0xa: {  	[smem:$0x3FAE] =	sst s2  }
0xb: {  	[smem:$0x3FAF] =	sst s3  }
0xc: {  	[smem:$0x3FB0] =	sst s4  }
0xd: {  	[smem:$0x3FB1] =	sst s5  }
0xe: {  	[smem:$0x3FB2] =	sst s6  }
0xf: {  	[smem:$0x3FB3] =	sst s7  }
0x10: {  	[smem:$0x3FB4] =	sst s8  }
0x11: {  	[smem:$0x3FB5] =	sst s9;
	s0 =	simm.s32 @!p0 $0x0  }
0x12: {  	s1 =	sld [smem:$0x3F9B];
	s0 =	simm.s32 @p0 $0x1  }
0x13: {  	[smem:$0x3FB6] =	sst s0;
	s0 =	simm.s32 @!p1 $0x0  }
0x14: {  	s2 =	sld [smem:$0x3F9A];
	s0 =	simm.s32 @p1 $0x1  }
0x15: {  	[smem:$0x3FB7] =	sst s0;
	s0 =	simm.s32 @!p2 $0x0  }
0x16: {  	s3 =	sld [smem:$0x3FDB];
	s0 =	simm.s32 @p2 $0x1  }
0x17: {  	s4 =	simm.s32 $0x1BF5;
	[smem:$0x3FB9] =	sst s0  }
0x18: {  	s0 =	sld [smem:$0x3F9C];
	_ =	swait.ge [sflag:s4], $0x0  }
0x19: {  	s7 =	sld [smem:$0x3F9D]  }
0x1a: {  	s8 =	sadd.s32 $0xFFFFE003, lr  }
0x1b: {  	s9 =	sadd.s32 $0xFFFFFEF7, lr;
	s5 =	simm.s32 $0xFFFFFFFF;
	p2 =	slt.u32 s8, $0xFFFFF086  }
0x1c: {  	p1 =	slt.u32 s9, $0xF7A;
	s5 =	simm.s32 @!p2 $0x0  }
0x1d: {  	s5 =	simm.s32 @p1 $0x1;
	p0 =	seq.s32 s7, s2  }
0x1e: {  	s7 =	smul.u32 @!p0 $0xF7A, s2;
	p2 =	seq.s32 @!p0 s5, $0x0  }
0x1f: {  	s9 =	smul.u32 $0xF7A, s1;
	s8 =	simm.s32 @!p0 $0x1BF5;
	p2 =	por !p2, p0  }
0x20: {  	[sflag:s8] =	ssyncset.s32 @!p0 $0xFFFFF086;
	s6 =	sadd.s32 @!p0 s3, s7;
	s7 =	simm.s32 @!p0 $0x108  }
0x21: {  	s3 =	sadd.s32 s3, s9;
	s6 =	sadd.s32 @!p0 $0x88, s6;
	s7 =	simm.s32 @p2 $0x1082  }
0x22: {  	[simem:s7], [sflag:s8] =	dma.local @!p0 [hbm:s6], $0xF7A  }
0x23: {  	s9 =	sor.u32 $0xD0000000, s2;
	s6 =	simm.s32 $0x108;
	_ =	swait.ge @!p0 [sflag:s8], $0x0  }
0x24: {  	s3 =	sadd.s32 $0x88, s3;
	s6 =	simm.s32 @!p1 $0x1082;
	[sflag:s4] =	ssyncset.s32 $0xFFFFF086  }
0x25: {  	[simem:s6], [sflag:s4] =	dma.local [hbm:s3], $0xF7A  }
0x26: {  	[smem:$0x3F9D] =	sst s1;
	(tag) =	ssettag s2;
	_ =	strace s9  }
0x27: {  	s1 =	sld [smem:$0x3FAD]  }
0x28: {  	s2 =	sld [smem:$0x3FAE]  }
0x29: {  	s4 =	sld [smem:$0x3FB0]  }
0x2a: {  	p0 =	seq.s32 s5, $0x0;
	s5 =	sld [smem:$0x3FB1]  }
0x2b: {  	s6 =	sld [smem:$0x3FB2]  }
0x2c: {  	s7 =	sld [smem:$0x3FB3]  }
0x2d: {  	s3 =	simm.s32 $0x108;
	s8 =	sld [smem:$0x3FB4]  }
0x2e: {  	s3 =	simm.s32 @!p0 $0x1082;
	s9 =	sld [smem:$0x3FB5]  }
0x2f: {  	lr =	sadd.s32 s0, s3;
	s0 =	sld [smem:$0x3FAC]  }
0x30: {  	s3 =	sld [smem:$0x3FAF]  }
0x31: {  	[smem:$0x3FB8] =	sst s10  }
0x32: {  	s10 =	sld [smem:$0x3FB6];
	_ =	sdelay $0x3  }
0x33: {  	p0 =	seq.s32 s10, $0x1;
	s10 =	sld [smem:$0x3FB8];
	_ =	sdelay $0x3  }
0x34: {  	[smem:$0x3FB8] =	sst s10  }
0x35: {  	s10 =	sld [smem:$0x3FB7];
	_ =	sdelay $0x3  }
0x36: {  	p1 =	seq.s32 s10, $0x1;
	s10 =	sld [smem:$0x3FB8];
	_ =	sdelay $0x3  }
0x37: {  	[smem:$0x3FB8] =	sst s10  }
0x38: {  	s10 =	sld [smem:$0x3FB9]  }
0x39: {  	_ = 	snop;
	(pc) =	sbr.ind lr, $3  }
0x3a: {  	_ = 	snop  }
0x3b: {  	_ = 	snop  }
0x3c: {  	p2 =	seq.s32 s10, $0x1;
	s10 =	sld [smem:$0x3FB8]  }
0x3d: {  	_ =	shalt  }
0x3e: {  	_ =	shalt  }
0x3f: {  	_ =	shalt  }
0x40: {  	_ =	shalt  }
0x41: {  	_ =	shalt  }
0x42: {  	_ =	shalt  }
0x43: {  	_ =	shalt  }
0x44: {  	_ =	shalt  }
0x45: {  	_ =	shalt  }
0x46: {  	_ =	shalt  }
0x47: {  	_ =	shalt  }
0x48: {  	_ =	shalt  }
0x49: {  	_ =	shalt  }
0x4a: {  	_ =	shalt  }
0x4b: {  	_ =	shalt  }
0x4c: {  	_ =	shalt  }
0x4d: {  	_ =	shalt  }
0x4e: {  	_ =	shalt  }
0x4f: {  	_ =	shalt  }
0x50: {  	_ =	shalt  }
0x51: {  	_ =	shalt  }
0x52: {  	_ =	shalt  }
0x53: {  	_ =	shalt  }
0x54: {  	_ =	shalt  }
0x55: {  	_ =	shalt  }
0x56: {  	_ =	shalt  }
0x57: {  	_ =	shalt  }
0x58: {  	_ =	shalt  }
0x59: {  	_ =	shalt  }
0x5a: {  	_ =	shalt  }
0x5b: {  	_ =	shalt  }
0x5c: {  	_ =	shalt  }
0x5d: {  	_ =	shalt  }
0x5e: {  	_ =	shalt  }
0x5f: {  	_ =	shalt  }
0x60: {  	_ =	shalt  }
0x61: {  	_ =	shalt  }
0x62: {  	_ =	shalt  }
0x63: {  	_ =	shalt  }
0x64: {  	_ =	shalt  }
0x65: {  	_ =	shalt  }
0x66: {  	_ =	shalt  }
0x67: {  	_ =	shalt  }
0x68: {  	_ =	shalt  }
0x69: {  	_ =	shalt  }
0x6a: {  	_ =	shalt  }
0x6b: {  	_ =	shalt  }
0x6c: {  	_ =	shalt  }
0x6d: {  	_ =	shalt  }
0x6e: {  	_ =	shalt  }
0x6f: {  	_ =	shalt  }
0x70: {  	_ =	shalt  }
0x71: {  	_ =	shalt  }
0x72: {  	_ =	shalt  }
0x73: {  	_ =	shalt  }
0x74: {  	_ =	shalt  }
0x75: {  	_ =	shalt  }
0x76: {  	_ =	shalt  }
0x77: {  	_ =	shalt  }
0x78: {  	_ =	shalt  }
0x79: {  	_ =	shalt  }
0x7a: {  	_ =	shalt  }
0x7b: {  	_ =	shalt  }
0x7c: {  	_ =	shalt  }
0x7d: {  	_ =	shalt  }
0x7e: {  	_ =	shalt  }
0x7f: {  	_ =	shalt  }
0x80: {  	_ =	shalt  }
0x81: {  	_ =	shalt  }
0x82: {  	_ =	shalt  }
0x83: {  	_ =	shalt  }
0x84: {  	_ =	shalt  }
0x85: {  	_ =	shalt  }
0x86: {  	_ =	shalt  }
0x87: {  	_ =	shalt  }
.Lfunc_end0:
.L_simem_size_0:
called_computation.1_lowered:
.L_overlay_start_0:
0x88: {  	s2 =	sld [smem:$0x3FD9]  }
0x89: {  	s3 =	sld [smem:$0x3FFE];
	_ =	sdelay $0x1  }
0x8a: {  	s1 =	srdreg.scid  }
0x8b: {  	s0 =	sand.u32 $0x1, s1  }
0x8c: {  	s17 =	sshll.u32 s0, $0xA;
	s2 =	sadd.s32 s3, s2  }
0x8d: {  	s2 =	sadd.s32 s2, s17  }
0x8e: {  	[smem:$0x3FC4] =	sst s2  }
0x8f: {  	_ = 	snop  }
0x90: {  	s2 =	sld [smem:$0x3FC8]  }
0x91: {  	s18 =	sld [smem:$0x3FD0];
	(tm) =	ssettm $0x1  }
0x92: {  	s4 =	sld [smem:$0x3FFB];
	_ =	sdelay $0x3  }
0x93: {  	_ =	strace s4  }
0x94: {  	s4 =	sld [smem:$0x3FFC];
	_ =	sdelay $0x3  }
0x95: {  	_ =	strace s4  }
0x96: {  	s4 =	sld [smem:$0x3FFD];
	_ =	sdelay $0x3  }
0x97: {  	_ =	strace s4  }
0x98: {  	_ =	strace $0x8FFFFFFF  }
0x99: {  	s19 =	sld [smem:$0x3FDB];
	_ =	sdelay $0x1  }
0x9a: {  	s5 =	simm.s32 $_scs_section_size  }
0x9b: {  	s6 =	simm.s32 $_size__tile_overlayer_lowered;
	s7 =	simm.s32 $_tile_overlayer_lowered  }
0x9c: {  	s22 =	simm.s32 $0x1BFF;
	s21 =	sshll.u32 s7, $0x1;
	s4 =	sadd.s32 s5, s19  }
0x9d: {  	s8 =	simm.s32 $0x0;
	s20 =	sshll.u32 s6, $0x1;
	s6 =	sadd.s32 s21, s4  }
0x9e: {  	[timem:s8], [sflag:s22] =	dma.local [hbm:s6], s20  }
0x9f: {  	_ =	swait.ge [sflag:s22], s20  }
0xa0: {  	s5 =	ssub.s32 $0x0, s20;
	[sflag:s22] =	ssyncset.done $0x0  }
0xa1: {  	[sflag:s22] =	ssyncadd.s32 s5;
	_ =	sdelay $0x1  }
0xa2: {  	s23 =	simm.s32 $0x1B8B  }
0xa3: {  	_ =	swait.ge [sflag:s23], $0x1  }
0xa4: {  	[sflag:s23] =	ssyncset.done $0x0  }
0xa5: {  	s25 =	simm.s32 $0x1B8E;
	s24 =	sld [smem:$0x3FFE];
	[sflag:s23] =	ssyncadd.s32 $0xFFFFFFFF  }
0xa6: {  	s26 =	simm.s32 $execute0_lowered;
	[smem:$0x3FD2] =	sst s25  }
0xa7: {  	s6 =	sshll.u32 s26, $0x1;
	_ =	strace $0x80000049;
	[dreg:$0x1] =	wrdreg $0xFFFFFFFF  }
0xa8: {  	s28 =	simm.s32 $_size_execute0_lowered;
	s4 =	sadd.s32 s4, s6;
	[dreg:$0x0] =	wrdreg $0x0  }
0xa9: {  	s6 =	sshll.u32 s28, $0x1;
	[dreg:$0x2] =	wrdreg s4  }
0xaa: {  	[dreg:$0x3] =	wrdreg s6  }
0xab: {  	[dreg:$0x4] =	wrdreg $0xC0  }
0xac: {  	_ =	task [dreg:s8], $0x5FFFF  }
0xad: {  	[dreg:$0x1] =	wrdreg $0xFFFFFFFF  }
0xae: {  	[dreg:$0x0] =	wrdreg $0x60  }
0xaf: {  	[dreg:$0x2] =	wrdreg s24  }
0xb0: {  	[dreg:$0x3] =	wrdreg s2  }
0xb1: {  	[dreg:$0x4] =	wrdreg s18  }
0xb2: {  	[dreg:$0x5] =	wrdreg $0x9  }
0xb3: {  	_ =	task.clear_ibuf [dreg:s8], $0x6FFFF;
	_ =	strace $0x90000049  }
0xb4: {  	s29 =	simm.s32 $0x9;
	_ =	strace $0x8000004B  }
0xb5: {  	_ =	swait.ge [sflag:s29], $0x1  }
0xb6: {  	[sflag:s29] =	ssyncadd.s32 $0xFFFFFFFF  }
0xb7: {  	_ =	strace $0x9000004B  }
0xb8: {  	_ =	sfence  }
0xb9: {  	s30 =	sld [smem:$0x0];
	_ =	sdelay $0x2  }
0xba: {  	s31 =	sshll.u32 s1, $0xD;
	s1 =	sshrl.u32 s1, $0x2  }
0xbb: {  	s3 =	sand.u32 $0x4000, s31;
	s1 =	sadd.s32 s1, s30  }
0xbc: {  	s0 =	sor.u32 s3, s0;
	s1 =	sshll.u32 s1, $0x11  }
0xbd: {  	s0 =	sor.u32 s1, s0  }
0xbe: {  	s0 =	sadd.s32 $0x8F2B, s0  }
0xbf: {  	[sflag:s0] =	ssyncadd.remote.s32 $0x1  }
0xc0: {  	_ =	sfence.sel $0xFFFF  }
0xc1: {  	[dreg:$0x0] =	wrdreg $0xFFFFFFFF;
	(pc) =	sbr.abs _section_cstart, $3  }
0xc2: {  	[dreg:$0x1] =	wrdreg $0xFFFFFFFF  }
0xc3: {  	_ =	task.clear_ibuf [dreg:s8], $0x2FFFF;
	_ =	strace $0x9FFFFFFF  }
0xc4: {  	(tm) =	ssettm $0x7FFFFFFF  }
0xc5: {  	_ =	shalt  }
tec
execute0_lowered:
.L_overlay_start_1:
0x0: {  	(tag) =	ssettag $0x1  }
0x1: {  	s0 =	rddreg [dreg:$0x0];
	s5 =	stileid.u32  }
0x2: {  	s1 =	rddreg [dreg:$0x1];
	s2 =	srdreg.scid  }
0x3: {  	s14 =	rddreg [dreg:$0x2];
	s16 =	simm.s32 $0x80;
	s18 =	simm.s32 $0x5  }
0x4: {  	s19 =	simm.s32 $0x400;
	s20 =	simm.s32 $0x8780;
	s28 =	simm.s32 $0x3  }
0x5: {  	s29 =	simm.s32 $0x4;
	s3 =	sshll.u32 s5, $0x1;
	s5 =	sshrl.u32 s5, $0x2  }
0x6: {  	s30 =	simm.s32 $0x0;
	s4 =	sand.u32 $0x1, s2;
	s6 =	smul.u32 $0xC000, s5  }
0x7: {  	s2 =	simm.s32 $0x0;
	s21 =	sand.u32 $0x6, s3;
	s23 =	smul.u32 $0x870000, s5  }
0x8: {  	[smem:$0x7FF] =	sst s2;
	s22 =	ssub.s32 $0x2, s4;
	s13 =	smul.u32 $0xB4, s5  }
0x9: {  	s5 =	sshll.u32 s5, $0x4;
	s3 =	sor.u32 s4, s21;
	_ =	strace $0x8000004A  }
0xa: {  	s9 =	sshrl.u32 s22, $0x1;
	s4 =	sadd.s32 $0x6800, s0;
	s1 =	sadd.s32 s1, s5  }
0xb: {  	s21 =	simm.s32 $0x2780;
	s7 =	sshll.u32 s3, $0x7;
	s3 =	smul.u32 $0x1800, s3  }
0xc: {  	s24 =	ssub.s32 s22, s9;
	[dreg:$0x4] =	wrdreg s1;
	s10 =	sor.u32 $0x3, s13  }
0xd: {  	s11 =	sadd.s32 $0x4, s13;
	s12 =	sadd.s32 $0x5, s13;
	s6 =	sor.u32 s6, s7  }
0xe: {  	s13 =	sadd.s32 $0x6, s13;
	s22 =	simm.s32 $0x3F80;
	s15 =	sshrl.u32 s6, $0x3  }
0xf: {  	s25 =	sor.u32 s3, s23;
	s23 =	simm.s32 $0x5780;
	s8 =	sadd.s32 s15, s0  }
0x10: {  	s7 =	sadd.s32 $0xC000, s25;
	s26 =	sshrl.u32 s25, $0x3;
	s14 =	sadd.s32 s14, s15  }
0x11: {  	s15 =	smax.u32 s24, $0x1;
	s24 =	simm.s32 $0x1;
	s25 =	simm.s32 $0x6F80  }
0x12: {  	s31 =	sshrl.u32 s7, $0x3;
	s6 =	sadd.s32 $0x800, s8;
	s7 =	sadd.s32 s4, s26  }
0x13: {  	s26 =	simm.s32 $0x2;
	s8 =	sadd.s32 s4, s31;
	s9 =	sadd.s32 $0x3000, s7  }
.LBB2_1:
0x14: {  	s0 =	rddreg [dreg:$0x4];
	s1 =	simm.s32 $0x200  }
0x15: {  	[tilespmem:s2], [sflag:$0x5] =	stream.strided.gather [hbm4b:s0+s16], $0x2780, s1, s16, $0x38;
	[tilespmem:$0x9F80] =	vst v63  }
0x16: {  	_ =	swait.ge [sflag:s18], $0x2780  }
0x17: {  	[sflag:s18] =	ssyncset.done $0x0  }
0x18: {  	[sflag:s18] =	ssyncadd.s32 $0xFFFFD880  }
0x19: {  	[tilespmem:s20], [sflag:$0x5] =	stream.strided.gather [hbm4b:s6+s16], $0x1800, s19, s16, $0x38;
	[tilespmem:$0x9F80] =	vst v63  }
0x1a: {  	_ =	swait.ge [sflag:s18], $0x1800  }
0x1b: {  	[sflag:s18] =	ssyncset.done $0x0  }
0x1c: {  	[sflag:s18] =	ssyncadd.s32 $0xFFFFE800  }
0x1d: {  	[tilespmem:s21], [sflag:$0x1] =	stream.linear.gather [hbm4b:s7+s2], $0x1800, $0x38;
	[tilespmem:$0x9F80] =	vst v63  }
0x1e: {  	_ = 	snop  }
0x1f: {  	[tilespmem:s22], [sflag:$0x2] =	stream.linear.gather [hbm4b:s8+s2], $0x1800, $0x38;
	[tilespmem:$0x9F80] =	vst v63  }
0x20: {  	s31 =	simm.s32 $0x0  }
0x21: {  	[tilespmem:s23], [sflag:$0x3] =	stream.linear.gather [hbm4b:s9+s2], $0x1800, $0x38;
	[tilespmem:$0x9F80] =	vst v63  }
.LBB2_2:
0x22: {  	s1 =	sshll.u32 s31, $0x2  }
0x23: {  	s0 =	sadd.s32 s1, s10  }
0x24: {  	s0 =	smul.u32 $0xC000, s0;
	_ =	sdelay $0x1  }
0x25: {  	_ =	swait.ge [sflag:s24], $0x1800;
	s0 =	sadd.s32 s3, s0  }
0x26: {  	[sflag:s24] =	ssyncset.done $0x0;
	s0 =	sshrl.u32 s0, $0x3  }
0x27: {  	s17 =	simm.s32 $0x27C0;
	[sflag:s24] =	ssyncadd.s32 $0xFFFFE800;
	s0 =	sadd.s32 s4, s0  }
0x28: {  	[tilespmem:s25], [sflag:$0x4] =	stream.linear.gather [hbm4b:s0+s2], $0x1800, $0x38;
	[tilespmem:$0x9F80] =	vst v63  }
0x29: {  	v0 =	vld [tilespmem:s17+$0x30]  }
0x2a: {  	v1 =	vld [tilespmem:s17+$0xFFFFFFD0]  }
0x2b: {  	v2 =	vld [tilespmem:s17+$0xFFFFFFE0]  }
0x2c: {  	v3 =	vld [tilespmem:s17+$0xFFFFFFF0]  }
0x2d: {  	v4 =	vld [tilespmem:s17+$0x0]  }
0x2e: {  	v5 =	vld [tilespmem:s17+$0x10]  }
0x2f: {  	v6 =	vld [tilespmem:s17+$0x20]  }
0x30: {  	s0 =	simm.s32 $0x87C0;
	v7 =	vld [tilespmem:s17+$0xFFFFFFC0]  }
0x31: {  	v8 =	vld [tilespmem:s0+$0x30]  }
0x32: {  	v13 =	vld [tilespmem:s0+$0xFFFFFFC0]  }
0x33: {  	v14 =	vld [tilespmem:s0+$0xFFFFFFD0]  }
0x34: {  	v0 =	vld.idx.msk [tilespmem:v0+s2+$0x0], $0xffff  }
0x35: {  	v1 =	vld.idx.msk [tilespmem:v1+s2+$0x0], $0xffff  }
0x36: {  	v2 =	vld.idx.msk [tilespmem:v2+s2+$0x0], $0xffff  }
0x37: {  	v3 =	vld.idx.msk [tilespmem:v3+s2+$0x0], $0xffff  }
0x38: {  	v9 =	vld.idx.msk [tilespmem:v4+s2+$0x0], $0xffff  }
0x39: {  	v11 =	vld.idx.msk [tilespmem:v5+s2+$0x0], $0xffff  }
0x3a: {  	v7 =	vld.idx.msk [tilespmem:v7+s2+$0x0], $0xffff  }
0x3b: {  	v13 =	vmul.f32 $9.899494640e-01, v13;
	v12 =	vld.idx.msk [tilespmem:v6+s2+$0x0], $0xffff  }
0x3c: {  	v10 =	vld [tilespmem:s0+$0xFFFFFFE0];
	v6 =	vmul.f32 $9.899494640e-01, v8;
	v0 =	vmul.f32 $1.414213630e-01, v0  }
0x3d: {  	v8 =	vld [tilespmem:s0+$0xFFFFFFF0];
	v5 =	vmul.f32 $1.414213630e-01, v1;
	v4 =	vmul.f32 $1.414213630e-01, v2  }
0x3e: {  	v3 =	vmul.f32 $1.414213630e-01, v3;
	v1 =	vmul.f32 $1.414213630e-01, v9;
	v9 =	vld [tilespmem:s0+$0x0];
	v15 =	vadd.f32 v6, v0  }
0x3f: {  	s5 =	simm.s32 $0x2840;
	v0 =	vmul.f32 $1.414213630e-01, v11;
	v11 =	vmul.f32 $1.414213630e-01, v7;
	v6 =	vld [tilespmem:s0+$0x10]  }
0x40: {  	s17 =	simm.s32 $0x0;
	v2 =	vmul.f32 $1.414213630e-01, v12;
	v12 =	vmul.f32 $9.899494640e-01, v14;
	v7 =	vld [tilespmem:s0+$0x20];
	[tilespmem:s0+$0x30] =	vst v15  }
.LBB2_3:
0x41: {  	v14 =	vld [tilespmem:s5+$0x30];
	s17 =	sadd.s32 $0x8, s17;
	v11 =	vadd.f32 v13, v11;
	v10 =	vmul.f32 $9.899494640e-01, v10  }
0x42: {  	v13 =	vld [tilespmem:s5+$0xFFFFFFD0];
	p0 =	slt.u32 s17, $0x178;
	v5 =	vadd.f32 v12, v5;
	v8 =	vmul.f32 $9.899494640e-01, v8  }
0x43: {  	v12 =	vld [tilespmem:s5+$0xFFFFFFE0];
	[tilespmem:s0+$0xFFFFFFC0] =	vst v11;
	v4 =	vadd.f32 v10, v4;
	v9 =	vmul.f32 $9.899494640e-01, v9  }
0x44: {  	v10 =	vld [tilespmem:s5+$0xFFFFFFF0];
	[tilespmem:s0+$0xFFFFFFD0] =	vst v5;
	v3 =	vadd.f32 v8, v3;
	v5 =	vmul.f32 $9.899494640e-01, v6  }
0x45: {  	v6 =	vld [tilespmem:s5+$0x0];
	[tilespmem:s0+$0xFFFFFFE0] =	vst v4;
	v1 =	vadd.f32 v9, v1;
	v4 =	vmul.f32 $9.899494640e-01, v7  }
0x46: {  	v7 =	vld [tilespmem:s5+$0x10];
	[tilespmem:s0+$0xFFFFFFF0] =	vst v3;
	v0 =	vadd.f32 v5, v0  }
0x47: {  	v3 =	vld [tilespmem:s5+$0x20];
	[tilespmem:s0+$0x0] =	vst v1;
	v1 =	vadd.f32 v4, v2  }
0x48: {  	v2 =	vld [tilespmem:s5+$0xFFFFFFC0];
	[tilespmem:s0+$0x10] =	vst v0  }
0x49: {  	v0 =	vld.idx.msk [tilespmem:v14+s2+$0x0], $0xffff;
	[tilespmem:s0+$0x20] =	vst v1;
	s0 =	sadd.s32 $0x80, s0  }
0x4a: {  	v1 =	vld [tilespmem:s0+$0x30]  }
0x4b: {  	v4 =	vld.idx.msk [tilespmem:v13+s2+$0x0], $0xffff  }
0x4c: {  	v8 =	vld.idx.msk [tilespmem:v12+s2+$0x0], $0xffff  }
0x4d: {  	v9 =	vld.idx.msk [tilespmem:v10+s2+$0x0], $0xffff  }
0x4e: {  	v6 =	vld.idx.msk [tilespmem:v6+s2+$0x0], $0xffff  }
0x4f: {  	v0 =	vmul.f32 $1.414213630e-01, v0;
	v7 =	vld.idx.msk [tilespmem:v7+s2+$0x0], $0xffff;
	v1 =	vmul.f32 $9.899494640e-01, v1  }
0x50: {  	v2 =	vld.idx.msk [tilespmem:v2+s2+$0x0], $0xffff  }
0x51: {  	v5 =	vmul.f32 $1.414213630e-01, v4;
	v12 =	vld.idx.msk [tilespmem:v3+s2+$0x0], $0xffff;
	v0 =	vadd.f32 v1, v0  }
0x52: {  	v4 =	vmul.f32 $1.414213630e-01, v8;
	v13 =	vld [tilespmem:s0+$0xFFFFFFC0]  }
0x53: {  	v3 =	vmul.f32 $1.414213630e-01, v9;
	v14 =	vld [tilespmem:s0+$0xFFFFFFD0];
	[tilespmem:s0+$0x30] =	vst v0  }
.Ltmp0:
0x54: {  	v1 =	vmul.f32 $1.414213630e-01, v6;
	v10 =	vld [tilespmem:s0+$0xFFFFFFE0];
	(pc) =	sbr.rel @p0 .LBB2_3-.Ltmp0, $4  }
0x55: {  	v0 =	vmul.f32 $1.414213630e-01, v7;
	v8 =	vld [tilespmem:s0+$0xFFFFFFF0]  }
0x56: {  	v11 =	vmul.f32 $1.414213630e-01, v2;
	v9 =	vld [tilespmem:s0+$0x0]  }
0x57: {  	v2 =	vmul.f32 $1.414213630e-01, v12;
	v13 =	vmul.f32 $9.899494640e-01, v13;
	v6 =	vld [tilespmem:s0+$0x10]  }
0x58: {  	s5 =	sadd.s32 $0x80, s5;
	v12 =	vmul.f32 $9.899494640e-01, v14;
	v7 =	vld [tilespmem:s0+$0x20]  }
0x59: {  	v11 =	vadd.f32 v13, v11;
	v10 =	vmul.f32 $9.899494640e-01, v10  }
0x5a: {  	v5 =	vadd.f32 v12, v5;
	v8 =	vmul.f32 $9.899494640e-01, v8  }
0x5b: {  	[tilespmem:s0+$0xFFFFFFC0] =	vst v11;
	v4 =	vadd.f32 v10, v4;
	v9 =	vmul.f32 $9.899494640e-01, v9  }
0x5c: {  	[tilespmem:s0+$0xFFFFFFD0] =	vst v5;
	v3 =	vadd.f32 v8, v3;
	v5 =	vmul.f32 $9.899494640e-01, v6  }
0x5d: {  	[tilespmem:s0+$0xFFFFFFE0] =	vst v4;
	v1 =	vadd.f32 v9, v1;
	v4 =	vmul.f32 $9.899494640e-01, v7  }
0x5e: {  	s5 =	sadd.s32 s1, s11;
	[tilespmem:s0+$0xFFFFFFF0] =	vst v3;
	v0 =	vadd.f32 v5, v0  }
0x5f: {  	s5 =	smin.u32 s5, $0x2CF;
	[tilespmem:s0+$0x0] =	vst v1;
	v1 =	vadd.f32 v4, v2  }
0x60: {  	s5 =	smul.u32 $0xC000, s5;
	[tilespmem:s0+$0x10] =	vst v0  }
0x61: {  	[tilespmem:s0+$0x20] =	vst v1  }
0x62: {  	s5 =	sadd.s32 s3, s5;
	_ =	swait.ge [sflag:s26], $0x1800  }
0x63: {  	s0 =	sshrl.u32 s5, $0x3;
	[sflag:s26] =	ssyncset.done $0x0  }
0x64: {  	s17 =	simm.s32 $0x3FF0;
	s0 =	sadd.s32 s4, s0;
	[sflag:s26] =	ssyncadd.s32 $0xFFFFE800  }
0x65: {  	[tilespmem:s21], [sflag:$0x1] =	stream.linear.gather [hbm4b:s0+s2], $0x1800, $0x38;
	[tilespmem:$0x9F80] =	vst v63  }
0x66: {  	v0 =	vld [tilespmem:s17+$0x0]  }
0x67: {  	v1 =	vld [tilespmem:s17+$0xFFFFFFA0]  }
0x68: {  	v2 =	vld [tilespmem:s17+$0xFFFFFFB0]  }
0x69: {  	v3 =	vld [tilespmem:s17+$0xFFFFFFC0]  }
0x6a: {  	v4 =	vld [tilespmem:s17+$0xFFFFFFD0]  }
0x6b: {  	v5 =	vld [tilespmem:s17+$0xFFFFFFE0]  }
0x6c: {  	v6 =	vld [tilespmem:s17+$0xFFFFFFF0]  }
0x6d: {  	s0 =	simm.s32 $0x87C0;
	v7 =	vld [tilespmem:s17+$0xFFFFFF90]  }
0x6e: {  	v8 =	vld [tilespmem:s0+$0x30]  }
0x6f: {  	v13 =	vld [tilespmem:s0+$0xFFFFFFC0]  }
0x70: {  	v14 =	vld [tilespmem:s0+$0xFFFFFFD0]  }
0x71: {  	v0 =	vld.idx.msk [tilespmem:v0+s2+$0x0], $0xffff  }
0x72: {  	v1 =	vld.idx.msk [tilespmem:v1+s2+$0x0], $0xffff  }
0x73: {  	v2 =	vld.idx.msk [tilespmem:v2+s2+$0x0], $0xffff  }
0x74: {  	v3 =	vld.idx.msk [tilespmem:v3+s2+$0x0], $0xffff  }
0x75: {  	v9 =	vld.idx.msk [tilespmem:v4+s2+$0x0], $0xffff  }
0x76: {  	v11 =	vld.idx.msk [tilespmem:v5+s2+$0x0], $0xffff  }
0x77: {  	v7 =	vld.idx.msk [tilespmem:v7+s2+$0x0], $0xffff  }
0x78: {  	v13 =	vmul.f32 $9.899494640e-01, v13;
	v12 =	vld.idx.msk [tilespmem:v6+s2+$0x0], $0xffff  }
0x79: {  	v10 =	vld [tilespmem:s0+$0xFFFFFFE0];
	v6 =	vmul.f32 $9.899494640e-01, v8;
	v0 =	vmul.f32 $1.414213630e-01, v0  }
0x7a: {  	v8 =	vld [tilespmem:s0+$0xFFFFFFF0];
	v5 =	vmul.f32 $1.414213630e-01, v1;
	v4 =	vmul.f32 $1.414213630e-01, v2  }
0x7b: {  	v3 =	vmul.f32 $1.414213630e-01, v3;
	v1 =	vmul.f32 $1.414213630e-01, v9;
	v9 =	vld [tilespmem:s0+$0x0];
	v15 =	vadd.f32 v6, v0  }
0x7c: {  	s5 =	simm.s32 $0x4070;
	v0 =	vmul.f32 $1.414213630e-01, v11;
	v11 =	vmul.f32 $1.414213630e-01, v7;
	v6 =	vld [tilespmem:s0+$0x10]  }
0x7d: {  	s17 =	simm.s32 $0x0;
	v2 =	vmul.f32 $1.414213630e-01, v12;
	v12 =	vmul.f32 $9.899494640e-01, v14;
	v7 =	vld [tilespmem:s0+$0x20];
	[tilespmem:s0+$0x30] =	vst v15  }
.LBB2_5:
0x7e: {  	v14 =	vld [tilespmem:s5+$0x0];
	s17 =	sadd.s32 $0x8, s17;
	v11 =	vadd.f32 v13, v11;
	v10 =	vmul.f32 $9.899494640e-01, v10  }
0x7f: {  	v13 =	vld [tilespmem:s5+$0xFFFFFFA0];
	p0 =	slt.u32 s17, $0x178;
	v5 =	vadd.f32 v12, v5;
	v8 =	vmul.f32 $9.899494640e-01, v8  }
0x80: {  	v12 =	vld [tilespmem:s5+$0xFFFFFFB0];
	[tilespmem:s0+$0xFFFFFFC0] =	vst v11;
	v4 =	vadd.f32 v10, v4;
	v9 =	vmul.f32 $9.899494640e-01, v9  }
0x81: {  	v10 =	vld [tilespmem:s5+$0xFFFFFFC0];
	[tilespmem:s0+$0xFFFFFFD0] =	vst v5;
	v3 =	vadd.f32 v8, v3;
	v5 =	vmul.f32 $9.899494640e-01, v6  }
0x82: {  	v6 =	vld [tilespmem:s5+$0xFFFFFFD0];
	[tilespmem:s0+$0xFFFFFFE0] =	vst v4;
	v1 =	vadd.f32 v9, v1;
	v4 =	vmul.f32 $9.899494640e-01, v7  }
0x83: {  	v7 =	vld [tilespmem:s5+$0xFFFFFFE0];
	[tilespmem:s0+$0xFFFFFFF0] =	vst v3;
	v0 =	vadd.f32 v5, v0  }
0x84: {  	v3 =	vld [tilespmem:s5+$0xFFFFFFF0];
	[tilespmem:s0+$0x0] =	vst v1;
	v1 =	vadd.f32 v4, v2  }
0x85: {  	v2 =	vld [tilespmem:s5+$0xFFFFFF90];
	[tilespmem:s0+$0x10] =	vst v0  }
0x86: {  	v0 =	vld.idx.msk [tilespmem:v14+s2+$0x0], $0xffff;
	[tilespmem:s0+$0x20] =	vst v1;
	s0 =	sadd.s32 $0x80, s0  }
0x87: {  	v1 =	vld [tilespmem:s0+$0x30]  }
0x88: {  	v4 =	vld.idx.msk [tilespmem:v13+s2+$0x0], $0xffff  }
0x89: {  	v8 =	vld.idx.msk [tilespmem:v12+s2+$0x0], $0xffff  }
0x8a: {  	v9 =	vld.idx.msk [tilespmem:v10+s2+$0x0], $0xffff  }
0x8b: {  	v6 =	vld.idx.msk [tilespmem:v6+s2+$0x0], $0xffff  }
0x8c: {  	v0 =	vmul.f32 $1.414213630e-01, v0;
	v7 =	vld.idx.msk [tilespmem:v7+s2+$0x0], $0xffff;
	v1 =	vmul.f32 $9.899494640e-01, v1  }
0x8d: {  	v2 =	vld.idx.msk [tilespmem:v2+s2+$0x0], $0xffff  }
0x8e: {  	v5 =	vmul.f32 $1.414213630e-01, v4;
	v12 =	vld.idx.msk [tilespmem:v3+s2+$0x0], $0xffff;
	v0 =	vadd.f32 v1, v0  }
0x8f: {  	v4 =	vmul.f32 $1.414213630e-01, v8;
	v13 =	vld [tilespmem:s0+$0xFFFFFFC0]  }
0x90: {  	v3 =	vmul.f32 $1.414213630e-01, v9;
	v14 =	vld [tilespmem:s0+$0xFFFFFFD0];
	[tilespmem:s0+$0x30] =	vst v0  }
.Ltmp1:
0x91: {  	v1 =	vmul.f32 $1.414213630e-01, v6;
	v10 =	vld [tilespmem:s0+$0xFFFFFFE0];
	(pc) =	sbr.rel @p0 .LBB2_5-.Ltmp1, $4  }
0x92: {  	v0 =	vmul.f32 $1.414213630e-01, v7;
	v8 =	vld [tilespmem:s0+$0xFFFFFFF0]  }
0x93: {  	v11 =	vmul.f32 $1.414213630e-01, v2;
	v9 =	vld [tilespmem:s0+$0x0]  }
0x94: {  	v2 =	vmul.f32 $1.414213630e-01, v12;
	v13 =	vmul.f32 $9.899494640e-01, v13;
	v6 =	vld [tilespmem:s0+$0x10]  }
0x95: {  	s5 =	sadd.s32 $0x80, s5;
	v12 =	vmul.f32 $9.899494640e-01, v14;
	v7 =	vld [tilespmem:s0+$0x20]  }
0x96: {  	v11 =	vadd.f32 v13, v11;
	v10 =	vmul.f32 $9.899494640e-01, v10  }
0x97: {  	v5 =	vadd.f32 v12, v5;
	v8 =	vmul.f32 $9.899494640e-01, v8  }
0x98: {  	[tilespmem:s0+$0xFFFFFFC0] =	vst v11;
	v4 =	vadd.f32 v10, v4;
	v9 =	vmul.f32 $9.899494640e-01, v9  }
0x99: {  	[tilespmem:s0+$0xFFFFFFD0] =	vst v5;
	v3 =	vadd.f32 v8, v3;
	v5 =	vmul.f32 $9.899494640e-01, v6  }
0x9a: {  	[tilespmem:s0+$0xFFFFFFE0] =	vst v4;
	v1 =	vadd.f32 v9, v1;
	v4 =	vmul.f32 $9.899494640e-01, v7  }
0x9b: {  	s5 =	sadd.s32 s1, s12;
	[tilespmem:s0+$0xFFFFFFF0] =	vst v3;
	v0 =	vadd.f32 v5, v0  }
0x9c: {  	s5 =	smin.u32 s5, $0x2CF;
	[tilespmem:s0+$0x0] =	vst v1;
	v1 =	vadd.f32 v4, v2  }
0x9d: {  	s5 =	smul.u32 $0xC000, s5;
	[tilespmem:s0+$0x10] =	vst v0  }
0x9e: {  	[tilespmem:s0+$0x20] =	vst v1  }
0x9f: {  	s5 =	sadd.s32 s3, s5;
	_ =	swait.ge [sflag:s28], $0x1800  }
0xa0: {  	s0 =	sshrl.u32 s5, $0x3;
	[sflag:s28] =	ssyncset.done $0x0  }
0xa1: {  	s17 =	simm.s32 $0x57F0;
	s0 =	sadd.s32 s4, s0;
	[sflag:s28] =	ssyncadd.s32 $0xFFFFE800  }
0xa2: {  	[tilespmem:s22], [sflag:$0x2] =	stream.linear.gather [hbm4b:s0+s2], $0x1800, $0x38;
	[tilespmem:$0x9F80] =	vst v63  }
0xa3: {  	v0 =	vld [tilespmem:s17+$0x0]  }
0xa4: {  	v1 =	vld [tilespmem:s17+$0xFFFFFFA0]  }
0xa5: {  	v2 =	vld [tilespmem:s17+$0xFFFFFFB0]  }
0xa6: {  	v3 =	vld [tilespmem:s17+$0xFFFFFFC0]  }
0xa7: {  	v4 =	vld [tilespmem:s17+$0xFFFFFFD0]  }
0xa8: {  	v5 =	vld [tilespmem:s17+$0xFFFFFFE0]  }
0xa9: {  	v6 =	vld [tilespmem:s17+$0xFFFFFFF0]  }
0xaa: {  	s0 =	simm.s32 $0x87C0;
	v7 =	vld [tilespmem:s17+$0xFFFFFF90]  }
0xab: {  	v8 =	vld [tilespmem:s0+$0x30]  }
0xac: {  	v13 =	vld [tilespmem:s0+$0xFFFFFFC0]  }
0xad: {  	v14 =	vld [tilespmem:s0+$0xFFFFFFD0]  }
0xae: {  	v0 =	vld.idx.msk [tilespmem:v0+s2+$0x0], $0xffff  }
0xaf: {  	v1 =	vld.idx.msk [tilespmem:v1+s2+$0x0], $0xffff  }
0xb0: {  	v2 =	vld.idx.msk [tilespmem:v2+s2+$0x0], $0xffff  }
0xb1: {  	v3 =	vld.idx.msk [tilespmem:v3+s2+$0x0], $0xffff  }
0xb2: {  	v9 =	vld.idx.msk [tilespmem:v4+s2+$0x0], $0xffff  }
0xb3: {  	v11 =	vld.idx.msk [tilespmem:v5+s2+$0x0], $0xffff  }
0xb4: {  	v7 =	vld.idx.msk [tilespmem:v7+s2+$0x0], $0xffff  }
0xb5: {  	v13 =	vmul.f32 $9.899494640e-01, v13;
	v12 =	vld.idx.msk [tilespmem:v6+s2+$0x0], $0xffff  }
0xb6: {  	v10 =	vld [tilespmem:s0+$0xFFFFFFE0];
	v6 =	vmul.f32 $9.899494640e-01, v8;
	v0 =	vmul.f32 $1.414213630e-01, v0  }
0xb7: {  	v8 =	vld [tilespmem:s0+$0xFFFFFFF0];
	v5 =	vmul.f32 $1.414213630e-01, v1;
	v4 =	vmul.f32 $1.414213630e-01, v2  }
0xb8: {  	v3 =	vmul.f32 $1.414213630e-01, v3;
	v1 =	vmul.f32 $1.414213630e-01, v9;
	v9 =	vld [tilespmem:s0+$0x0];
	v15 =	vadd.f32 v6, v0  }
0xb9: {  	s5 =	simm.s32 $0x5870;
	v0 =	vmul.f32 $1.414213630e-01, v11;
	v11 =	vmul.f32 $1.414213630e-01, v7;
	v6 =	vld [tilespmem:s0+$0x10]  }
0xba: {  	s17 =	simm.s32 $0x0;
	v2 =	vmul.f32 $1.414213630e-01, v12;
	v12 =	vmul.f32 $9.899494640e-01, v14;
	v7 =	vld [tilespmem:s0+$0x20];
	[tilespmem:s0+$0x30] =	vst v15  }
.LBB2_7:
0xbb: {  	v14 =	vld [tilespmem:s5+$0x0];
	s17 =	sadd.s32 $0x8, s17;
	v11 =	vadd.f32 v13, v11;
	v10 =	vmul.f32 $9.899494640e-01, v10  }
0xbc: {  	v13 =	vld [tilespmem:s5+$0xFFFFFFA0];
	p0 =	slt.u32 s17, $0x178;
	v5 =	vadd.f32 v12, v5;
	v8 =	vmul.f32 $9.899494640e-01, v8  }
0xbd: {  	v12 =	vld [tilespmem:s5+$0xFFFFFFB0];
	[tilespmem:s0+$0xFFFFFFC0] =	vst v11;
	v4 =	vadd.f32 v10, v4;
	v9 =	vmul.f32 $9.899494640e-01, v9  }
0xbe: {  	v10 =	vld [tilespmem:s5+$0xFFFFFFC0];
	[tilespmem:s0+$0xFFFFFFD0] =	vst v5;
	v3 =	vadd.f32 v8, v3;
	v5 =	vmul.f32 $9.899494640e-01, v6  }
0xbf: {  	v6 =	vld [tilespmem:s5+$0xFFFFFFD0];
	[tilespmem:s0+$0xFFFFFFE0] =	vst v4;
	v1 =	vadd.f32 v9, v1;
	v4 =	vmul.f32 $9.899494640e-01, v7  }
0xc0: {  	v7 =	vld [tilespmem:s5+$0xFFFFFFE0];
	[tilespmem:s0+$0xFFFFFFF0] =	vst v3;
	v0 =	vadd.f32 v5, v0  }
0xc1: {  	v3 =	vld [tilespmem:s5+$0xFFFFFFF0];
	[tilespmem:s0+$0x0] =	vst v1;
	v1 =	vadd.f32 v4, v2  }
0xc2: {  	v2 =	vld [tilespmem:s5+$0xFFFFFF90];
	[tilespmem:s0+$0x10] =	vst v0  }
0xc3: {  	v0 =	vld.idx.msk [tilespmem:v14+s2+$0x0], $0xffff;
	[tilespmem:s0+$0x20] =	vst v1;
	s0 =	sadd.s32 $0x80, s0  }
0xc4: {  	v1 =	vld [tilespmem:s0+$0x30]  }
0xc5: {  	v4 =	vld.idx.msk [tilespmem:v13+s2+$0x0], $0xffff  }
0xc6: {  	v8 =	vld.idx.msk [tilespmem:v12+s2+$0x0], $0xffff  }
0xc7: {  	v9 =	vld.idx.msk [tilespmem:v10+s2+$0x0], $0xffff  }
0xc8: {  	v6 =	vld.idx.msk [tilespmem:v6+s2+$0x0], $0xffff  }
0xc9: {  	v0 =	vmul.f32 $1.414213630e-01, v0;
	v7 =	vld.idx.msk [tilespmem:v7+s2+$0x0], $0xffff;
	v1 =	vmul.f32 $9.899494640e-01, v1  }
0xca: {  	v2 =	vld.idx.msk [tilespmem:v2+s2+$0x0], $0xffff  }
0xcb: {  	v5 =	vmul.f32 $1.414213630e-01, v4;
	v12 =	vld.idx.msk [tilespmem:v3+s2+$0x0], $0xffff;
	v0 =	vadd.f32 v1, v0  }
0xcc: {  	v4 =	vmul.f32 $1.414213630e-01, v8;
	v13 =	vld [tilespmem:s0+$0xFFFFFFC0]  }
0xcd: {  	v3 =	vmul.f32 $1.414213630e-01, v9;
	v14 =	vld [tilespmem:s0+$0xFFFFFFD0];
	[tilespmem:s0+$0x30] =	vst v0  }
.Ltmp2:
0xce: {  	v1 =	vmul.f32 $1.414213630e-01, v6;
	v10 =	vld [tilespmem:s0+$0xFFFFFFE0];
	(pc) =	sbr.rel @p0 .LBB2_7-.Ltmp2, $4  }
0xcf: {  	v0 =	vmul.f32 $1.414213630e-01, v7;
	v8 =	vld [tilespmem:s0+$0xFFFFFFF0]  }
0xd0: {  	v11 =	vmul.f32 $1.414213630e-01, v2;
	v9 =	vld [tilespmem:s0+$0x0]  }
0xd1: {  	v2 =	vmul.f32 $1.414213630e-01, v12;
	v13 =	vmul.f32 $9.899494640e-01, v13;
	v6 =	vld [tilespmem:s0+$0x10]  }
0xd2: {  	s5 =	sadd.s32 $0x80, s5;
	v12 =	vmul.f32 $9.899494640e-01, v14;
	v7 =	vld [tilespmem:s0+$0x20]  }
0xd3: {  	v11 =	vadd.f32 v13, v11;
	v10 =	vmul.f32 $9.899494640e-01, v10  }
0xd4: {  	v5 =	vadd.f32 v12, v5;
	v8 =	vmul.f32 $9.899494640e-01, v8  }
0xd5: {  	[tilespmem:s0+$0xFFFFFFC0] =	vst v11;
	v4 =	vadd.f32 v10, v4;
	v9 =	vmul.f32 $9.899494640e-01, v9  }
0xd6: {  	[tilespmem:s0+$0xFFFFFFD0] =	vst v5;
	v3 =	vadd.f32 v8, v3;
	v5 =	vmul.f32 $9.899494640e-01, v6  }
0xd7: {  	[tilespmem:s0+$0xFFFFFFE0] =	vst v4;
	v1 =	vadd.f32 v9, v1;
	v4 =	vmul.f32 $9.899494640e-01, v7  }
0xd8: {  	s1 =	sadd.s32 s1, s13;
	[tilespmem:s0+$0xFFFFFFF0] =	vst v3;
	v0 =	vadd.f32 v5, v0  }
0xd9: {  	s1 =	smin.u32 s1, $0x2CF;
	[tilespmem:s0+$0x0] =	vst v1;
	v1 =	vadd.f32 v4, v2  }
0xda: {  	s1 =	smul.u32 $0xC000, s1;
	[tilespmem:s0+$0x10] =	vst v0  }
0xdb: {  	[tilespmem:s0+$0x20] =	vst v1  }
0xdc: {  	s5 =	sadd.s32 s3, s1;
	_ =	swait.ge [sflag:s29], $0x1800  }
0xdd: {  	s17 =	simm.s32 $0x0;
	s0 =	sshrl.u32 s5, $0x3;
	[sflag:s29] =	ssyncset.done $0x0  }
0xde: {  	s1 =	simm.s32 $0x0;
	s0 =	sadd.s32 s4, s0;
	[sflag:s29] =	ssyncadd.s32 $0xFFFFE800  }
0xdf: {  	[tilespmem:s23], [sflag:$0x3] =	stream.linear.gather [hbm4b:s0+s17], $0x1800, $0x38;
	[tilespmem:$0x9F80] =	vst v63  }
0xe0: {  	v0 =	vld [tilespmem:s1+$0x6FF0]  }
0xe1: {  	v1 =	vld [tilespmem:s1+$0x6F80]  }
0xe2: {  	v2 =	vld [tilespmem:s1+$0x6F90]  }
0xe3: {  	v3 =	vld [tilespmem:s1+$0x6FA0]  }
0xe4: {  	v4 =	vld [tilespmem:s1+$0x6FB0]  }
0xe5: {  	v5 =	vld [tilespmem:s1+$0x6FC0]  }
0xe6: {  	v6 =	vld [tilespmem:s1+$0x6FD0]  }
0xe7: {  	v7 =	vld [tilespmem:s1+$0x6FE0]  }
0xe8: {  	v8 =	vld [tilespmem:s1+$0x87F0]  }
0xe9: {  	v12 =	vld [tilespmem:s1+$0x8790]  }
0xea: {  	v0 =	vld.idx.msk [tilespmem:v0+s2+$0x0], $0xffff  }
0xeb: {  	v1 =	vld.idx.msk [tilespmem:v1+s2+$0x0], $0xffff  }
0xec: {  	v2 =	vld.idx.msk [tilespmem:v2+s2+$0x0], $0xffff  }
0xed: {  	v9 =	vld.idx.msk [tilespmem:v3+s2+$0x0], $0xffff  }
0xee: {  	v4 =	vld.idx.msk [tilespmem:v4+s2+$0x0], $0xffff  }
0xef: {  	v10 =	vld.idx.msk [tilespmem:v5+s2+$0x0], $0xffff  }
0xf0: {  	v13 =	vld.idx.msk [tilespmem:v6+s2+$0x0], $0xffff  }
0xf1: {  	v14 =	vld.idx.msk [tilespmem:v7+s2+$0x0], $0xffff  }
0xf2: {  	v7 =	vld [tilespmem:s1+$0x8780];
	v5 =	vmul.f32 $9.899494640e-01, v8;
	v0 =	vmul.f32 $1.414213630e-01, v0  }
0xf3: {  	v11 =	vld [tilespmem:s1+$0x87A0];
	v3 =	vmul.f32 $1.414213630e-01, v1  }
0xf4: {  	v6 =	vmul.f32 $1.414213630e-01, v2;
	v0 =	vadd.f32 v5, v0;
	v5 =	vmul.f32 $1.414213630e-01, v9;
	v9 =	vld [tilespmem:s1+$0x87B0]  }
0xf5: {  	v4 =	vmul.f32 $1.414213630e-01, v4;
	v2 =	vmul.f32 $1.414213630e-01, v10;
	v10 =	vld [tilespmem:s1+$0x87C0]  }
0xf6: {  	s0 =	simm.s32 $0x0;
	s17 =	simm.s32 $0x200;
	v8 =	vld [tilespmem:s1+$0x87D0];
	v1 =	vmul.f32 $1.414213630e-01, v13;
	[tilespmem:s1+$0x87F0] =	vst v0;
	v0 =	vmul.f32 $1.414213630e-01, v14  }
.LBB2_9:
0xf7: {  	s5 =	sshra.s32 s17, $0x2;
	s0 =	sadd.s32 $0x8, s0;
	v7 =	vmul.f32 $9.899494640e-01, v7;
	v12 =	vmul.f32 $9.899494640e-01, v12;
	v13 =	vld [tilespmem:s1+$0x87E0]  }
0xf8: {  	v14 =	vld [tilespmem:s5+$0x6FF0];
	p0 =	slt.u32 s0, $0x178;
	v11 =	vmul.f32 $9.899494640e-01, v11  }
0xf9: {  	v15 =	vld [tilespmem:s5+$0x6F80];
	v3 =	vadd.f32 v7, v3;
	v6 =	vadd.f32 v12, v6;
	v7 =	vmul.f32 $9.899494640e-01, v9  }
0xfa: {  	v9 =	vld [tilespmem:s5+$0x6F90];
	v5 =	vadd.f32 v11, v5;
	v10 =	vmul.f32 $9.899494640e-01, v10  }
0xfb: {  	v11 =	vld [tilespmem:s5+$0x6FA0];
	[tilespmem:s1+$0x8780] =	vst v3;
	v3 =	vadd.f32 v7, v4;
	v4 =	vmul.f32 $9.899494640e-01, v8  }
0xfc: {  	v7 =	vld [tilespmem:s5+$0x6FB0];
	[tilespmem:s1+$0x8790] =	vst v6;
	v2 =	vadd.f32 v10, v2;
	v6 =	vmul.f32 $9.899494640e-01, v13  }
0xfd: {  	v8 =	vld [tilespmem:s5+$0x6FC0];
	[tilespmem:s1+$0x87A0] =	vst v5;
	v1 =	vadd.f32 v4, v1  }
0xfe: {  	v4 =	vld [tilespmem:s5+$0x6FD0];
	[tilespmem:s1+$0x87B0] =	vst v3;
	v0 =	vadd.f32 v6, v0  }
0xff: {  	v5 =	vld [tilespmem:s5+$0x6FE0];
	[tilespmem:s1+$0x87C0] =	vst v2  }
0x100: {  	v2 =	vld.idx.msk [tilespmem:v14+s2+$0x0], $0xffff;
	[tilespmem:s1+$0x87D0] =	vst v1  }
0x101: {  	v1 =	vld [tilespmem:s5+$0x87F0];
	[tilespmem:s1+$0x87E0] =	vst v0;
	s1 =	smov.u32 s5  }
0x102: {  	v0 =	vld.idx.msk [tilespmem:v15+s2+$0x0], $0xffff  }
0x103: {  	v6 =	vld.idx.msk [tilespmem:v9+s2+$0x0], $0xffff  }
0x104: {  	v9 =	vld.idx.msk [tilespmem:v11+s2+$0x0], $0xffff  }
0x105: {  	v10 =	vld.idx.msk [tilespmem:v7+s2+$0x0], $0xffff  }
0x106: {  	v2 =	vmul.f32 $1.414213630e-01, v2;
	v8 =	vld.idx.msk [tilespmem:v8+s2+$0x0], $0xffff;
	v1 =	vmul.f32 $9.899494640e-01, v1  }
0x107: {  	v13 =	vld.idx.msk [tilespmem:v4+s2+$0x0], $0xffff  }
0x108: {  	v3 =	vmul.f32 $1.414213630e-01, v0;
	v0 =	vld.idx.msk [tilespmem:v5+s2+$0x0], $0xffff;
	v1 =	vadd.f32 v1, v2  }
0x109: {  	v6 =	vmul.f32 $1.414213630e-01, v6;
	v7 =	vld [tilespmem:s1+$0x8780]  }
.Ltmp3:
0x10a: {  	v5 =	vmul.f32 $1.414213630e-01, v9;
	v12 =	vld [tilespmem:s1+$0x8790];
	[tilespmem:s1+$0x87F0] =	vst v1;
	(pc) =	sbr.rel @p0 .LBB2_9-.Ltmp3, $4  }
0x10b: {  	v4 =	vmul.f32 $1.414213630e-01, v10;
	v11 =	vld [tilespmem:s1+$0x87A0]  }
0x10c: {  	v2 =	vmul.f32 $1.414213630e-01, v8;
	v9 =	vld [tilespmem:s1+$0x87B0]  }
0x10d: {  	v1 =	vmul.f32 $1.414213630e-01, v13;
	v10 =	vld [tilespmem:s1+$0x87C0]  }
0x10e: {  	s17 =	sadd.s32 $0x200, s17;
	v0 =	vmul.f32 $1.414213630e-01, v0;
	v8 =	vld [tilespmem:s1+$0x87D0]  }
0x10f: {  	v7 =	vmul.f32 $9.899494640e-01, v7  }
0x110: {  	v12 =	vmul.f32 $9.899494640e-01, v12;
	v13 =	vld [tilespmem:s1+$0x87E0]  }
0x111: {  	v11 =	vmul.f32 $9.899494640e-01, v11;
	v3 =	vadd.f32 v7, v3  }
0x112: {  	v6 =	vadd.f32 v12, v6;
	v59 =	vmul.f32 $9.899494640e-01, v9  }
0x113: {  	s31 =	sadd.s32 $0x1, s31;
	v5 =	vadd.f32 v11, v5;
	v60 =	vmul.f32 $9.899494640e-01, v10;
	[tilespmem:s1+$0x8780] =	vst v3  }
0x114: {  	p0 =	sne.s32 s31, $0x2D;
	v61 =	vadd.f32 v59, v4;
	v62 =	vmul.f32 $9.899494640e-01, v8;
	[tilespmem:s1+$0x8790] =	vst v6  }
.Ltmp4:
0x115: {  	v2 =	vadd.f32 v60, v2;
	v63 =	vmul.f32 $9.899494640e-01, v13;
	[tilespmem:s1+$0x87A0] =	vst v5;
	(pc) =	sbr.rel @p0 .LBB2_2-.Ltmp4, $4  }
0x116: {  	v1 =	vadd.f32 v62, v1;
	[tilespmem:s1+$0x87B0] =	vst v61  }
0x117: {  	v0 =	vadd.f32 v63, v0;
	[tilespmem:s1+$0x87C0] =	vst v2  }
0x118: {  	[tilespmem:s1+$0x87D0] =	vst v1  }
0x119: {  	[tilespmem:s1+$0x87E0] =	vst v0  }
0x11a: {  	_ =	swait.ge [sflag:s24], $0x1800  }
0x11b: {  	[sflag:s24] =	ssyncset.done $0x0  }
0x11c: {  	[sflag:s24] =	ssyncadd.s32 $0xFFFFE800  }
0x11d: {  	_ =	swait.ge [sflag:s26], $0x1800  }
0x11e: {  	[sflag:s26] =	ssyncset.done $0x0  }
0x11f: {  	[sflag:s26] =	ssyncadd.s32 $0xFFFFE800  }
0x120: {  	s30 =	sadd.s32 $0x1, s30;
	_ =	swait.ge [sflag:s28], $0x1800  }
0x121: {  	p0 =	sne.s32 s30, s15;
	[sflag:s28] =	ssyncset.done $0x0  }
.Ltmp5:
0x122: {  	[sflag:s28] =	ssyncadd.s32 $0xFFFFE800;
	(pc) =	sbr.rel @p0 .LBB2_1-.Ltmp5, $4  }
0x123: {  	[hbm4b:s14+s16] =	stream.strided.scatter [tilespmem:s20], [sflag:$0x5], $0x1800, s19, s16, $0x38;
	[tilespmem:$0x9F80] =	vst v63  }
0x124: {  	_ =	swait.ge [sflag:s18], $0x1800  }
0x125: {  	[sflag:s18] =	ssyncset.done $0x0  }
0x126: {  	[sflag:s18] =	ssyncadd.s32 $0xFFFFE800  }
0x127: {  	_ =	sfence.sel $0x180000  }
0x128: {  	[bflag:$0x0] =	sbarrier.arrive $0xFFFF  }
0x129: {  	_ =	strace $0x9000004A  }
0x12a: {  	s0 =	stileid.u32;
	[bflag:$0x2] =	sbarrier.arrive $0xFFFF  }
0x12b: {  	p0 =	sne.s32 s0, $0x0;
	s0 =	rddreg [dreg:$0x3]  }
0x12c: {  	s0 =	sadd.s32 @!p0 $0x100000, s0  }
0x12d: {  	[sflag:s0] =	ssyncadd.tile.s32 @!p0 $0x1;
	_ =	shalt  }
.Lfunc_end2:
_tile_overlayer_lowered:
.L_overlay_start_2:
0x12e: {  	(tag) =	ssettag $0x2  }
0x12f: {  	s0 =	rddreg [dreg:$0x0];
	s2 =	stileid.u32  }
0x130: {  	s1 =	rddreg [dreg:$0x1];
	p0 =	sne.s32 s2, $0x0  }
0x131: {  	s3 =	rddreg [dreg:$0x2];
	[bflag:$0x3] =	sbarrier.arrive $0xFFFF;
	s2 =	simm.s32 @!p0 $0x1C05  }
0x132: {  	[timem:s3], [sflag:s2] =	dma.local @!p0 [hbm:s0], s1  }
0x133: {  	s0 =	simm.s32 @!p0 $0x5  }
0x134: {  	_ =	swait.ge @!p0 [sflag:s0], s1  }
0x135: {  	s1 =	ssub.s32 @!p0 $0x0, s1;
	[sflag:s0] =	ssyncset.done @!p0 $0x0  }
0x136: {  	[sflag:s0] =	ssyncadd.s32 @!p0 s1  }
0x137: {  	[bflag:$0x3] =	sbarrier.arrive $0xFFFF  }
0x138: {  	_ =	shalt  }

</sc_bundles>
